<compile_context>
chip_gen: v7x
topology: tpu7x:2x2x1
jax: 0.10.2.dev20260603
libtpu: 0.0.44.dev20260713+nightly
codegen_flags: <defaults>
</compile_context>

<pallas_src>
import functools

import jax
import jax.numpy as jnp
from jax import lax
from jax.experimental import pallas as pl
from jax.experimental.pallas import tpu as pltpu
from jax.experimental.pallas import tpu_sc as plsc

L = 16
NW = 32
CHUNK = 32


def _gather_max_kernel(n_pos, bc, bc_pad, k, table_hbm, idx_hbm, out_hbm,
                       idx_v, rows0, rows1, out0, out1,
                       gsem0, gsem1, osem0, osem1):
    nc = 2
    wid = lax.axis_index("s") * nc + lax.axis_index("c")
    n_per = n_pos // NW
    cw = CHUNK * k
    n_chunks = n_per // CHUNK
    base = wid * n_per

    rows = (rows0, rows1)
    outs = (out0, out1)
    gsems = (gsem0, gsem1)
    osems = (osem0, osem1)

    pltpu.sync_copy(idx_hbm.at[pl.ds(base * k, n_per * k)], idx_v)

    def gather_start(c, b):
        pltpu.async_copy(table_hbm.at[idx_v.at[pl.ds(c * cw, cw)]],
                         rows[b], gsems[b])

    def gather_wait(c, b):
        pltpu.make_async_copy(table_hbm.at[idx_v.at[pl.ds(c * cw, cw)]],
                              rows[b], gsems[b]).wait()

    for b in range(2):
        gather_start(b, b)

    def half(it, b):
        c = 2 * it + b
        gather_wait(c, b)

        @pl.when(it > 0)
        def _():
            pltpu.make_async_copy(
                outs[b], out_hbm.at[pl.ds(base, CHUNK)], osems[b]).wait()

        def pos_body(i, _):
            for j in range(bc // L):
                sl = pl.ds(j * L, L)
                m0 = jnp.maximum(rows[b][k * i, sl], rows[b][k * i + 1, sl])
                m1 = jnp.maximum(rows[b][k * i + 2, sl], rows[b][k * i + 3, sl])
                outs[b][i, sl] = jnp.maximum(m0, m1)
            return 0

        lax.fori_loop(0, CHUNK, pos_body, 0)

        pltpu.async_copy(outs[b],
                         out_hbm.at[pl.ds(base + c * CHUNK, CHUNK)], osems[b])
        cn = jnp.minimum(c + 2, n_chunks - 1)
        gather_start(cn, b)

    def step(it, _):
        half(it, 0)
        half(it, 1)
        return 0

    lax.fori_loop(0, n_chunks // 2, step, 0)

    for b in range(2):
        gather_wait(n_chunks - 1, b)
        pltpu.make_async_copy(
            outs[b], out_hbm.at[pl.ds(base, CHUNK)], osems[b]).wait()


def _gather_max(table, idx, n_pos, bc, bc_pad, k):
    mesh = plsc.VectorSubcoreMesh(core_axis_name="c", subcore_axis_name="s")
    n_per = n_pos // NW
    kern = pl.kernel(
        functools.partial(_gather_max_kernel, n_pos, bc, bc_pad, k),
        out_type=jax.ShapeDtypeStruct((n_pos, bc), jnp.float32),
        mesh=mesh,
        scratch_types=[
            pltpu.VMEM((n_per * k,), jnp.int32),
            pltpu.VMEM((CHUNK * k, bc_pad), jnp.float32),
            pltpu.VMEM((CHUNK * k, bc_pad), jnp.float32),
            pltpu.VMEM((CHUNK, bc), jnp.float32),
            pltpu.VMEM((CHUNK, bc), jnp.float32),
            pltpu.SemaphoreType.DMA,
            pltpu.SemaphoreType.DMA,
            pltpu.SemaphoreType.DMA,
            pltpu.SemaphoreType.DMA,
        ],
        compiler_params=pltpu.CompilerParams(use_tc_tiling_on_sc=True),
    )
    return kern(table, idx)


def _transpose_pad_kernel(bc, bcp, hblk, w, in_ref, out_ref):
    for hh in range(hblk):
        s = in_ref[:, hh, :]
        out_ref[hh, :, :bc] = jnp.swapaxes(s, 0, 1)
        out_ref[hh, :, bc:] = jnp.zeros((w, bcp - bc), jnp.float32)


def _transpose_pad(x, bc, h, w, bcp):
    hblk = 16
    out = pl.pallas_call(
        functools.partial(_transpose_pad_kernel, bc, bcp, hblk, w),
        grid=(h // hblk,),
        in_specs=[pl.BlockSpec((bc, hblk, w), lambda g: (0, g, 0))],
        out_specs=pl.BlockSpec((hblk, w, bcp), lambda g: (g, 0, 0)),
        out_shape=jax.ShapeDtypeStruct((h, w, bcp), jnp.float32),
    )(x.reshape(bc, h, w))
    return out.reshape(h * w, bcp)


def _out_t_kernel(bc, hblk, ow, in_ref, out_ref):
    for hh in range(hblk):
        s = in_ref[hh]
        out_ref[:, hh, :] = jnp.swapaxes(s, 0, 1)


def _out_transpose(p, bc, oh, ow):
    hblk = 32
    return pl.pallas_call(
        functools.partial(_out_t_kernel, bc, hblk, ow),
        grid=(oh // hblk,),
        in_specs=[pl.BlockSpec((hblk, ow, bc), lambda g: (g, 0, 0))],
        out_specs=pl.BlockSpec((bc, hblk, ow), lambda g: (0, g, 0)),
        out_shape=jax.ShapeDtypeStruct((bc, oh, ow), jnp.float32),
    )(p.reshape(oh, ow, bc))


def kernel(x, sample_map):
    B, C, H, W = x.shape
    OH, OW, K, _ = sample_map.shape
    BC = B * C
    N = OH * OW

    coords = jnp.round(sample_map).astype(jnp.int32)
    cx = jnp.clip(coords[..., 0], 0, W - 1)
    cy = jnp.clip(coords[..., 1], 0, H - 1)
    flat = (cy * W + cx).reshape(N * K)

    BCP = 256
    table = _transpose_pad(x, BC, H, W, BCP)
    pooled_t = _gather_max(table, flat, N, BC, BCP, K)
    return _out_transpose(pooled_t, BC, OH, OW).reshape(B, C, OH, OW)

# --- scband reference (transcript-rebuilt; emitter-appended) ---
"""Pipeline reference for scband-mapped-max-pool-34282428956676 (READ-ONLY COPY).

The authoritative reference and input builder live on the scoring server;
editing this copy changes nothing except your own understanding.
"""

import jax, jax.numpy as jnp
import numpy as np


def setup_inputs(seed: int = 0) -> dict:
    key = jax.random.key(seed)
    k1, k2 = jax.random.split(key)
    x = jax.random.normal(k1, (2, 96, 512, 512), dtype=jnp.float32)
    # sample_map holds (x, y) float coordinates into the input plane, shape [OH, OW, K, 2]
    sample_map = jax.random.uniform(k2, (256, 256, 4, 2), dtype=jnp.float32) * 511.0
    return {"x": x, "sample_map": sample_map}


def reference(x, sample_map):
    # MappedMaxPool with nearest interpolation (interp=0):
    # for each output location, gather kernel_size sampled input pixels
    # (nearest-neighbor rounding of the sample_map coords) and take the max.
    B, C, H, W = x.shape
    coords = jnp.round(sample_map).astype(jnp.int32)  # [OH, OW, K, 2] as (x, y)
    cx = jnp.clip(coords[..., 0], 0, W - 1)
    cy = jnp.clip(coords[..., 1], 0, H - 1)
    flat = cy * W + cx  # [OH, OW, K] linear indices into H*W
    xf = x.reshape(B, C, H * W)
    gathered = jnp.take(xf, flat, axis=2)  # [B, C, OH, OW, K]
    pooled = jnp.max(gathered, axis=-1)    # [B, C, OH, OW]
    return pooled

if __name__ == "__main__":
    import jax
    _d = setup_inputs()
    print(jax.jit(kernel)(*tuple(_d.values())))

</pallas_src>

<mosaic_0001>
#map = affine_map<(d0, d1) -> (0, 0)>
#map1 = affine_map<(d0, d1) -> (0)>
module attributes {stable_mosaic.version = 14 : i64} {
  func.func @_gather_max_kernel(%arg0: i32, %arg1: i32, %arg2: memref<262144x256xf32, #tpu.memory_space<hbm>>, %arg3: memref<262144xi32, #tpu.memory_space<hbm>>, %arg4: memref<65536x192xf32, #tpu.memory_space<hbm>>, %arg5: memref<8192xi32, #tpu.memory_space<vmem>>, %arg6: memref<128x256xf32, #tpu.memory_space<vmem>>, %arg7: memref<128x256xf32, #tpu.memory_space<vmem>>, %arg8: memref<32x192xf32, #tpu.memory_space<vmem>>, %arg9: memref<32x192xf32, #tpu.memory_space<vmem>>, %arg10: memref<!tpu.dma_semaphore, #tpu.memory_space<semaphore_mem>>, %arg11: memref<!tpu.dma_semaphore, #tpu.memory_space<semaphore_mem>>, %arg12: memref<!tpu.dma_semaphore, #tpu.memory_space<semaphore_mem>>, %arg13: memref<!tpu.dma_semaphore, #tpu.memory_space<semaphore_mem>>) attributes {dimension_semantics = [#tpu.dimension_semantics<core_parallel>, #tpu.dimension_semantics<subcore_parallel>], iteration_bounds = array<i64: 2, 16>, scalar_prefetch = 0 : i64, scratch_operands = 9 : i64, tpu.core_type = #tpu.core_type<sc_vector_subcore>, window_params = [{transform_indices = #map}, {transform_indices = #map1}, {transform_indices = #map}]} {
    %mul3A = arith.constant 2 : i32
    %mul3A_0 = arith.muli %arg1, %mul3A : i32
    %add3A = arith.addi %mul3A_0, %arg0 : i32
    %mul3A_1 = arith.constant 2048 : i32
    %mul3A_2 = arith.muli %add3A, %mul3A_1 : i32
    %mul3A_3 = arith.constant 4 : i32
    %mul3A_4 = arith.muli %mul3A_2, %mul3A_3 : i32
    "tpu.region"() ({
      %run_scoped3A = tpu.sem_alloc : memref<!tpu.dma_semaphore, #tpu.memory_space<semaphore_mem>>
      %dma_start3A_37 = tpu.memref_slice %arg3[%mul3A_4] : memref<262144xi32, #tpu.memory_space<hbm>> -> memref<8192xi32, #tpu.memory_space<hbm>>
      %dma_start3A_38 = tpu.memref_slice %arg3[%mul3A_4] : memref<262144xi32, #tpu.memory_space<hbm>> -> memref<8192xi32, #tpu.memory_space<hbm>>
      tpu.enqueue_dma source(%dma_start3A_38 : memref<8192xi32, #tpu.memory_space<hbm>>) target(%arg5 : memref<8192xi32, #tpu.memory_space<vmem>>) target_semaphore(%run_scoped3A : memref<!tpu.dma_semaphore, #tpu.memory_space<semaphore_mem>>)
      %dma_wait3A_39 = tpu.memref_slice %arg3[%mul3A_4] : memref<262144xi32, #tpu.memory_space<hbm>> -> memref<8192xi32, #tpu.memory_space<hbm>>
      %dma_wait3A_40 = tpu.memref_slice %arg3[%mul3A_4] : memref<262144xi32, #tpu.memory_space<hbm>> -> memref<8192xi32, #tpu.memory_space<hbm>>
      tpu.wait_dma2 semaphore(%run_scoped3A : memref<!tpu.dma_semaphore, #tpu.memory_space<semaphore_mem>>) src(%dma_wait3A_40 : memref<8192xi32, #tpu.memory_space<hbm>>) dst(%arg5 : memref<8192xi32, #tpu.memory_space<vmem>>)
      tpu.yield
    }) : () -> ()
    %dma_start3A = arith.constant 0 : i32
    %dma_start3A_5 = tpu.memref_slice %arg5[%dma_start3A] : memref<8192xi32, #tpu.memory_space<vmem>> -> memref<128xi32, #tpu.memory_space<vmem>>
    %dma_start3A_6 = arith.constant 0 : i32
    %dma_start3A_7 = arith.constant 0 : i32
    %dma_start3A_8 = tpu.memref_slice %arg2[%dma_start3A_6, %dma_start3A_7] : memref<262144x256xf32, #tpu.memory_space<hbm>> -> memref<262144x256xf32, #tpu.memory_space<hbm>>
    tpu.enqueue_indirect_dma source(%dma_start3A_8 : memref<262144x256xf32, #tpu.memory_space<hbm>>) target(%arg6 : memref<128x256xf32, #tpu.memory_space<vmem>>) offsets(%dma_start3A_5 : memref<128xi32, #tpu.memory_space<vmem>>) semaphore(%arg10 : memref<!tpu.dma_semaphore, #tpu.memory_space<semaphore_mem>>)
    %dma_start3A_9 = arith.constant 128 : i32
    %dma_start3A_10 = tpu.memref_slice %arg5[%dma_start3A_9] : memref<8192xi32, #tpu.memory_space<vmem>> -> memref<128xi32, #tpu.memory_space<vmem>>
    %dma_start3A_11 = arith.constant 0 : i32
    %dma_start3A_12 = arith.constant 0 : i32
    %dma_start3A_13 = tpu.memref_slice %arg2[%dma_start3A_11, %dma_start3A_12] : memref<262144x256xf32, #tpu.memory_space<hbm>> -> memref<262144x256xf32, #tpu.memory_space<hbm>>
    tpu.enqueue_indirect_dma source(%dma_start3A_13 : memref<262144x256xf32, #tpu.memory_space<hbm>>) target(%arg7 : memref<128x256xf32, #tpu.memory_space<vmem>>) offsets(%dma_start3A_10 : memref<128xi32, #tpu.memory_space<vmem>>) semaphore(%arg11 : memref<!tpu.dma_semaphore, #tpu.memory_space<semaphore_mem>>)
    %scan3A = arith.constant 0 : i32
    %scan3A_14 = arith.constant 0 : i32
    %scan3A_15 = arith.constant 32 : i32
    %scan3A_16 = arith.addi %scan3A_14, %scan3A_15 : i32
    %scan3A_17 = arith.constant 1 : i32
    %scan3A_18 = scf.for %scan3A_37 = %scan3A_14 to %scan3A_16 step %scan3A_17 iter_args(%scan3A_38 = %scan3A) -> (i32)  : i32 {
      %mul3A_39 = arith.constant 2 : i32
      %mul3A_40 = arith.muli %mul3A_39, %scan3A_37 : i32
      %add3A_41 = arith.constant 0 : i32
      %add3A_42 = arith.addi %mul3A_40, %add3A_41 : i32
      %mul3A_43 = arith.constant 128 : i32
      %mul3A_44 = arith.muli %add3A_42, %mul3A_43 : i32
      %dma_wait3A_45 = tpu.memref_slice %arg5[%mul3A_44] : memref<8192xi32, #tpu.memory_space<vmem>> -> memref<128xi32, #tpu.memory_space<vmem>>
      %dma_wait3A_46 = arith.constant 0 : i32
      %dma_wait3A_47 = arith.constant 0 : i32
      %dma_wait3A_48 = tpu.memref_slice %arg2[%dma_wait3A_46, %dma_wait3A_47] : memref<262144x256xf32, #tpu.memory_space<hbm>> -> memref<262144x256xf32, #tpu.memory_space<hbm>>
      tpu.wait_indirect_dma semaphore(%arg10 : memref<!tpu.dma_semaphore, #tpu.memory_space<semaphore_mem>>) src(%dma_wait3A_48 : memref<262144x256xf32, #tpu.memory_space<hbm>>) dst(%arg6 : memref<128x256xf32, #tpu.memory_space<vmem>>)
      %gt3A = arith.constant 0 : i32
      %gt3A_49 = arith.cmpi sgt, %scan3A_37, %gt3A : i32
      %convert_element_type3A = arith.extui %gt3A_49 : i1 to i32
      %cond3A = arith.constant 0 : i32
      %cond3A_50 = arith.cmpi ne, %convert_element_type3A, %cond3A : i32
      scf.if %cond3A_50 {
        %dma_wait3A_114 = arith.constant 0 : i32
        %dma_wait3A_115 = tpu.memref_slice %arg4[%mul3A_2, %dma_wait3A_114] : memref<65536x192xf32, #tpu.memory_space<hbm>> -> memref<32x192xf32, #tpu.memory_space<hbm>>
        %dma_wait3A_116 = arith.constant 0 : i32
        %dma_wait3A_117 = tpu.memref_slice %arg4[%mul3A_2, %dma_wait3A_116] : memref<65536x192xf32, #tpu.memory_space<hbm>> -> memref<32x192xf32, #tpu.memory_space<hbm>>
        tpu.wait_dma2 semaphore(%arg12 : memref<!tpu.dma_semaphore, #tpu.memory_space<semaphore_mem>>) src(%arg8 : memref<32x192xf32, #tpu.memory_space<vmem>>) dst(%dma_wait3A_117 : memref<32x192xf32, #tpu.memory_space<hbm>>)
      } else {
      }
      %scan3A_51 = arith.constant 0 : i32
      %scan3A_52 = arith.constant 0 : i32
      %scan3A_53 = arith.constant 32 : i32
      %scan3A_54 = arith.addi %scan3A_52, %scan3A_53 : i32
      %scan3A_55 = arith.constant 1 : i32
      %scan3A_56 = scf.for %scan3A_114 = %scan3A_52 to %scan3A_54 step %scan3A_55 iter_args(%scan3A_115 = %scan3A_51) -> (i32)  : i32 {
        %mul3A_116 = arith.constant 4 : i32
        %mul3A_117 = arith.muli %mul3A_116, %scan3A_114 : i32
        %get3A = arith.index_cast %mul3A_117 : i32 to index
        %get3A_118 = arith.constant 0 : index
        %get3A_119 = tpu.vector_load %arg6[%get3A, %get3A_118] {strides = array<i32>} : memref<128x256xf32, #tpu.memory_space<vmem>>, vector<1x16xf32>,
        %get3A_120 = vector.shape_cast %get3A_119 : vector<1x16xf32> to vector<16xf32>
        %mul3A_121 = arith.constant 4 : i32
        %mul3A_122 = arith.muli %mul3A_121, %scan3A_114 : i32
        %add3A_123 = arith.constant 1 : i32
        %add3A_124 = arith.addi %mul3A_122, %add3A_123 : i32
        %get3A_125 = arith.index_cast %add3A_124 : i32 to index
        %get3A_126 = arith.constant 0 : index
        %get3A_127 = tpu.vector_load %arg6[%get3A_125, %get3A_126] {strides = array<i32>} : memref<128x256xf32, #tpu.memory_space<vmem>>, vector<1x16xf32>,
        %get3A_128 = vector.shape_cast %get3A_127 : vector<1x16xf32> to vector<16xf32>
        %max3A = arith.maximumf %get3A_120, %get3A_128 : vector<16xf32>
        %mul3A_129 = arith.constant 4 : i32
        %mul3A_130 = arith.muli %mul3A_129, %scan3A_114 : i32
        %add3A_131 = arith.constant 2 : i32
        %add3A_132 = arith.addi %mul3A_130, %add3A_131 : i32
        %get3A_133 = arith.index_cast %add3A_132 : i32 to index
        %get3A_134 = arith.constant 0 : index
        %get3A_135 = tpu.vector_load %arg6[%get3A_133, %get3A_134] {strides = array<i32>} : memref<128x256xf32, #tpu.memory_space<vmem>>, vector<1x16xf32>,
        %get3A_136 = vector.shape_cast %get3A_135 : vector<1x16xf32> to vector<16xf32>
        %mul3A_137 = arith.constant 4 : i32
        %mul3A_138 = arith.muli %mul3A_137, %scan3A_114 : i32
        %add3A_139 = arith.constant 3 : i32
        %add3A_140 = arith.addi %mul3A_138, %add3A_139 : i32
        %get3A_141 = arith.index_cast %add3A_140 : i32 to index
        %get3A_142 = arith.constant 0 : index
        %get3A_143 = tpu.vector_load %arg6[%get3A_141, %get3A_142] {strides = array<i32>} : memref<128x256xf32, #tpu.memory_space<vmem>>, vector<1x16xf32>,
        %get3A_144 = vector.shape_cast %get3A_143 : vector<1x16xf32> to vector<16xf32>
        %max3A_145 = arith.maximumf %get3A_136, %get3A_144 : vector<16xf32>
        %max3A_146 = arith.maximumf %max3A, %max3A_145 : vector<16xf32>
        %swap3A = arith.index_cast %scan3A_114 : i32 to index
        %swap3A_147 = arith.constant 0 : index
        %swap3A_148 = tpu.vector_load %arg8[%swap3A, %swap3A_147] {strides = array<i32>} : memref<32x192xf32, #tpu.memory_space<vmem>>, vector<1x16xf32>,
        %swap3A_149 = vector.shape_cast %swap3A_148 : vector<1x16xf32> to vector<16xf32>
        %swap3A_150 = vector.shape_cast %max3A_146 : vector<16xf32> to vector<1x16xf32>
        tpu.vector_store %arg8[%swap3A, %swap3A_147], %swap3A_150 {strides = array<i32>} : memref<32x192xf32, #tpu.memory_space<vmem>>, vector<1x16xf32>,
        %mul3A_151 = arith.constant 4 : i32
        %mul3A_152 = arith.muli %mul3A_151, %scan3A_114 : i32
        %get3A_153 = arith.index_cast %mul3A_152 : i32 to index
        %get3A_154 = arith.constant 16 : index
        %get3A_155 = tpu.vector_load %arg6[%get3A_153, %get3A_154] {strides = array<i32>} : memref<128x256xf32, #tpu.memory_space<vmem>>, vector<1x16xf32>,
        %get3A_156 = vector.shape_cast %get3A_155 : vector<1x16xf32> to vector<16xf32>
        %mul3A_157 = arith.constant 4 : i32
        %mul3A_158 = arith.muli %mul3A_157, %scan3A_114 : i32
        %add3A_159 = arith.constant 1 : i32
        %add3A_160 = arith.addi %mul3A_158, %add3A_159 : i32
        %get3A_161 = arith.index_cast %add3A_160 : i32 to index
        %get3A_162 = arith.constant 16 : index
        %get3A_163 = tpu.vector_load %arg6[%get3A_161, %get3A_162] {strides = array<i32>} : memref<128x256xf32, #tpu.memory_space<vmem>>, vector<1x16xf32>,
        %get3A_164 = vector.shape_cast %get3A_163 : vector<1x16xf32> to vector<16xf32>
        %max3A_165 = arith.maximumf %get3A_156, %get3A_164 : vector<16xf32>
        %mul3A_166 = arith.constant 4 : i32
        %mul3A_167 = arith.muli %mul3A_166, %scan3A_114 : i32
        %add3A_168 = arith.constant 2 : i32
        %add3A_169 = arith.addi %mul3A_167, %add3A_168 : i32
        %get3A_170 = arith.index_cast %add3A_169 : i32 to index
        %get3A_171 = arith.constant 16 : index
        %get3A_172 = tpu.vector_load %arg6[%get3A_170, %get3A_171] {strides = array<i32>} : memref<128x256xf32, #tpu.memory_space<vmem>>, vector<1x16xf32>,
        %get3A_173 = vector.shape_cast %get3A_172 : vector<1x16xf32> to vector<16xf32>
        %mul3A_174 = arith.constant 4 : i32
        %mul3A_175 = arith.muli %mul3A_174, %scan3A_114 : i32
        %add3A_176 = arith.constant 3 : i32
        %add3A_177 = arith.addi %mul3A_175, %add3A_176 : i32
        %get3A_178 = arith.index_cast %add3A_177 : i32 to index
        %get3A_179 = arith.constant 16 : index
        %get3A_180 = tpu.vector_load %arg6[%get3A_178, %get3A_179] {strides = array<i32>} : memref<128x256xf32, #tpu.memory_space<vmem>>, vector<1x16xf32>,
        %get3A_181 = vector.shape_cast %get3A_180 : vector<1x16xf32> to vector<16xf32>
        %max3A_182 = arith.maximumf %get3A_173, %get3A_181 : vector<16xf32>
        %max3A_183 = arith.maximumf %max3A_165, %max3A_182 : vector<16xf32>
        %swap3A_184 = arith.index_cast %scan3A_114 : i32 to index
        %swap3A_185 = arith.constant 16 : index
        %swap3A_186 = tpu.vector_load %arg8[%swap3A_184, %swap3A_185] {strides = array<i32>} : memref<32x192xf32, #tpu.memory_space<vmem>>, vector<1x16xf32>,
        %swap3A_187 = vector.shape_cast %swap3A_186 : vector<1x16xf32> to vector<16xf32>
        %swap3A_188 = vector.shape_cast %max3A_183 : vector<16xf32> to vector<1x16xf32>
        tpu.vector_store %arg8[%swap3A_184, %swap3A_185], %swap3A_188 {strides = array<i32>} : memref<32x192xf32, #tpu.memory_space<vmem>>, vector<1x16xf32>,
        %mul3A_189 = arith.constant 4 : i32
        %mul3A_190 = arith.muli %mul3A_189, %scan3A_114 : i32
        %get3A_191 = arith.index_cast %mul3A_190 : i32 to index
        %get3A_192 = arith.constant 32 : index
        %get3A_193 = tpu.vector_load %arg6[%get3A_191, %get3A_192] {strides = array<i32>} : memref<128x256xf32, #tpu.memory_space<vmem>>, vector<1x16xf32>,
        %get3A_194 = vector.shape_cast %get3A_193 : vector<1x16xf32> to vector<16xf32>
        %mul3A_195 = arith.constant 4 : i32
        %mul3A_196 = arith.muli %mul3A_195, %scan3A_114 : i32
        %add3A_197 = arith.constant 1 : i32
        %add3A_198 = arith.addi %mul3A_196, %add3A_197 : i32
        %get3A_199 = arith.index_cast %add3A_198 : i32 to index
        %get3A_200 = arith.constant 32 : index
        %get3A_201 = tpu.vector_load %arg6[%get3A_199, %get3A_200] {strides = array<i32>} : memref<128x256xf32, #tpu.memory_space<vmem>>, vector<1x16xf32>,
        %get3A_202 = vector.shape_cast %get3A_201 : vector<1x16xf32> to vector<16xf32>
        %max3A_203 = arith.maximumf %get3A_194, %get3A_202 : vector<16xf32>
        %mul3A_204 = arith.constant 4 : i32
        %mul3A_205 = arith.muli %mul3A_204, %scan3A_114 : i32
        %add3A_206 = arith.constant 2 : i32
        %add3A_207 = arith.addi %mul3A_205, %add3A_206 : i32
        %get3A_208 = arith.index_cast %add3A_207 : i32 to index
        %get3A_209 = arith.constant 32 : index
        %get3A_210 = tpu.vector_load %arg6[%get3A_208, %get3A_209] {strides = array<i32>} : memref<128x256xf32, #tpu.memory_space<vmem>>, vector<1x16xf32>,
        %get3A_211 = vector.shape_cast %get3A_210 : vector<1x16xf32> to vector<16xf32>
        %mul3A_212 = arith.constant 4 : i32
        %mul3A_213 = arith.muli %mul3A_212, %scan3A_114 : i32
        %add3A_214 = arith.constant 3 : i32
        %add3A_215 = arith.addi %mul3A_213, %add3A_214 : i32
        %get3A_216 = arith.index_cast %add3A_215 : i32 to index
        %get3A_217 = arith.constant 32 : index
        %get3A_218 = tpu.vector_load %arg6[%get3A_216, %get3A_217] {strides = array<i32>} : memref<128x256xf32, #tpu.memory_space<vmem>>, vector<1x16xf32>,
        %get3A_219 = vector.shape_cast %get3A_218 : vector<1x16xf32> to vector<16xf32>
        %max3A_220 = arith.maximumf %get3A_211, %get3A_219 : vector<16xf32>
        %max3A_221 = arith.maximumf %max3A_203, %max3A_220 : vector<16xf32>
        %swap3A_222 = arith.index_cast %scan3A_114 : i32 to index
        %swap3A_223 = arith.constant 32 : index
        %swap3A_224 = tpu.vector_load %arg8[%swap3A_222, %swap3A_223] {strides = array<i32>} : memref<32x192xf32, #tpu.memory_space<vmem>>, vector<1x16xf32>,
        %swap3A_225 = vector.shape_cast %swap3A_224 : vector<1x16xf32> to vector<16xf32>
        %swap3A_226 = vector.shape_cast %max3A_221 : vector<16xf32> to vector<1x16xf32>
        tpu.vector_store %arg8[%swap3A_222, %swap3A_223], %swap3A_226 {strides = array<i32>} : memref<32x192xf32, #tpu.memory_space<vmem>>, vector<1x16xf32>,
        %mul3A_227 = arith.constant 4 : i32
        %mul3A_228 = arith.muli %mul3A_227, %scan3A_114 : i32
        %get3A_229 = arith.index_cast %mul3A_228 : i32 to index
        %get3A_230 = arith.constant 48 : index
        %get3A_231 = tpu.vector_load %arg6[%get3A_229, %get3A_230] {strides = array<i32>} : memref<128x256xf32, #tpu.memory_space<vmem>>, vector<1x16xf32>,
        %get3A_232 = vector.shape_cast %get3A_231 : vector<1x16xf32> to vector<16xf32>
        %mul3A_233 = arith.constant 4 : i32
        %mul3A_234 = arith.muli %mul3A_233, %scan3A_114 : i32
        %add3A_235 = arith.constant 1 : i32
        %add3A_236 = arith.addi %mul3A_234, %add3A_235 : i32
        %get3A_237 = arith.index_cast %add3A_236 : i32 to index
        %get3A_238 = arith.constant 48 : index
        %get3A_239 = tpu.vector_load %arg6[%get3A_237, %get3A_238] {strides = array<i32>} : memref<128x256xf32, #tpu.memory_space<vmem>>, vector<1x16xf32>,
        %get3A_240 = vector.shape_cast %get3A_239 : vector<1x16xf32> to vector<16xf32>
        %max3A_241 = arith.maximumf %get3A_232, %get3A_240 : vector<16xf32>
        %mul3A_242 = arith.constant 4 : i32
        %mul3A_243 = arith.muli %mul3A_242, %scan3A_114 : i32
        %add3A_244 = arith.constant 2 : i32
        %add3A_245 = arith.addi %mul3A_243, %add3A_244 : i32
        %get3A_246 = arith.index_cast %add3A_245 : i32 to index
        %get3A_247 = arith.constant 48 : index
        %get3A_248 = tpu.vector_load %arg6[%get3A_246, %get3A_247] {strides = array<i32>} : memref<128x256xf32, #tpu.memory_space<vmem>>, vector<1x16xf32>,
        %get3A_249 = vector.shape_cast %get3A_248 : vector<1x16xf32> to vector<16xf32>
        %mul3A_250 = arith.constant 4 : i32
        %mul3A_251 = arith.muli %mul3A_250, %scan3A_114 : i32
        %add3A_252 = arith.constant 3 : i32
        %add3A_253 = arith.addi %mul3A_251, %add3A_252 : i32
        %get3A_254 = arith.index_cast %add3A_253 : i32 to index
        %get3A_255 = arith.constant 48 : index
        %get3A_256 = tpu.vector_load %arg6[%get3A_254, %get3A_255] {strides = array<i32>} : memref<128x256xf32, #tpu.memory_space<vmem>>, vector<1x16xf32>,
        %get3A_257 = vector.shape_cast %get3A_256 : vector<1x16xf32> to vector<16xf32>
        %max3A_258 = arith.maximumf %get3A_249, %get3A_257 : vector<16xf32>
        %max3A_259 = arith.maximumf %max3A_241, %max3A_258 : vector<16xf32>
        %swap3A_260 = arith.index_cast %scan3A_114 : i32 to index
        %swap3A_261 = arith.constant 48 : index
        %swap3A_262 = tpu.vector_load %arg8[%swap3A_260, %swap3A_261] {strides = array<i32>} : memref<32x192xf32, #tpu.memory_space<vmem>>, vector<1x16xf32>,
        %swap3A_263 = vector.shape_cast %swap3A_262 : vector<1x16xf32> to vector<16xf32>
        %swap3A_264 = vector.shape_cast %max3A_259 : vector<16xf32> to vector<1x16xf32>
        tpu.vector_store %arg8[%swap3A_260, %swap3A_261], %swap3A_264 {strides = array<i32>} : memref<32x192xf32, #tpu.memory_space<vmem>>, vector<1x16xf32>,
        %mul3A_265 = arith.constant 4 : i32
        %mul3A_266 = arith.muli %mul3A_265, %scan3A_114 : i32
        %get3A_267 = arith.index_cast %mul3A_266 : i32 to index
        %get3A_268 = arith.constant 64 : index
        %get3A_269 = tpu.vector_load %arg6[%get3A_267, %get3A_268] {strides = array<i32>} : memref<128x256xf32, #tpu.memory_space<vmem>>, vector<1x16xf32>,
        %get3A_270 = vector.shape_cast %get3A_269 : vector<1x16xf32> to vector<16xf32>
        %mul3A_271 = arith.constant 4 : i32
        %mul3A_272 = arith.muli %mul3A_271, %scan3A_114 : i32
        %add3A_273 = arith.constant 1 : i32
        %add3A_274 = arith.addi %mul3A_272, %add3A_273 : i32
        %get3A_275 = arith.index_cast %add3A_274 : i32 to index
        %get3A_276 = arith.constant 64 : index
        %get3A_277 = tpu.vector_load %arg6[%get3A_275, %get3A_276] {strides = array<i32>} : memref<128x256xf32, #tpu.memory_space<vmem>>, vector<1x16xf32>,
        %get3A_278 = vector.shape_cast %get3A_277 : vector<1x16xf32> to vector<16xf32>
        %max3A_279 = arith.maximumf %get3A_270, %get3A_278 : vector<16xf32>
        %mul3A_280 = arith.constant 4 : i32
        %mul3A_281 = arith.muli %mul3A_280, %scan3A_114 : i32
        %add3A_282 = arith.constant 2 : i32
        %add3A_283 = arith.addi %mul3A_281, %add3A_282 : i32
        %get3A_284 = arith.index_cast %add3A_283 : i32 to index
        %get3A_285 = arith.constant 64 : index
        %get3A_286 = tpu.vector_load %arg6[%get3A_284, %get3A_285] {strides = array<i32>} : memref<128x256xf32, #tpu.memory_space<vmem>>, vector<1x16xf32>,
        %get3A_287 = vector.shape_cast %get3A_286 : vector<1x16xf32> to vector<16xf32>
        %mul3A_288 = arith.constant 4 : i32
        %mul3A_289 = arith.muli %mul3A_288, %scan3A_114 : i32
        %add3A_290 = arith.constant 3 : i32
        %add3A_291 = arith.addi %mul3A_289, %add3A_290 : i32
        %get3A_292 = arith.index_cast %add3A_291 : i32 to index
        %get3A_293 = arith.constant 64 : index
        %get3A_294 = tpu.vector_load %arg6[%get3A_292, %get3A_293] {strides = array<i32>} : memref<128x256xf32, #tpu.memory_space<vmem>>, vector<1x16xf32>,
        %get3A_295 = vector.shape_cast %get3A_294 : vector<1x16xf32> to vector<16xf32>
        %max3A_296 = arith.maximumf %get3A_287, %get3A_295 : vector<16xf32>
        %max3A_297 = arith.maximumf %max3A_279, %max3A_296 : vector<16xf32>
        %swap3A_298 = arith.index_cast %scan3A_114 : i32 to index
        %swap3A_299 = arith.constant 64 : index
        %swap3A_300 = tpu.vector_load %arg8[%swap3A_298, %swap3A_299] {strides = array<i32>} : memref<32x192xf32, #tpu.memory_space<vmem>>, vector<1x16xf32>,
        %swap3A_301 = vector.shape_cast %swap3A_300 : vector<1x16xf32> to vector<16xf32>
        %swap3A_302 = vector.shape_cast %max3A_297 : vector<16xf32> to vector<1x16xf32>
        tpu.vector_store %arg8[%swap3A_298, %swap3A_299], %swap3A_302 {strides = array<i32>} : memref<32x192xf32, #tpu.memory_space<vmem>>, vector<1x16xf32>,
        %mul3A_303 = arith.constant 4 : i32
        %mul3A_304 = arith.muli %mul3A_303, %scan3A_114 : i32
        %get3A_305 = arith.index_cast %mul3A_304 : i32 to index
        %get3A_306 = arith.constant 80 : index
        %get3A_307 = tpu.vector_load %arg6[%get3A_305, %get3A_306] {strides = array<i32>} : memref<128x256xf32, #tpu.memory_space<vmem>>, vector<1x16xf32>,
        %get3A_308 = vector.shape_cast %get3A_307 : vector<1x16xf32> to vector<16xf32>
        %mul3A_309 = arith.constant 4 : i32
        %mul3A_310 = arith.muli %mul3A_309, %scan3A_114 : i32
        %add3A_311 = arith.constant 1 : i32
        %add3A_312 = arith.addi %mul3A_310, %add3A_311 : i32
        %get3A_313 = arith.index_cast %add3A_312 : i32 to index
        %get3A_314 = arith.constant 80 : index
        %get3A_315 = tpu.vector_load %arg6[%get3A_313, %get3A_314] {strides = array<i32>} : memref<128x256xf32, #tpu.memory_space<vmem>>, vector<1x16xf32>,
        %get3A_316 = vector.shape_cast %get3A_315 : vector<1x16xf32> to vector<16xf32>
        %max3A_317 = arith.maximumf %get3A_308, %get3A_316 : vector<16xf32>
        %mul3A_318 = arith.constant 4 : i32
        %mul3A_319 = arith.muli %mul3A_318, %scan3A_114 : i32
        %add3A_320 = arith.constant 2 : i32
        %add3A_321 = arith.addi %mul3A_319, %add3A_320 : i32
        %get3A_322 = arith.index_cast %add3A_321 : i32 to index
        %get3A_323 = arith.constant 80 : index
        %get3A_324 = tpu.vector_load %arg6[%get3A_322, %get3A_323] {strides = array<i32>} : memref<128x256xf32, #tpu.memory_space<vmem>>, vector<1x16xf32>,
        %get3A_325 = vector.shape_cast %get3A_324 : vector<1x16xf32> to vector<16xf32>
        %mul3A_326 = arith.constant 4 : i32
        %mul3A_327 = arith.muli %mul3A_326, %scan3A_114 : i32
        %add3A_328 = arith.constant 3 : i32
        %add3A_329 = arith.addi %mul3A_327, %add3A_328 : i32
        %get3A_330 = arith.index_cast %add3A_329 : i32 to index
        %get3A_331 = arith.constant 80 : index
        %get3A_332 = tpu.vector_load %arg6[%get3A_330, %get3A_331] {strides = array<i32>} : memref<128x256xf32, #tpu.memory_space<vmem>>, vector<1x16xf32>,
        %get3A_333 = vector.shape_cast %get3A_332 : vector<1x16xf32> to vector<16xf32>
        %max3A_334 = arith.maximumf %get3A_325, %get3A_333 : vector<16xf32>
        %max3A_335 = arith.maximumf %max3A_317, %max3A_334 : vector<16xf32>
        %swap3A_336 = arith.index_cast %scan3A_114 : i32 to index
        %swap3A_337 = arith.constant 80 : index
        %swap3A_338 = tpu.vector_load %arg8[%swap3A_336, %swap3A_337] {strides = array<i32>} : memref<32x192xf32, #tpu.memory_space<vmem>>, vector<1x16xf32>,
        %swap3A_339 = vector.shape_cast %swap3A_338 : vector<1x16xf32> to vector<16xf32>
        %swap3A_340 = vector.shape_cast %max3A_335 : vector<16xf32> to vector<1x16xf32>
        tpu.vector_store %arg8[%swap3A_336, %swap3A_337], %swap3A_340 {strides = array<i32>} : memref<32x192xf32, #tpu.memory_space<vmem>>, vector<1x16xf32>,
        %mul3A_341 = arith.constant 4 : i32
        %mul3A_342 = arith.muli %mul3A_341, %scan3A_114 : i32
        %get3A_343 = arith.index_cast %mul3A_342 : i32 to index
        %get3A_344 = arith.constant 96 : index
        %get3A_345 = tpu.vector_load %arg6[%get3A_343, %get3A_344] {strides = array<i32>} : memref<128x256xf32, #tpu.memory_space<vmem>>, vector<1x16xf32>,
        %get3A_346 = vector.shape_cast %get3A_345 : vector<1x16xf32> to vector<16xf32>
        %mul3A_347 = arith.constant 4 : i32
        %mul3A_348 = arith.muli %mul3A_347, %scan3A_114 : i32
        %add3A_349 = arith.constant 1 : i32
        %add3A_350 = arith.addi %mul3A_348, %add3A_349 : i32
        %get3A_351 = arith.index_cast %add3A_350 : i32 to index
        %get3A_352 = arith.constant 96 : index
        %get3A_353 = tpu.vector_load %arg6[%get3A_351, %get3A_352] {strides = array<i32>} : memref<128x256xf32, #tpu.memory_space<vmem>>, vector<1x16xf32>,
        %get3A_354 = vector.shape_cast %get3A_353 : vector<1x16xf32> to vector<16xf32>
        %max3A_355 = arith.maximumf %get3A_346, %get3A_354 : vector<16xf32>
        %mul3A_356 = arith.constant 4 : i32
        %mul3A_357 = arith.muli %mul3A_356, %scan3A_114 : i32
        %add3A_358 = arith.constant 2 : i32
        %add3A_359 = arith.addi %mul3A_357, %add3A_358 : i32
        %get3A_360 = arith.index_cast %add3A_359 : i32 to index
        %get3A_361 = arith.constant 96 : index
        %get3A_362 = tpu.vector_load %arg6[%get3A_360, %get3A_361] {strides = array<i32>} : memref<128x256xf32, #tpu.memory_space<vmem>>, vector<1x16xf32>,
        %get3A_363 = vector.shape_cast %get3A_362 : vector<1x16xf32> to vector<16xf32>
        %mul3A_364 = arith.constant 4 : i32
        %mul3A_365 = arith.muli %mul3A_364, %scan3A_114 : i32
        %add3A_366 = arith.constant 3 : i32
        %add3A_367 = arith.addi %mul3A_365, %add3A_366 : i32
        %get3A_368 = arith.index_cast %add3A_367 : i32 to index
        %get3A_369 = arith.constant 96 : index
        %get3A_370 = tpu.vector_load %arg6[%get3A_368, %get3A_369] {strides = array<i32>} : memref<128x256xf32, #tpu.memory_space<vmem>>, vector<1x16xf32>,
        %get3A_371 = vector.shape_cast %get3A_370 : vector<1x16xf32> to vector<16xf32>
        %max3A_372 = arith.maximumf %get3A_363, %get3A_371 : vector<16xf32>
        %max3A_373 = arith.maximumf %max3A_355, %max3A_372 : vector<16xf32>
        %swap3A_374 = arith.index_cast %scan3A_114 : i32 to index
        %swap3A_375 = arith.constant 96 : index
        %swap3A_376 = tpu.vector_load %arg8[%swap3A_374, %swap3A_375] {strides = array<i32>} : memref<32x192xf32, #tpu.memory_space<vmem>>, vector<1x16xf32>,
        %swap3A_377 = vector.shape_cast %swap3A_376 : vector<1x16xf32> to vector<16xf32>
        %swap3A_378 = vector.shape_cast %max3A_373 : vector<16xf32> to vector<1x16xf32>
        tpu.vector_store %arg8[%swap3A_374, %swap3A_375], %swap3A_378 {strides = array<i32>} : memref<32x192xf32, #tpu.memory_space<vmem>>, vector<1x16xf32>,
        %mul3A_379 = arith.constant 4 : i32
        %mul3A_380 = arith.muli %mul3A_379, %scan3A_114 : i32
        %get3A_381 = arith.index_cast %mul3A_380 : i32 to index
        %get3A_382 = arith.constant 112 : index
        %get3A_383 = tpu.vector_load %arg6[%get3A_381, %get3A_382] {strides = array<i32>} : memref<128x256xf32, #tpu.memory_space<vmem>>, vector<1x16xf32>,
        %get3A_384 = vector.shape_cast %get3A_383 : vector<1x16xf32> to vector<16xf32>
        %mul3A_385 = arith.constant 4 : i32
        %mul3A_386 = arith.muli %mul3A_385, %scan3A_114 : i32
        %add3A_387 = arith.constant 1 : i32
        %add3A_388 = arith.addi %mul3A_386, %add3A_387 : i32
        %get3A_389 = arith.index_cast %add3A_388 : i32 to index
        %get3A_390 = arith.constant 112 : index
        %get3A_391 = tpu.vector_load %arg6[%get3A_389, %get3A_390] {strides = array<i32>} : memref<128x256xf32, #tpu.memory_space<vmem>>, vector<1x16xf32>,
        %get3A_392 = vector.shape_cast %get3A_391 : vector<1x16xf32> to vector<16xf32>
        %max3A_393 = arith.maximumf %get3A_384, %get3A_392 : vector<16xf32>
        %mul3A_394 = arith.constant 4 : i32
        %mul3A_395 = arith.muli %mul3A_394, %scan3A_114 : i32
        %add3A_396 = arith.constant 2 : i32
        %add3A_397 = arith.addi %mul3A_395, %add3A_396 : i32
        %get3A_398 = arith.index_cast %add3A_397 : i32 to index
        %get3A_399 = arith.constant 112 : index
        %get3A_400 = tpu.vector_load %arg6[%get3A_398, %get3A_399] {strides = array<i32>} : memref<128x256xf32, #tpu.memory_space<vmem>>, vector<1x16xf32>,
        %get3A_401 = vector.shape_cast %get3A_400 : vector<1x16xf32> to vector<16xf32>
        %mul3A_402 = arith.constant 4 : i32
        %mul3A_403 = arith.muli %mul3A_402, %scan3A_114 : i32
        %add3A_404 = arith.constant 3 : i32
        %add3A_405 = arith.addi %mul3A_403, %add3A_404 : i32
        %get3A_406 = arith.index_cast %add3A_405 : i32 to index
        %get3A_407 = arith.constant 112 : index
        %get3A_408 = tpu.vector_load %arg6[%get3A_406, %get3A_407] {strides = array<i32>} : memref<128x256xf32, #tpu.memory_space<vmem>>, vector<1x16xf32>,
        %get3A_409 = vector.shape_cast %get3A_408 : vector<1x16xf32> to vector<16xf32>
        %max3A_410 = arith.maximumf %get3A_401, %get3A_409 : vector<16xf32>
        %max3A_411 = arith.maximumf %max3A_393, %max3A_410 : vector<16xf32>
        %swap3A_412 = arith.index_cast %scan3A_114 : i32 to index
        %swap3A_413 = arith.constant 112 : index
        %swap3A_414 = tpu.vector_load %arg8[%swap3A_412, %swap3A_413] {strides = array<i32>} : memref<32x192xf32, #tpu.memory_space<vmem>>, vector<1x16xf32>,
        %swap3A_415 = vector.shape_cast %swap3A_414 : vector<1x16xf32> to vector<16xf32>
        %swap3A_416 = vector.shape_cast %max3A_411 : vector<16xf32> to vector<1x16xf32>
        tpu.vector_store %arg8[%swap3A_412, %swap3A_413], %swap3A_416 {strides = array<i32>} : memref<32x192xf32, #tpu.memory_space<vmem>>, vector<1x16xf32>,
        %mul3A_417 = arith.constant 4 : i32
        %mul3A_418 = arith.muli %mul3A_417, %scan3A_114 : i32
        %get3A_419 = arith.index_cast %mul3A_418 : i32 to index
        %get3A_420 = arith.constant 128 : index
        %get3A_421 = tpu.vector_load %arg6[%get3A_419, %get3A_420] {strides = array<i32>} : memref<128x256xf32, #tpu.memory_space<vmem>>, vector<1x16xf32>,
        %get3A_422 = vector.shape_cast %get3A_421 : vector<1x16xf32> to vector<16xf32>
        %mul3A_423 = arith.constant 4 : i32
        %mul3A_424 = arith.muli %mul3A_423, %scan3A_114 : i32
        %add3A_425 = arith.constant 1 : i32
        %add3A_426 = arith.addi %mul3A_424, %add3A_425 : i32
        %get3A_427 = arith.index_cast %add3A_426 : i32 to index
        %get3A_428 = arith.constant 128 : index
        %get3A_429 = tpu.vector_load %arg6[%get3A_427, %get3A_428] {strides = array<i32>} : memref<128x256xf32, #tpu.memory_space<vmem>>, vector<1x16xf32>,
        %get3A_430 = vector.shape_cast %get3A_429 : vector<1x16xf32> to vector<16xf32>
        %max3A_431 = arith.maximumf %get3A_422, %get3A_430 : vector<16xf32>
        %mul3A_432 = arith.constant 4 : i32
        %mul3A_433 = arith.muli %mul3A_432, %scan3A_114 : i32
        %add3A_434 = arith.constant 2 : i32
        %add3A_435 = arith.addi %mul3A_433, %add3A_434 : i32
        %get3A_436 = arith.index_cast %add3A_435 : i32 to index
        %get3A_437 = arith.constant 128 : index
        %get3A_438 = tpu.vector_load %arg6[%get3A_436, %get3A_437] {strides = array<i32>} : memref<128x256xf32, #tpu.memory_space<vmem>>, vector<1x16xf32>,
        %get3A_439 = vector.shape_cast %get3A_438 : vector<1x16xf32> to vector<16xf32>
        %mul3A_440 = arith.constant 4 : i32
        %mul3A_441 = arith.muli %mul3A_440, %scan3A_114 : i32
        %add3A_442 = arith.constant 3 : i32
        %add3A_443 = arith.addi %mul3A_441, %add3A_442 : i32
        %get3A_444 = arith.index_cast %add3A_443 : i32 to index
        %get3A_445 = arith.constant 128 : index
        %get3A_446 = tpu.vector_load %arg6[%get3A_444, %get3A_445] {strides = array<i32>} : memref<128x256xf32, #tpu.memory_space<vmem>>, vector<1x16xf32>,
        %get3A_447 = vector.shape_cast %get3A_446 : vector<1x16xf32> to vector<16xf32>
        %max3A_448 = arith.maximumf %get3A_439, %get3A_447 : vector<16xf32>
        %max3A_449 = arith.maximumf %max3A_431, %max3A_448 : vector<16xf32>
        %swap3A_450 = arith.index_cast %scan3A_114 : i32 to index
        %swap3A_451 = arith.constant 128 : index
        %swap3A_452 = tpu.vector_load %arg8[%swap3A_450, %swap3A_451] {strides = array<i32>} : memref<32x192xf32, #tpu.memory_space<vmem>>, vector<1x16xf32>,
        %swap3A_453 = vector.shape_cast %swap3A_452 : vector<1x16xf32> to vector<16xf32>
        %swap3A_454 = vector.shape_cast %max3A_449 : vector<16xf32> to vector<1x16xf32>
        tpu.vector_store %arg8[%swap3A_450, %swap3A_451], %swap3A_454 {strides = array<i32>} : memref<32x192xf32, #tpu.memory_space<vmem>>, vector<1x16xf32>,
        %mul3A_455 = arith.constant 4 : i32
        %mul3A_456 = arith.muli %mul3A_455, %scan3A_114 : i32
        %get3A_457 = arith.index_cast %mul3A_456 : i32 to index
        %get3A_458 = arith.constant 144 : index
        %get3A_459 = tpu.vector_load %arg6[%get3A_457, %get3A_458] {strides = array<i32>} : memref<128x256xf32, #tpu.memory_space<vmem>>, vector<1x16xf32>,
        %get3A_460 = vector.shape_cast %get3A_459 : vector<1x16xf32> to vector<16xf32>
        %mul3A_461 = arith.constant 4 : i32
        %mul3A_462 = arith.muli %mul3A_461, %scan3A_114 : i32
        %add3A_463 = arith.constant 1 : i32
        %add3A_464 = arith.addi %mul3A_462, %add3A_463 : i32
        %get3A_465 = arith.index_cast %add3A_464 : i32 to index
        %get3A_466 = arith.constant 144 : index
        %get3A_467 = tpu.vector_load %arg6[%get3A_465, %get3A_466] {strides = array<i32>} : memref<128x256xf32, #tpu.memory_space<vmem>>, vector<1x16xf32>,
        %get3A_468 = vector.shape_cast %get3A_467 : vector<1x16xf32> to vector<16xf32>
        %max3A_469 = arith.maximumf %get3A_460, %get3A_468 : vector<16xf32>
        %mul3A_470 = arith.constant 4 : i32
        %mul3A_471 = arith.muli %mul3A_470, %scan3A_114 : i32
        %add3A_472 = arith.constant 2 : i32
        %add3A_473 = arith.addi %mul3A_471, %add3A_472 : i32
        %get3A_474 = arith.index_cast %add3A_473 : i32 to index
        %get3A_475 = arith.constant 144 : index
        %get3A_476 = tpu.vector_load %arg6[%get3A_474, %get3A_475] {strides = array<i32>} : memref<128x256xf32, #tpu.memory_space<vmem>>, vector<1x16xf32>,
        %get3A_477 = vector.shape_cast %get3A_476 : vector<1x16xf32> to vector<16xf32>
        %mul3A_478 = arith.constant 4 : i32
        %mul3A_479 = arith.muli %mul3A_478, %scan3A_114 : i32
        %add3A_480 = arith.constant 3 : i32
        %add3A_481 = arith.addi %mul3A_479, %add3A_480 : i32
        %get3A_482 = arith.index_cast %add3A_481 : i32 to index
        %get3A_483 = arith.constant 144 : index
        %get3A_484 = tpu.vector_load %arg6[%get3A_482, %get3A_483] {strides = array<i32>} : memref<128x256xf32, #tpu.memory_space<vmem>>, vector<1x16xf32>,
        %get3A_485 = vector.shape_cast %get3A_484 : vector<1x16xf32> to vector<16xf32>
        %max3A_486 = arith.maximumf %get3A_477, %get3A_485 : vector<16xf32>
        %max3A_487 = arith.maximumf %max3A_469, %max3A_486 : vector<16xf32>
        %swap3A_488 = arith.index_cast %scan3A_114 : i32 to index
        %swap3A_489 = arith.constant 144 : index
        %swap3A_490 = tpu.vector_load %arg8[%swap3A_488, %swap3A_489] {strides = array<i32>} : memref<32x192xf32, #tpu.memory_space<vmem>>, vector<1x16xf32>,
        %swap3A_491 = vector.shape_cast %swap3A_490 : vector<1x16xf32> to vector<16xf32>
        %swap3A_492 = vector.shape_cast %max3A_487 : vector<16xf32> to vector<1x16xf32>
        tpu.vector_store %arg8[%swap3A_488, %swap3A_489], %swap3A_492 {strides = array<i32>} : memref<32x192xf32, #tpu.memory_space<vmem>>, vector<1x16xf32>,
        %mul3A_493 = arith.constant 4 : i32
        %mul3A_494 = arith.muli %mul3A_493, %scan3A_114 : i32
        %get3A_495 = arith.index_cast %mul3A_494 : i32 to index
        %get3A_496 = arith.constant 160 : index
        %get3A_497 = tpu.vector_load %arg6[%get3A_495, %get3A_496] {strides = array<i32>} : memref<128x256xf32, #tpu.memory_space<vmem>>, vector<1x16xf32>,
        %get3A_498 = vector.shape_cast %get3A_497 : vector<1x16xf32> to vector<16xf32>
        %mul3A_499 = arith.constant 4 : i32
        %mul3A_500 = arith.muli %mul3A_499, %scan3A_114 : i32
        %add3A_501 = arith.constant 1 : i32
        %add3A_502 = arith.addi %mul3A_500, %add3A_501 : i32
        %get3A_503 = arith.index_cast %add3A_502 : i32 to index
        %get3A_504 = arith.constant 160 : index
        %get3A_505 = tpu.vector_load %arg6[%get3A_503, %get3A_504] {strides = array<i32>} : memref<128x256xf32, #tpu.memory_space<vmem>>, vector<1x16xf32>,
        %get3A_506 = vector.shape_cast %get3A_505 : vector<1x16xf32> to vector<16xf32>
        %max3A_507 = arith.maximumf %get3A_498, %get3A_506 : vector<16xf32>
        %mul3A_508 = arith.constant 4 : i32
        %mul3A_509 = arith.muli %mul3A_508, %scan3A_114 : i32
        %add3A_510 = arith.constant 2 : i32
        %add3A_511 = arith.addi %mul3A_509, %add3A_510 : i32
        %get3A_512 = arith.index_cast %add3A_511 : i32 to index
        %get3A_513 = arith.constant 160 : index
        %get3A_514 = tpu.vector_load %arg6[%get3A_512, %get3A_513] {strides = array<i32>} : memref<128x256xf32, #tpu.memory_space<vmem>>, vector<1x16xf32>,
        %get3A_515 = vector.shape_cast %get3A_514 : vector<1x16xf32> to vector<16xf32>
        %mul3A_516 = arith.constant 4 : i32
        %mul3A_517 = arith.muli %mul3A_516, %scan3A_114 : i32
        %add3A_518 = arith.constant 3 : i32
        %add3A_519 = arith.addi %mul3A_517, %add3A_518 : i32
        %get3A_520 = arith.index_cast %add3A_519 : i32 to index
        %get3A_521 = arith.constant 160 : index
        %get3A_522 = tpu.vector_load %arg6[%get3A_520, %get3A_521] {strides = array<i32>} : memref<128x256xf32, #tpu.memory_space<vmem>>, vector<1x16xf32>,
        %get3A_523 = vector.shape_cast %get3A_522 : vector<1x16xf32> to vector<16xf32>
        %max3A_524 = arith.maximumf %get3A_515, %get3A_523 : vector<16xf32>
        %max3A_525 = arith.maximumf %max3A_507, %max3A_524 : vector<16xf32>
        %swap3A_526 = arith.index_cast %scan3A_114 : i32 to index
        %swap3A_527 = arith.constant 160 : index
        %swap3A_528 = tpu.vector_load %arg8[%swap3A_526, %swap3A_527] {strides = array<i32>} : memref<32x192xf32, #tpu.memory_space<vmem>>, vector<1x16xf32>,
        %swap3A_529 = vector.shape_cast %swap3A_528 : vector<1x16xf32> to vector<16xf32>
        %swap3A_530 = vector.shape_cast %max3A_525 : vector<16xf32> to vector<1x16xf32>
        tpu.vector_store %arg8[%swap3A_526, %swap3A_527], %swap3A_530 {strides = array<i32>} : memref<32x192xf32, #tpu.memory_space<vmem>>, vector<1x16xf32>,
        %mul3A_531 = arith.constant 4 : i32
        %mul3A_532 = arith.muli %mul3A_531, %scan3A_114 : i32
        %get3A_533 = arith.index_cast %mul3A_532 : i32 to index
        %get3A_534 = arith.constant 176 : index
        %get3A_535 = tpu.vector_load %arg6[%get3A_533, %get3A_534] {strides = array<i32>} : memref<128x256xf32, #tpu.memory_space<vmem>>, vector<1x16xf32>,
        %get3A_536 = vector.shape_cast %get3A_535 : vector<1x16xf32> to vector<16xf32>
        %mul3A_537 = arith.constant 4 : i32
        %mul3A_538 = arith.muli %mul3A_537, %scan3A_114 : i32
        %add3A_539 = arith.constant 1 : i32
        %add3A_540 = arith.addi %mul3A_538, %add3A_539 : i32
        %get3A_541 = arith.index_cast %add3A_540 : i32 to index
        %get3A_542 = arith.constant 176 : index
        %get3A_543 = tpu.vector_load %arg6[%get3A_541, %get3A_542] {strides = array<i32>} : memref<128x256xf32, #tpu.memory_space<vmem>>, vector<1x16xf32>,
        %get3A_544 = vector.shape_cast %get3A_543 : vector<1x16xf32> to vector<16xf32>
        %max3A_545 = arith.maximumf %get3A_536, %get3A_544 : vector<16xf32>
        %mul3A_546 = arith.constant 4 : i32
        %mul3A_547 = arith.muli %mul3A_546, %scan3A_114 : i32
        %add3A_548 = arith.constant 2 : i32
        %add3A_549 = arith.addi %mul3A_547, %add3A_548 : i32
        %get3A_550 = arith.index_cast %add3A_549 : i32 to index
        %get3A_551 = arith.constant 176 : index
        %get3A_552 = tpu.vector_load %arg6[%get3A_550, %get3A_551] {strides = array<i32>} : memref<128x256xf32, #tpu.memory_space<vmem>>, vector<1x16xf32>,
        %get3A_553 = vector.shape_cast %get3A_552 : vector<1x16xf32> to vector<16xf32>
        %mul3A_554 = arith.constant 4 : i32
        %mul3A_555 = arith.muli %mul3A_554, %scan3A_114 : i32
        %add3A_556 = arith.constant 3 : i32
        %add3A_557 = arith.addi %mul3A_555, %add3A_556 : i32
        %get3A_558 = arith.index_cast %add3A_557 : i32 to index
        %get3A_559 = arith.constant 176 : index
        %get3A_560 = tpu.vector_load %arg6[%get3A_558, %get3A_559] {strides = array<i32>} : memref<128x256xf32, #tpu.memory_space<vmem>>, vector<1x16xf32>,
        %get3A_561 = vector.shape_cast %get3A_560 : vector<1x16xf32> to vector<16xf32>
        %max3A_562 = arith.maximumf %get3A_553, %get3A_561 : vector<16xf32>
        %max3A_563 = arith.maximumf %max3A_545, %max3A_562 : vector<16xf32>
        %swap3A_564 = arith.index_cast %scan3A_114 : i32 to index
        %swap3A_565 = arith.constant 176 : index
        %swap3A_566 = tpu.vector_load %arg8[%swap3A_564, %swap3A_565] {strides = array<i32>} : memref<32x192xf32, #tpu.memory_space<vmem>>, vector<1x16xf32>,
        %swap3A_567 = vector.shape_cast %swap3A_566 : vector<1x16xf32> to vector<16xf32>
        %swap3A_568 = vector.shape_cast %max3A_563 : vector<16xf32> to vector<1x16xf32>
        tpu.vector_store %arg8[%swap3A_564, %swap3A_565], %swap3A_568 {strides = array<i32>} : memref<32x192xf32, #tpu.memory_space<vmem>>, vector<1x16xf32>,
        %scan3A_569 = arith.constant 0 : i32
        scf.yield %scan3A_569 : i32
      }
      %scan3A_57 = arith.constant 32 : i32
      %mul3A_58 = arith.constant 32 : i32
      %mul3A_59 = arith.muli %add3A_42, %mul3A_58 : i32
      %add3A_60 = arith.addi %mul3A_2, %mul3A_59 : i32
      %dma_start3A_61 = arith.constant 0 : i32
      %dma_start3A_62 = tpu.memref_slice %arg4[%add3A_60, %dma_start3A_61] : memref<65536x192xf32, #tpu.memory_space<hbm>> -> memref<32x192xf32, #tpu.memory_space<hbm>>
      %dma_start3A_63 = arith.constant 0 : i32
      %dma_start3A_64 = tpu.memref_slice %arg4[%add3A_60, %dma_start3A_63] : memref<65536x192xf32, #tpu.memory_space<hbm>> -> memref<32x192xf32, #tpu.memory_space<hbm>>
      tpu.enqueue_dma source(%arg8 : memref<32x192xf32, #tpu.memory_space<vmem>>) target(%dma_start3A_64 : memref<32x192xf32, #tpu.memory_space<hbm>>) target_semaphore(%arg12 : memref<!tpu.dma_semaphore, #tpu.memory_space<semaphore_mem>>)
      %add3A_65 = arith.constant 2 : i32
      %add3A_66 = arith.addi %add3A_42, %add3A_65 : i32
      %min3A = arith.constant 63 : i32
      %min3A_67 = arith.minsi %add3A_66, %min3A : i32
      %mul3A_68 = arith.constant 128 : i32
      %mul3A_69 = arith.muli %min3A_67, %mul3A_68 : i32
      %dma_start3A_70 = tpu.memref_slice %arg5[%mul3A_69] : memref<8192xi32, #tpu.memory_space<vmem>> -> memref<128xi32, #tpu.memory_space<vmem>>
      %dma_start3A_71 = arith.constant 0 : i32
      %dma_start3A_72 = arith.constant 0 : i32
      %dma_start3A_73 = tpu.memref_slice %arg2[%dma_start3A_71, %dma_start3A_72] : memref<262144x256xf32, #tpu.memory_space<hbm>> -> memref<262144x256xf32, #tpu.memory_space<hbm>>
      tpu.enqueue_indirect_dma source(%dma_start3A_73 : memref<262144x256xf32, #tpu.memory_space<hbm>>) target(%arg6 : memref<128x256xf32, #tpu.memory_space<vmem>>) offsets(%dma_start3A_70 : memref<128xi32, #tpu.memory_space<vmem>>) semaphore(%arg10 : memref<!tpu.dma_semaphore, #tpu.memory_space<semaphore_mem>>)
      %mul3A_74 = arith.constant 2 : i32
      %mul3A_75 = arith.muli %mul3A_74, %scan3A_37 : i32
      %add3A_76 = arith.constant 1 : i32
      %add3A_77 = arith.addi %mul3A_75, %add3A_76 : i32
      %mul3A_78 = arith.constant 128 : i32
      %mul3A_79 = arith.muli %add3A_77, %mul3A_78 : i32
      %dma_wait3A_80 = tpu.memref_slice %arg5[%mul3A_79] : memref<8192xi32, #tpu.memory_space<vmem>> -> memref<128xi32, #tpu.memory_space<vmem>>
      %dma_wait3A_81 = arith.constant 0 : i32
      %dma_wait3A_82 = arith.constant 0 : i32
      %dma_wait3A_83 = tpu.memref_slice %arg2[%dma_wait3A_81, %dma_wait3A_82] : memref<262144x256xf32, #tpu.memory_space<hbm>> -> memref<262144x256xf32, #tpu.memory_space<hbm>>
      tpu.wait_indirect_dma semaphore(%arg11 : memref<!tpu.dma_semaphore, #tpu.memory_space<semaphore_mem>>) src(%dma_wait3A_83 : memref<262144x256xf32, #tpu.memory_space<hbm>>) dst(%arg7 : memref<128x256xf32, #tpu.memory_space<vmem>>)
      %gt3A_84 = arith.constant 0 : i32
      %gt3A_85 = arith.cmpi sgt, %scan3A_37, %gt3A_84 : i32
      %convert_element_type3A_86 = arith.extui %gt3A_85 : i1 to i32
      %cond3A_87 = arith.constant 0 : i32
      %cond3A_88 = arith.cmpi ne, %convert_element_type3A_86, %cond3A_87 : i32
      scf.if %cond3A_88 {
        %dma_wait3A_114 = arith.constant 0 : i32
        %dma_wait3A_115 = tpu.memref_slice %arg4[%mul3A_2, %dma_wait3A_114] : memref<65536x192xf32, #tpu.memory_space<hbm>> -> memref<32x192xf32, #tpu.memory_space<hbm>>
        %dma_wait3A_116 = arith.constant 0 : i32
        %dma_wait3A_117 = tpu.memref_slice %arg4[%mul3A_2, %dma_wait3A_116] : memref<65536x192xf32, #tpu.memory_space<hbm>> -> memref<32x192xf32, #tpu.memory_space<hbm>>
        tpu.wait_dma2 semaphore(%arg13 : memref<!tpu.dma_semaphore, #tpu.memory_space<semaphore_mem>>) src(%arg9 : memref<32x192xf32, #tpu.memory_space<vmem>>) dst(%dma_wait3A_117 : memref<32x192xf32, #tpu.memory_space<hbm>>)
      } else {
      }
      %scan3A_89 = arith.constant 0 : i32
      %scan3A_90 = arith.constant 0 : i32
      %scan3A_91 = arith.constant 32 : i32
      %scan3A_92 = arith.addi %scan3A_90, %scan3A_91 : i32
      %scan3A_93 = arith.constant 1 : i32
      %scan3A_94 = scf.for %scan3A_114 = %scan3A_90 to %scan3A_92 step %scan3A_93 iter_args(%scan3A_115 = %scan3A_89) -> (i32)  : i32 {
        %mul3A_116 = arith.constant 4 : i32
        %mul3A_117 = arith.muli %mul3A_116, %scan3A_114 : i32
        %get3A = arith.index_cast %mul3A_117 : i32 to index
        %get3A_118 = arith.constant 0 : index
        %get3A_119 = tpu.vector_load %arg7[%get3A, %get3A_118] {strides = array<i32>} : memref<128x256xf32, #tpu.memory_space<vmem>>, vector<1x16xf32>,
        %get3A_120 = vector.shape_cast %get3A_119 : vector<1x16xf32> to vector<16xf32>
        %mul3A_121 = arith.constant 4 : i32
        %mul3A_122 = arith.muli %mul3A_121, %scan3A_114 : i32
        %add3A_123 = arith.constant 1 : i32
        %add3A_124 = arith.addi %mul3A_122, %add3A_123 : i32
        %get3A_125 = arith.index_cast %add3A_124 : i32 to index
        %get3A_126 = arith.constant 0 : index
        %get3A_127 = tpu.vector_load %arg7[%get3A_125, %get3A_126] {strides = array<i32>} : memref<128x256xf32, #tpu.memory_space<vmem>>, vector<1x16xf32>,
        %get3A_128 = vector.shape_cast %get3A_127 : vector<1x16xf32> to vector<16xf32>
        %max3A = arith.maximumf %get3A_120, %get3A_128 : vector<16xf32>
        %mul3A_129 = arith.constant 4 : i32
        %mul3A_130 = arith.muli %mul3A_129, %scan3A_114 : i32
        %add3A_131 = arith.constant 2 : i32
        %add3A_132 = arith.addi %mul3A_130, %add3A_131 : i32
        %get3A_133 = arith.index_cast %add3A_132 : i32 to index
        %get3A_134 = arith.constant 0 : index
        %get3A_135 = tpu.vector_load %arg7[%get3A_133, %get3A_134] {strides = array<i32>} : memref<128x256xf32, #tpu.memory_space<vmem>>, vector<1x16xf32>,
        %get3A_136 = vector.shape_cast %get3A_135 : vector<1x16xf32> to vector<16xf32>
        %mul3A_137 = arith.constant 4 : i32
        %mul3A_138 = arith.muli %mul3A_137, %scan3A_114 : i32
        %add3A_139 = arith.constant 3 : i32
        %add3A_140 = arith.addi %mul3A_138, %add3A_139 : i32
        %get3A_141 = arith.index_cast %add3A_140 : i32 to index
        %get3A_142 = arith.constant 0 : index
        %get3A_143 = tpu.vector_load %arg7[%get3A_141, %get3A_142] {strides = array<i32>} : memref<128x256xf32, #tpu.memory_space<vmem>>, vector<1x16xf32>,
        %get3A_144 = vector.shape_cast %get3A_143 : vector<1x16xf32> to vector<16xf32>
        %max3A_145 = arith.maximumf %get3A_136, %get3A_144 : vector<16xf32>
        %max3A_146 = arith.maximumf %max3A, %max3A_145 : vector<16xf32>
        %swap3A = arith.index_cast %scan3A_114 : i32 to index
        %swap3A_147 = arith.constant 0 : index
        %swap3A_148 = tpu.vector_load %arg9[%swap3A, %swap3A_147] {strides = array<i32>} : memref<32x192xf32, #tpu.memory_space<vmem>>, vector<1x16xf32>,
        %swap3A_149 = vector.shape_cast %swap3A_148 : vector<1x16xf32> to vector<16xf32>
        %swap3A_150 = vector.shape_cast %max3A_146 : vector<16xf32> to vector<1x16xf32>
        tpu.vector_store %arg9[%swap3A, %swap3A_147], %swap3A_150 {strides = array<i32>} : memref<32x192xf32, #tpu.memory_space<vmem>>, vector<1x16xf32>,
        %mul3A_151 = arith.constant 4 : i32
        %mul3A_152 = arith.muli %mul3A_151, %scan3A_114 : i32
        %get3A_153 = arith.index_cast %mul3A_152 : i32 to index
        %get3A_154 = arith.constant 16 : index
        %get3A_155 = tpu.vector_load %arg7[%get3A_153, %get3A_154] {strides = array<i32>} : memref<128x256xf32, #tpu.memory_space<vmem>>, vector<1x16xf32>,
        %get3A_156 = vector.shape_cast %get3A_155 : vector<1x16xf32> to vector<16xf32>
        %mul3A_157 = arith.constant 4 : i32
        %mul3A_158 = arith.muli %mul3A_157, %scan3A_114 : i32
        %add3A_159 = arith.constant 1 : i32
        %add3A_160 = arith.addi %mul3A_158, %add3A_159 : i32
        %get3A_161 = arith.index_cast %add3A_160 : i32 to index
        %get3A_162 = arith.constant 16 : index
        %get3A_163 = tpu.vector_load %arg7[%get3A_161, %get3A_162] {strides = array<i32>} : memref<128x256xf32, #tpu.memory_space<vmem>>, vector<1x16xf32>,
        %get3A_164 = vector.shape_cast %get3A_163 : vector<1x16xf32> to vector<16xf32>
        %max3A_165 = arith.maximumf %get3A_156, %get3A_164 : vector<16xf32>
        %mul3A_166 = arith.constant 4 : i32
        %mul3A_167 = arith.muli %mul3A_166, %scan3A_114 : i32
        %add3A_168 = arith.constant 2 : i32
        %add3A_169 = arith.addi %mul3A_167, %add3A_168 : i32
        %get3A_170 = arith.index_cast %add3A_169 : i32 to index
        %get3A_171 = arith.constant 16 : index
        %get3A_172 = tpu.vector_load %arg7[%get3A_170, %get3A_171] {strides = array<i32>} : memref<128x256xf32, #tpu.memory_space<vmem>>, vector<1x16xf32>,
        %get3A_173 = vector.shape_cast %get3A_172 : vector<1x16xf32> to vector<16xf32>
        %mul3A_174 = arith.constant 4 : i32
        %mul3A_175 = arith.muli %mul3A_174, %scan3A_114 : i32
        %add3A_176 = arith.constant 3 : i32
        %add3A_177 = arith.addi %mul3A_175, %add3A_176 : i32
        %get3A_178 = arith.index_cast %add3A_177 : i32 to index
        %get3A_179 = arith.constant 16 : index
        %get3A_180 = tpu.vector_load %arg7[%get3A_178, %get3A_179] {strides = array<i32>} : memref<128x256xf32, #tpu.memory_space<vmem>>, vector<1x16xf32>,
        %get3A_181 = vector.shape_cast %get3A_180 : vector<1x16xf32> to vector<16xf32>
        %max3A_182 = arith.maximumf %get3A_173, %get3A_181 : vector<16xf32>
        %max3A_183 = arith.maximumf %max3A_165, %max3A_182 : vector<16xf32>
        %swap3A_184 = arith.index_cast %scan3A_114 : i32 to index
        %swap3A_185 = arith.constant 16 : index
        %swap3A_186 = tpu.vector_load %arg9[%swap3A_184, %swap3A_185] {strides = array<i32>} : memref<32x192xf32, #tpu.memory_space<vmem>>, vector<1x16xf32>,
        %swap3A_187 = vector.shape_cast %swap3A_186 : vector<1x16xf32> to vector<16xf32>
        %swap3A_188 = vector.shape_cast %max3A_183 : vector<16xf32> to vector<1x16xf32>
        tpu.vector_store %arg9[%swap3A_184, %swap3A_185], %swap3A_188 {strides = array<i32>} : memref<32x192xf32, #tpu.memory_space<vmem>>, vector<1x16xf32>,
        %mul3A_189 = arith.constant 4 : i32
        %mul3A_190 = arith.muli %mul3A_189, %scan3A_114 : i32
        %get3A_191 = arith.index_cast %mul3A_190 : i32 to index
        %get3A_192 = arith.constant 32 : index
        %get3A_193 = tpu.vector_load %arg7[%get3A_191, %get3A_192] {strides = array<i32>} : memref<128x256xf32, #tpu.memory_space<vmem>>, vector<1x16xf32>,
        %get3A_194 = vector.shape_cast %get3A_193 : vector<1x16xf32> to vector<16xf32>
        %mul3A_195 = arith.constant 4 : i32
        %mul3A_196 = arith.muli %mul3A_195, %scan3A_114 : i32
        %add3A_197 = arith.constant 1 : i32
        %add3A_198 = arith.addi %mul3A_196, %add3A_197 : i32
        %get3A_199 = arith.index_cast %add3A_198 : i32 to index
        %get3A_200 = arith.constant 32 : index
        %get3A_201 = tpu.vector_load %arg7[%get3A_199, %get3A_200] {strides = array<i32>} : memref<128x256xf32, #tpu.memory_space<vmem>>, vector<1x16xf32>,
        %get3A_202 = vector.shape_cast %get3A_201 : vector<1x16xf32> to vector<16xf32>
        %max3A_203 = arith.maximumf %get3A_194, %get3A_202 : vector<16xf32>
        %mul3A_204 = arith.constant 4 : i32
        %mul3A_205 = arith.muli %mul3A_204, %scan3A_114 : i32
        %add3A_206 = arith.constant 2 : i32
        %add3A_207 = arith.addi %mul3A_205, %add3A_206 : i32
        %get3A_208 = arith.index_cast %add3A_207 : i32 to index
        %get3A_209 = arith.constant 32 : index
        %get3A_210 = tpu.vector_load %arg7[%get3A_208, %get3A_209] {strides = array<i32>} : memref<128x256xf32, #tpu.memory_space<vmem>>, vector<1x16xf32>,
        %get3A_211 = vector.shape_cast %get3A_210 : vector<1x16xf32> to vector<16xf32>
        %mul3A_212 = arith.constant 4 : i32
        %mul3A_213 = arith.muli %mul3A_212, %scan3A_114 : i32
        %add3A_214 = arith.constant 3 : i32
        %add3A_215 = arith.addi %mul3A_213, %add3A_214 : i32
        %get3A_216 = arith.index_cast %add3A_215 : i32 to index
        %get3A_217 = arith.constant 32 : index
        %get3A_218 = tpu.vector_load %arg7[%get3A_216, %get3A_217] {strides = array<i32>} : memref<128x256xf32, #tpu.memory_space<vmem>>, vector<1x16xf32>,
        %get3A_219 = vector.shape_cast %get3A_218 : vector<1x16xf32> to vector<16xf32>
        %max3A_220 = arith.maximumf %get3A_211, %get3A_219 : vector<16xf32>
        %max3A_221 = arith.maximumf %max3A_203, %max3A_220 : vector<16xf32>
        %swap3A_222 = arith.index_cast %scan3A_114 : i32 to index
        %swap3A_223 = arith.constant 32 : index
        %swap3A_224 = tpu.vector_load %arg9[%swap3A_222, %swap3A_223] {strides = array<i32>} : memref<32x192xf32, #tpu.memory_space<vmem>>, vector<1x16xf32>,
        %swap3A_225 = vector.shape_cast %swap3A_224 : vector<1x16xf32> to vector<16xf32>
        %swap3A_226 = vector.shape_cast %max3A_221 : vector<16xf32> to vector<1x16xf32>
        tpu.vector_store %arg9[%swap3A_222, %swap3A_223], %swap3A_226 {strides = array<i32>} : memref<32x192xf32, #tpu.memory_space<vmem>>, vector<1x16xf32>,
        %mul3A_227 = arith.constant 4 : i32
        %mul3A_228 = arith.muli %mul3A_227, %scan3A_114 : i32
        %get3A_229 = arith.index_cast %mul3A_228 : i32 to index
        %get3A_230 = arith.constant 48 : index
        %get3A_231 = tpu.vector_load %arg7[%get3A_229, %get3A_230] {strides = array<i32>} : memref<128x256xf32, #tpu.memory_space<vmem>>, vector<1x16xf32>,
        %get3A_232 = vector.shape_cast %get3A_231 : vector<1x16xf32> to vector<16xf32>
        %mul3A_233 = arith.constant 4 : i32
        %mul3A_234 = arith.muli %mul3A_233, %scan3A_114 : i32
        %add3A_235 = arith.constant 1 : i32
        %add3A_236 = arith.addi %mul3A_234, %add3A_235 : i32
        %get3A_237 = arith.index_cast %add3A_236 : i32 to index
        %get3A_238 = arith.constant 48 : index
        %get3A_239 = tpu.vector_load %arg7[%get3A_237, %get3A_238] {strides = array<i32>} : memref<128x256xf32, #tpu.memory_space<vmem>>, vector<1x16xf32>,
        %get3A_240 = vector.shape_cast %get3A_239 : vector<1x16xf32> to vector<16xf32>
        %max3A_241 = arith.maximumf %get3A_232, %get3A_240 : vector<16xf32>
        %mul3A_242 = arith.constant 4 : i32
        %mul3A_243 = arith.muli %mul3A_242, %scan3A_114 : i32
        %add3A_244 = arith.constant 2 : i32
        %add3A_245 = arith.addi %mul3A_243, %add3A_244 : i32
        %get3A_246 = arith.index_cast %add3A_245 : i32 to index
        %get3A_247 = arith.constant 48 : index
        %get3A_248 = tpu.vector_load %arg7[%get3A_246, %get3A_247] {strides = array<i32>} : memref<128x256xf32, #tpu.memory_space<vmem>>, vector<1x16xf32>,
        %get3A_249 = vector.shape_cast %get3A_248 : vector<1x16xf32> to vector<16xf32>
        %mul3A_250 = arith.constant 4 : i32
        %mul3A_251 = arith.muli %mul3A_250, %scan3A_114 : i32
        %add3A_252 = arith.constant 3 : i32
        %add3A_253 = arith.addi %mul3A_251, %add3A_252 : i32
        %get3A_254 = arith.index_cast %add3A_253 : i32 to index
        %get3A_255 = arith.constant 48 : index
        %get3A_256 = tpu.vector_load %arg7[%get3A_254, %get3A_255] {strides = array<i32>} : memref<128x256xf32, #tpu.memory_space<vmem>>, vector<1x16xf32>,
        %get3A_257 = vector.shape_cast %get3A_256 : vector<1x16xf32> to vector<16xf32>
        %max3A_258 = arith.maximumf %get3A_249, %get3A_257 : vector<16xf32>
        %max3A_259 = arith.maximumf %max3A_241, %max3A_258 : vector<16xf32>
        %swap3A_260 = arith.index_cast %scan3A_114 : i32 to index
        %swap3A_261 = arith.constant 48 : index
        %swap3A_262 = tpu.vector_load %arg9[%swap3A_260, %swap3A_261] {strides = array<i32>} : memref<32x192xf32, #tpu.memory_space<vmem>>, vector<1x16xf32>,
        %swap3A_263 = vector.shape_cast %swap3A_262 : vector<1x16xf32> to vector<16xf32>
        %swap3A_264 = vector.shape_cast %max3A_259 : vector<16xf32> to vector<1x16xf32>
        tpu.vector_store %arg9[%swap3A_260, %swap3A_261], %swap3A_264 {strides = array<i32>} : memref<32x192xf32, #tpu.memory_space<vmem>>, vector<1x16xf32>,
        %mul3A_265 = arith.constant 4 : i32
        %mul3A_266 = arith.muli %mul3A_265, %scan3A_114 : i32
        %get3A_267 = arith.index_cast %mul3A_266 : i32 to index
        %get3A_268 = arith.constant 64 : index
        %get3A_269 = tpu.vector_load %arg7[%get3A_267, %get3A_268] {strides = array<i32>} : memref<128x256xf32, #tpu.memory_space<vmem>>, vector<1x16xf32>,
        %get3A_270 = vector.shape_cast %get3A_269 : vector<1x16xf32> to vector<16xf32>
        %mul3A_271 = arith.constant 4 : i32
        %mul3A_272 = arith.muli %mul3A_271, %scan3A_114 : i32
        %add3A_273 = arith.constant 1 : i32
        %add3A_274 = arith.addi %mul3A_272, %add3A_273 : i32
        %get3A_275 = arith.index_cast %add3A_274 : i32 to index
        %get3A_276 = arith.constant 64 : index
        %get3A_277 = tpu.vector_load %arg7[%get3A_275, %get3A_276] {strides = array<i32>} : memref<128x256xf32, #tpu.memory_space<vmem>>, vector<1x16xf32>,
        %get3A_278 = vector.shape_cast %get3A_277 : vector<1x16xf32> to vector<16xf32>
        %max3A_279 = arith.maximumf %get3A_270, %get3A_278 : vector<16xf32>
        %mul3A_280 = arith.constant 4 : i32
        %mul3A_281 = arith.muli %mul3A_280, %scan3A_114 : i32
        %add3A_282 = arith.constant 2 : i32
        %add3A_283 = arith.addi %mul3A_281, %add3A_282 : i32
        %get3A_284 = arith.index_cast %add3A_283 : i32 to index
        %get3A_285 = arith.constant 64 : index
        %get3A_286 = tpu.vector_load %arg7[%get3A_284, %get3A_285] {strides = array<i32>} : memref<128x256xf32, #tpu.memory_space<vmem>>, vector<1x16xf32>,
        %get3A_287 = vector.shape_cast %get3A_286 : vector<1x16xf32> to vector<16xf32>
        %mul3A_288 = arith.constant 4 : i32
        %mul3A_289 = arith.muli %mul3A_288, %scan3A_114 : i32
        %add3A_290 = arith.constant 3 : i32
        %add3A_291 = arith.addi %mul3A_289, %add3A_290 : i32
        %get3A_292 = arith.index_cast %add3A_291 : i32 to index
        %get3A_293 = arith.constant 64 : index
        %get3A_294 = tpu.vector_load %arg7[%get3A_292, %get3A_293] {strides = array<i32>} : memref<128x256xf32, #tpu.memory_space<vmem>>, vector<1x16xf32>,
        %get3A_295 = vector.shape_cast %get3A_294 : vector<1x16xf32> to vector<16xf32>
        %max3A_296 = arith.maximumf %get3A_287, %get3A_295 : vector<16xf32>
        %max3A_297 = arith.maximumf %max3A_279, %max3A_296 : vector<16xf32>
        %swap3A_298 = arith.index_cast %scan3A_114 : i32 to index
        %swap3A_299 = arith.constant 64 : index
        %swap3A_300 = tpu.vector_load %arg9[%swap3A_298, %swap3A_299] {strides = array<i32>} : memref<32x192xf32, #tpu.memory_space<vmem>>, vector<1x16xf32>,
        %swap3A_301 = vector.shape_cast %swap3A_300 : vector<1x16xf32> to vector<16xf32>
        %swap3A_302 = vector.shape_cast %max3A_297 : vector<16xf32> to vector<1x16xf32>
        tpu.vector_store %arg9[%swap3A_298, %swap3A_299], %swap3A_302 {strides = array<i32>} : memref<32x192xf32, #tpu.memory_space<vmem>>, vector<1x16xf32>,
        %mul3A_303 = arith.constant 4 : i32
        %mul3A_304 = arith.muli %mul3A_303, %scan3A_114 : i32
        %get3A_305 = arith.index_cast %mul3A_304 : i32 to index
        %get3A_306 = arith.constant 80 : index
        %get3A_307 = tpu.vector_load %arg7[%get3A_305, %get3A_306] {strides = array<i32>} : memref<128x256xf32, #tpu.memory_space<vmem>>, vector<1x16xf32>,
        %get3A_308 = vector.shape_cast %get3A_307 : vector<1x16xf32> to vector<16xf32>
        %mul3A_309 = arith.constant 4 : i32
        %mul3A_310 = arith.muli %mul3A_309, %scan3A_114 : i32
        %add3A_311 = arith.constant 1 : i32
        %add3A_312 = arith.addi %mul3A_310, %add3A_311 : i32
        %get3A_313 = arith.index_cast %add3A_312 : i32 to index
        %get3A_314 = arith.constant 80 : index
        %get3A_315 = tpu.vector_load %arg7[%get3A_313, %get3A_314] {strides = array<i32>} : memref<128x256xf32, #tpu.memory_space<vmem>>, vector<1x16xf32>,
        %get3A_316 = vector.shape_cast %get3A_315 : vector<1x16xf32> to vector<16xf32>
        %max3A_317 = arith.maximumf %get3A_308, %get3A_316 : vector<16xf32>
        %mul3A_318 = arith.constant 4 : i32
        %mul3A_319 = arith.muli %mul3A_318, %scan3A_114 : i32
        %add3A_320 = arith.constant 2 : i32
        %add3A_321 = arith.addi %mul3A_319, %add3A_320 : i32
        %get3A_322 = arith.index_cast %add3A_321 : i32 to index
        %get3A_323 = arith.constant 80 : index
        %get3A_324 = tpu.vector_load %arg7[%get3A_322, %get3A_323] {strides = array<i32>} : memref<128x256xf32, #tpu.memory_space<vmem>>, vector<1x16xf32>,
        %get3A_325 = vector.shape_cast %get3A_324 : vector<1x16xf32> to vector<16xf32>
        %mul3A_326 = arith.constant 4 : i32
        %mul3A_327 = arith.muli %mul3A_326, %scan3A_114 : i32
        %add3A_328 = arith.constant 3 : i32
        %add3A_329 = arith.addi %mul3A_327, %add3A_328 : i32
        %get3A_330 = arith.index_cast %add3A_329 : i32 to index
        %get3A_331 = arith.constant 80 : index
        %get3A_332 = tpu.vector_load %arg7[%get3A_330, %get3A_331] {strides = array<i32>} : memref<128x256xf32, #tpu.memory_space<vmem>>, vector<1x16xf32>,
        %get3A_333 = vector.shape_cast %get3A_332 : vector<1x16xf32> to vector<16xf32>
        %max3A_334 = arith.maximumf %get3A_325, %get3A_333 : vector<16xf32>
        %max3A_335 = arith.maximumf %max3A_317, %max3A_334 : vector<16xf32>
        %swap3A_336 = arith.index_cast %scan3A_114 : i32 to index
        %swap3A_337 = arith.constant 80 : index
        %swap3A_338 = tpu.vector_load %arg9[%swap3A_336, %swap3A_337] {strides = array<i32>} : memref<32x192xf32, #tpu.memory_space<vmem>>, vector<1x16xf32>,
        %swap3A_339 = vector.shape_cast %swap3A_338 : vector<1x16xf32> to vector<16xf32>
        %swap3A_340 = vector.shape_cast %max3A_335 : vector<16xf32> to vector<1x16xf32>
        tpu.vector_store %arg9[%swap3A_336, %swap3A_337], %swap3A_340 {strides = array<i32>} : memref<32x192xf32, #tpu.memory_space<vmem>>, vector<1x16xf32>,
        %mul3A_341 = arith.constant 4 : i32
        %mul3A_342 = arith.muli %mul3A_341, %scan3A_114 : i32
        %get3A_343 = arith.index_cast %mul3A_342 : i32 to index
        %get3A_344 = arith.constant 96 : index
        %get3A_345 = tpu.vector_load %arg7[%get3A_343, %get3A_344] {strides = array<i32>} : memref<128x256xf32, #tpu.memory_space<vmem>>, vector<1x16xf32>,
        %get3A_346 = vector.shape_cast %get3A_345 : vector<1x16xf32> to vector<16xf32>
        %mul3A_347 = arith.constant 4 : i32
        %mul3A_348 = arith.muli %mul3A_347, %scan3A_114 : i32
        %add3A_349 = arith.constant 1 : i32
        %add3A_350 = arith.addi %mul3A_348, %add3A_349 : i32
        %get3A_351 = arith.index_cast %add3A_350 : i32 to index
        %get3A_352 = arith.constant 96 : index
        %get3A_353 = tpu.vector_load %arg7[%get3A_351, %get3A_352] {strides = array<i32>} : memref<128x256xf32, #tpu.memory_space<vmem>>, vector<1x16xf32>,
        %get3A_354 = vector.shape_cast %get3A_353 : vector<1x16xf32> to vector<16xf32>
        %max3A_355 = arith.maximumf %get3A_346, %get3A_354 : vector<16xf32>
        %mul3A_356 = arith.constant 4 : i32
        %mul3A_357 = arith.muli %mul3A_356, %scan3A_114 : i32
        %add3A_358 = arith.constant 2 : i32
        %add3A_359 = arith.addi %mul3A_357, %add3A_358 : i32
        %get3A_360 = arith.index_cast %add3A_359 : i32 to index
        %get3A_361 = arith.constant 96 : index
        %get3A_362 = tpu.vector_load %arg7[%get3A_360, %get3A_361] {strides = array<i32>} : memref<128x256xf32, #tpu.memory_space<vmem>>, vector<1x16xf32>,
        %get3A_363 = vector.shape_cast %get3A_362 : vector<1x16xf32> to vector<16xf32>
        %mul3A_364 = arith.constant 4 : i32
        %mul3A_365 = arith.muli %mul3A_364, %scan3A_114 : i32
        %add3A_366 = arith.constant 3 : i32
        %add3A_367 = arith.addi %mul3A_365, %add3A_366 : i32
        %get3A_368 = arith.index_cast %add3A_367 : i32 to index
        %get3A_369 = arith.constant 96 : index
        %get3A_370 = tpu.vector_load %arg7[%get3A_368, %get3A_369] {strides = array<i32>} : memref<128x256xf32, #tpu.memory_space<vmem>>, vector<1x16xf32>,
        %get3A_371 = vector.shape_cast %get3A_370 : vector<1x16xf32> to vector<16xf32>
        %max3A_372 = arith.maximumf %get3A_363, %get3A_371 : vector<16xf32>
        %max3A_373 = arith.maximumf %max3A_355, %max3A_372 : vector<16xf32>
        %swap3A_374 = arith.index_cast %scan3A_114 : i32 to index
        %swap3A_375 = arith.constant 96 : index
        %swap3A_376 = tpu.vector_load %arg9[%swap3A_374, %swap3A_375] {strides = array<i32>} : memref<32x192xf32, #tpu.memory_space<vmem>>, vector<1x16xf32>,
        %swap3A_377 = vector.shape_cast %swap3A_376 : vector<1x16xf32> to vector<16xf32>
        %swap3A_378 = vector.shape_cast %max3A_373 : vector<16xf32> to vector<1x16xf32>
        tpu.vector_store %arg9[%swap3A_374, %swap3A_375], %swap3A_378 {strides = array<i32>} : memref<32x192xf32, #tpu.memory_space<vmem>>, vector<1x16xf32>,
        %mul3A_379 = arith.constant 4 : i32
        %mul3A_380 = arith.muli %mul3A_379, %scan3A_114 : i32
        %get3A_381 = arith.index_cast %mul3A_380 : i32 to index
        %get3A_382 = arith.constant 112 : index
        %get3A_383 = tpu.vector_load %arg7[%get3A_381, %get3A_382] {strides = array<i32>} : memref<128x256xf32, #tpu.memory_space<vmem>>, vector<1x16xf32>,
        %get3A_384 = vector.shape_cast %get3A_383 : vector<1x16xf32> to vector<16xf32>
        %mul3A_385 = arith.constant 4 : i32
        %mul3A_386 = arith.muli %mul3A_385, %scan3A_114 : i32
        %add3A_387 = arith.constant 1 : i32
        %add3A_388 = arith.addi %mul3A_386, %add3A_387 : i32
        %get3A_389 = arith.index_cast %add3A_388 : i32 to index
        %get3A_390 = arith.constant 112 : index
        %get3A_391 = tpu.vector_load %arg7[%get3A_389, %get3A_390] {strides = array<i32>} : memref<128x256xf32, #tpu.memory_space<vmem>>, vector<1x16xf32>,
        %get3A_392 = vector.shape_cast %get3A_391 : vector<1x16xf32> to vector<16xf32>
        %max3A_393 = arith.maximumf %get3A_384, %get3A_392 : vector<16xf32>
        %mul3A_394 = arith.constant 4 : i32
        %mul3A_395 = arith.muli %mul3A_394, %scan3A_114 : i32
        %add3A_396 = arith.constant 2 : i32
        %add3A_397 = arith.addi %mul3A_395, %add3A_396 : i32
        %get3A_398 = arith.index_cast %add3A_397 : i32 to index
        %get3A_399 = arith.constant 112 : index
        %get3A_400 = tpu.vector_load %arg7[%get3A_398, %get3A_399] {strides = array<i32>} : memref<128x256xf32, #tpu.memory_space<vmem>>, vector<1x16xf32>,
        %get3A_401 = vector.shape_cast %get3A_400 : vector<1x16xf32> to vector<16xf32>
        %mul3A_402 = arith.constant 4 : i32
        %mul3A_403 = arith.muli %mul3A_402, %scan3A_114 : i32
        %add3A_404 = arith.constant 3 : i32
        %add3A_405 = arith.addi %mul3A_403, %add3A_404 : i32
        %get3A_406 = arith.index_cast %add3A_405 : i32 to index
        %get3A_407 = arith.constant 112 : index
        %get3A_408 = tpu.vector_load %arg7[%get3A_406, %get3A_407] {strides = array<i32>} : memref<128x256xf32, #tpu.memory_space<vmem>>, vector<1x16xf32>,
        %get3A_409 = vector.shape_cast %get3A_408 : vector<1x16xf32> to vector<16xf32>
        %max3A_410 = arith.maximumf %get3A_401, %get3A_409 : vector<16xf32>
        %max3A_411 = arith.maximumf %max3A_393, %max3A_410 : vector<16xf32>
        %swap3A_412 = arith.index_cast %scan3A_114 : i32 to index
        %swap3A_413 = arith.constant 112 : index
        %swap3A_414 = tpu.vector_load %arg9[%swap3A_412, %swap3A_413] {strides = array<i32>} : memref<32x192xf32, #tpu.memory_space<vmem>>, vector<1x16xf32>,
        %swap3A_415 = vector.shape_cast %swap3A_414 : vector<1x16xf32> to vector<16xf32>
        %swap3A_416 = vector.shape_cast %max3A_411 : vector<16xf32> to vector<1x16xf32>
        tpu.vector_store %arg9[%swap3A_412, %swap3A_413], %swap3A_416 {strides = array<i32>} : memref<32x192xf32, #tpu.memory_space<vmem>>, vector<1x16xf32>,
        %mul3A_417 = arith.constant 4 : i32
        %mul3A_418 = arith.muli %mul3A_417, %scan3A_114 : i32
        %get3A_419 = arith.index_cast %mul3A_418 : i32 to index
        %get3A_420 = arith.constant 128 : index
        %get3A_421 = tpu.vector_load %arg7[%get3A_419, %get3A_420] {strides = array<i32>} : memref<128x256xf32, #tpu.memory_space<vmem>>, vector<1x16xf32>,
        %get3A_422 = vector.shape_cast %get3A_421 : vector<1x16xf32> to vector<16xf32>
        %mul3A_423 = arith.constant 4 : i32
        %mul3A_424 = arith.muli %mul3A_423, %scan3A_114 : i32
        %add3A_425 = arith.constant 1 : i32
        %add3A_426 = arith.addi %mul3A_424, %add3A_425 : i32
        %get3A_427 = arith.index_cast %add3A_426 : i32 to index
        %get3A_428 = arith.constant 128 : index
        %get3A_429 = tpu.vector_load %arg7[%get3A_427, %get3A_428] {strides = array<i32>} : memref<128x256xf32, #tpu.memory_space<vmem>>, vector<1x16xf32>,
        %get3A_430 = vector.shape_cast %get3A_429 : vector<1x16xf32> to vector<16xf32>
        %max3A_431 = arith.maximumf %get3A_422, %get3A_430 : vector<16xf32>
        %mul3A_432 = arith.constant 4 : i32
        %mul3A_433 = arith.muli %mul3A_432, %scan3A_114 : i32
        %add3A_434 = arith.constant 2 : i32
        %add3A_435 = arith.addi %mul3A_433, %add3A_434 : i32
        %get3A_436 = arith.index_cast %add3A_435 : i32 to index
        %get3A_437 = arith.constant 128 : index
        %get3A_438 = tpu.vector_load %arg7[%get3A_436, %get3A_437] {strides = array<i32>} : memref<128x256xf32, #tpu.memory_space<vmem>>, vector<1x16xf32>,
        %get3A_439 = vector.shape_cast %get3A_438 : vector<1x16xf32> to vector<16xf32>
        %mul3A_440 = arith.constant 4 : i32
        %mul3A_441 = arith.muli %mul3A_440, %scan3A_114 : i32
        %add3A_442 = arith.constant 3 : i32
        %add3A_443 = arith.addi %mul3A_441, %add3A_442 : i32
        %get3A_444 = arith.index_cast %add3A_443 : i32 to index
        %get3A_445 = arith.constant 128 : index
        %get3A_446 = tpu.vector_load %arg7[%get3A_444, %get3A_445] {strides = array<i32>} : memref<128x256xf32, #tpu.memory_space<vmem>>, vector<1x16xf32>,
        %get3A_447 = vector.shape_cast %get3A_446 : vector<1x16xf32> to vector<16xf32>
        %max3A_448 = arith.maximumf %get3A_439, %get3A_447 : vector<16xf32>
        %max3A_449 = arith.maximumf %max3A_431, %max3A_448 : vector<16xf32>
        %swap3A_450 = arith.index_cast %scan3A_114 : i32 to index
        %swap3A_451 = arith.constant 128 : index
        %swap3A_452 = tpu.vector_load %arg9[%swap3A_450, %swap3A_451] {strides = array<i32>} : memref<32x192xf32, #tpu.memory_space<vmem>>, vector<1x16xf32>,
        %swap3A_453 = vector.shape_cast %swap3A_452 : vector<1x16xf32> to vector<16xf32>
        %swap3A_454 = vector.shape_cast %max3A_449 : vector<16xf32> to vector<1x16xf32>
        tpu.vector_store %arg9[%swap3A_450, %swap3A_451], %swap3A_454 {strides = array<i32>} : memref<32x192xf32, #tpu.memory_space<vmem>>, vector<1x16xf32>,
        %mul3A_455 = arith.constant 4 : i32
        %mul3A_456 = arith.muli %mul3A_455, %scan3A_114 : i32
        %get3A_457 = arith.index_cast %mul3A_456 : i32 to index
        %get3A_458 = arith.constant 144 : index
        %get3A_459 = tpu.vector_load %arg7[%get3A_457, %get3A_458] {strides = array<i32>} : memref<128x256xf32, #tpu.memory_space<vmem>>, vector<1x16xf32>,
        %get3A_460 = vector.shape_cast %get3A_459 : vector<1x16xf32> to vector<16xf32>
        %mul3A_461 = arith.constant 4 : i32
        %mul3A_462 = arith.muli %mul3A_461, %scan3A_114 : i32
        %add3A_463 = arith.constant 1 : i32
        %add3A_464 = arith.addi %mul3A_462, %add3A_463 : i32
        %get3A_465 = arith.index_cast %add3A_464 : i32 to index
        %get3A_466 = arith.constant 144 : index
        %get3A_467 = tpu.vector_load %arg7[%get3A_465, %get3A_466] {strides = array<i32>} : memref<128x256xf32, #tpu.memory_space<vmem>>, vector<1x16xf32>,
        %get3A_468 = vector.shape_cast %get3A_467 : vector<1x16xf32> to vector<16xf32>
        %max3A_469 = arith.maximumf %get3A_460, %get3A_468 : vector<16xf32>
        %mul3A_470 = arith.constant 4 : i32
        %mul3A_471 = arith.muli %mul3A_470, %scan3A_114 : i32
        %add3A_472 = arith.constant 2 : i32
        %add3A_473 = arith.addi %mul3A_471, %add3A_472 : i32
        %get3A_474 = arith.index_cast %add3A_473 : i32 to index
        %get3A_475 = arith.constant 144 : index
        %get3A_476 = tpu.vector_load %arg7[%get3A_474, %get3A_475] {strides = array<i32>} : memref<128x256xf32, #tpu.memory_space<vmem>>, vector<1x16xf32>,
        %get3A_477 = vector.shape_cast %get3A_476 : vector<1x16xf32> to vector<16xf32>
        %mul3A_478 = arith.constant 4 : i32
        %mul3A_479 = arith.muli %mul3A_478, %scan3A_114 : i32
        %add3A_480 = arith.constant 3 : i32
        %add3A_481 = arith.addi %mul3A_479, %add3A_480 : i32
        %get3A_482 = arith.index_cast %add3A_481 : i32 to index
        %get3A_483 = arith.constant 144 : index
        %get3A_484 = tpu.vector_load %arg7[%get3A_482, %get3A_483] {strides = array<i32>} : memref<128x256xf32, #tpu.memory_space<vmem>>, vector<1x16xf32>,
        %get3A_485 = vector.shape_cast %get3A_484 : vector<1x16xf32> to vector<16xf32>
        %max3A_486 = arith.maximumf %get3A_477, %get3A_485 : vector<16xf32>
        %max3A_487 = arith.maximumf %max3A_469, %max3A_486 : vector<16xf32>
        %swap3A_488 = arith.index_cast %scan3A_114 : i32 to index
        %swap3A_489 = arith.constant 144 : index
        %swap3A_490 = tpu.vector_load %arg9[%swap3A_488, %swap3A_489] {strides = array<i32>} : memref<32x192xf32, #tpu.memory_space<vmem>>, vector<1x16xf32>,
        %swap3A_491 = vector.shape_cast %swap3A_490 : vector<1x16xf32> to vector<16xf32>
        %swap3A_492 = vector.shape_cast %max3A_487 : vector<16xf32> to vector<1x16xf32>
        tpu.vector_store %arg9[%swap3A_488, %swap3A_489], %swap3A_492 {strides = array<i32>} : memref<32x192xf32, #tpu.memory_space<vmem>>, vector<1x16xf32>,
        %mul3A_493 = arith.constant 4 : i32
        %mul3A_494 = arith.muli %mul3A_493, %scan3A_114 : i32
        %get3A_495 = arith.index_cast %mul3A_494 : i32 to index
        %get3A_496 = arith.constant 160 : index
        %get3A_497 = tpu.vector_load %arg7[%get3A_495, %get3A_496] {strides = array<i32>} : memref<128x256xf32, #tpu.memory_space<vmem>>, vector<1x16xf32>,
        %get3A_498 = vector.shape_cast %get3A_497 : vector<1x16xf32> to vector<16xf32>
        %mul3A_499 = arith.constant 4 : i32
        %mul3A_500 = arith.muli %mul3A_499, %scan3A_114 : i32
        %add3A_501 = arith.constant 1 : i32
        %add3A_502 = arith.addi %mul3A_500, %add3A_501 : i32
        %get3A_503 = arith.index_cast %add3A_502 : i32 to index
        %get3A_504 = arith.constant 160 : index
        %get3A_505 = tpu.vector_load %arg7[%get3A_503, %get3A_504] {strides = array<i32>} : memref<128x256xf32, #tpu.memory_space<vmem>>, vector<1x16xf32>,
        %get3A_506 = vector.shape_cast %get3A_505 : vector<1x16xf32> to vector<16xf32>
        %max3A_507 = arith.maximumf %get3A_498, %get3A_506 : vector<16xf32>
        %mul3A_508 = arith.constant 4 : i32
        %mul3A_509 = arith.muli %mul3A_508, %scan3A_114 : i32
        %add3A_510 = arith.constant 2 : i32
        %add3A_511 = arith.addi %mul3A_509, %add3A_510 : i32
        %get3A_512 = arith.index_cast %add3A_511 : i32 to index
        %get3A_513 = arith.constant 160 : index
        %get3A_514 = tpu.vector_load %arg7[%get3A_512, %get3A_513] {strides = array<i32>} : memref<128x256xf32, #tpu.memory_space<vmem>>, vector<1x16xf32>,
        %get3A_515 = vector.shape_cast %get3A_514 : vector<1x16xf32> to vector<16xf32>
        %mul3A_516 = arith.constant 4 : i32
        %mul3A_517 = arith.muli %mul3A_516, %scan3A_114 : i32
        %add3A_518 = arith.constant 3 : i32
        %add3A_519 = arith.addi %mul3A_517, %add3A_518 : i32
        %get3A_520 = arith.index_cast %add3A_519 : i32 to index
        %get3A_521 = arith.constant 160 : index
        %get3A_522 = tpu.vector_load %arg7[%get3A_520, %get3A_521] {strides = array<i32>} : memref<128x256xf32, #tpu.memory_space<vmem>>, vector<1x16xf32>,
        %get3A_523 = vector.shape_cast %get3A_522 : vector<1x16xf32> to vector<16xf32>
        %max3A_524 = arith.maximumf %get3A_515, %get3A_523 : vector<16xf32>
        %max3A_525 = arith.maximumf %max3A_507, %max3A_524 : vector<16xf32>
        %swap3A_526 = arith.index_cast %scan3A_114 : i32 to index
        %swap3A_527 = arith.constant 160 : index
        %swap3A_528 = tpu.vector_load %arg9[%swap3A_526, %swap3A_527] {strides = array<i32>} : memref<32x192xf32, #tpu.memory_space<vmem>>, vector<1x16xf32>,
        %swap3A_529 = vector.shape_cast %swap3A_528 : vector<1x16xf32> to vector<16xf32>
        %swap3A_530 = vector.shape_cast %max3A_525 : vector<16xf32> to vector<1x16xf32>
        tpu.vector_store %arg9[%swap3A_526, %swap3A_527], %swap3A_530 {strides = array<i32>} : memref<32x192xf32, #tpu.memory_space<vmem>>, vector<1x16xf32>,
        %mul3A_531 = arith.constant 4 : i32
        %mul3A_532 = arith.muli %mul3A_531, %scan3A_114 : i32
        %get3A_533 = arith.index_cast %mul3A_532 : i32 to index
        %get3A_534 = arith.constant 176 : index
        %get3A_535 = tpu.vector_load %arg7[%get3A_533, %get3A_534] {strides = array<i32>} : memref<128x256xf32, #tpu.memory_space<vmem>>, vector<1x16xf32>,
        %get3A_536 = vector.shape_cast %get3A_535 : vector<1x16xf32> to vector<16xf32>
        %mul3A_537 = arith.constant 4 : i32
        %mul3A_538 = arith.muli %mul3A_537, %scan3A_114 : i32
        %add3A_539 = arith.constant 1 : i32
        %add3A_540 = arith.addi %mul3A_538, %add3A_539 : i32
        %get3A_541 = arith.index_cast %add3A_540 : i32 to index
        %get3A_542 = arith.constant 176 : index
        %get3A_543 = tpu.vector_load %arg7[%get3A_541, %get3A_542] {strides = array<i32>} : memref<128x256xf32, #tpu.memory_space<vmem>>, vector<1x16xf32>,
        %get3A_544 = vector.shape_cast %get3A_543 : vector<1x16xf32> to vector<16xf32>
        %max3A_545 = arith.maximumf %get3A_536, %get3A_544 : vector<16xf32>
        %mul3A_546 = arith.constant 4 : i32
        %mul3A_547 = arith.muli %mul3A_546, %scan3A_114 : i32
        %add3A_548 = arith.constant 2 : i32
        %add3A_549 = arith.addi %mul3A_547, %add3A_548 : i32
        %get3A_550 = arith.index_cast %add3A_549 : i32 to index
        %get3A_551 = arith.constant 176 : index
        %get3A_552 = tpu.vector_load %arg7[%get3A_550, %get3A_551] {strides = array<i32>} : memref<128x256xf32, #tpu.memory_space<vmem>>, vector<1x16xf32>,
        %get3A_553 = vector.shape_cast %get3A_552 : vector<1x16xf32> to vector<16xf32>
        %mul3A_554 = arith.constant 4 : i32
        %mul3A_555 = arith.muli %mul3A_554, %scan3A_114 : i32
        %add3A_556 = arith.constant 3 : i32
        %add3A_557 = arith.addi %mul3A_555, %add3A_556 : i32
        %get3A_558 = arith.index_cast %add3A_557 : i32 to index
        %get3A_559 = arith.constant 176 : index
        %get3A_560 = tpu.vector_load %arg7[%get3A_558, %get3A_559] {strides = array<i32>} : memref<128x256xf32, #tpu.memory_space<vmem>>, vector<1x16xf32>,
        %get3A_561 = vector.shape_cast %get3A_560 : vector<1x16xf32> to vector<16xf32>
        %max3A_562 = arith.maximumf %get3A_553, %get3A_561 : vector<16xf32>
        %max3A_563 = arith.maximumf %max3A_545, %max3A_562 : vector<16xf32>
        %swap3A_564 = arith.index_cast %scan3A_114 : i32 to index
        %swap3A_565 = arith.constant 176 : index
        %swap3A_566 = tpu.vector_load %arg9[%swap3A_564, %swap3A_565] {strides = array<i32>} : memref<32x192xf32, #tpu.memory_space<vmem>>, vector<1x16xf32>,
        %swap3A_567 = vector.shape_cast %swap3A_566 : vector<1x16xf32> to vector<16xf32>
        %swap3A_568 = vector.shape_cast %max3A_563 : vector<16xf32> to vector<1x16xf32>
        tpu.vector_store %arg9[%swap3A_564, %swap3A_565], %swap3A_568 {strides = array<i32>} : memref<32x192xf32, #tpu.memory_space<vmem>>, vector<1x16xf32>,
        %scan3A_569 = arith.constant 0 : i32
        scf.yield %scan3A_569 : i32
      }
      %scan3A_95 = arith.constant 32 : i32
      %mul3A_96 = arith.constant 32 : i32
      %mul3A_97 = arith.muli %add3A_77, %mul3A_96 : i32
      %add3A_98 = arith.addi %mul3A_2, %mul3A_97 : i32
      %dma_start3A_99 = arith.constant 0 : i32
      %dma_start3A_100 = tpu.memref_slice %arg4[%add3A_98, %dma_start3A_99] : memref<65536x192xf32, #tpu.memory_space<hbm>> -> memref<32x192xf32, #tpu.memory_space<hbm>>
      %dma_start3A_101 = arith.constant 0 : i32
      %dma_start3A_102 = tpu.memref_slice %arg4[%add3A_98, %dma_start3A_101] : memref<65536x192xf32, #tpu.memory_space<hbm>> -> memref<32x192xf32, #tpu.memory_space<hbm>>
      tpu.enqueue_dma source(%arg9 : memref<32x192xf32, #tpu.memory_space<vmem>>) target(%dma_start3A_102 : memref<32x192xf32, #tpu.memory_space<hbm>>) target_semaphore(%arg13 : memref<!tpu.dma_semaphore, #tpu.memory_space<semaphore_mem>>)
      %add3A_103 = arith.constant 2 : i32
      %add3A_104 = arith.addi %add3A_77, %add3A_103 : i32
      %min3A_105 = arith.constant 63 : i32
      %min3A_106 = arith.minsi %add3A_104, %min3A_105 : i32
      %mul3A_107 = arith.constant 128 : i32
      %mul3A_108 = arith.muli %min3A_106, %mul3A_107 : i32
      %dma_start3A_109 = tpu.memref_slice %arg5[%mul3A_108] : memref<8192xi32, #tpu.memory_space<vmem>> -> memref<128xi32, #tpu.memory_space<vmem>>
      %dma_start3A_110 = arith.constant 0 : i32
      %dma_start3A_111 = arith.constant 0 : i32
      %dma_start3A_112 = tpu.memref_slice %arg2[%dma_start3A_110, %dma_start3A_111] : memref<262144x256xf32, #tpu.memory_space<hbm>> -> memref<262144x256xf32, #tpu.memory_space<hbm>>
      tpu.enqueue_indirect_dma source(%dma_start3A_112 : memref<262144x256xf32, #tpu.memory_space<hbm>>) target(%arg7 : memref<128x256xf32, #tpu.memory_space<vmem>>) offsets(%dma_start3A_109 : memref<128xi32, #tpu.memory_space<vmem>>) semaphore(%arg11 : memref<!tpu.dma_semaphore, #tpu.memory_space<semaphore_mem>>)
      %scan3A_113 = arith.constant 0 : i32
      scf.yield %scan3A_113 : i32
    }
    %scan3A_19 = arith.constant 32 : i32
    %dma_wait3A = arith.constant 8064 : i32
    %dma_wait3A_20 = tpu.memref_slice %arg5[%dma_wait3A] : memref<8192xi32, #tpu.memory_space<vmem>> -> memref<128xi32, #tpu.memory_space<vmem>>
    %dma_wait3A_21 = arith.constant 0 : i32
    %dma_wait3A_22 = arith.constant 0 : i32
    %dma_wait3A_23 = tpu.memref_slice %arg2[%dma_wait3A_21, %dma_wait3A_22] : memref<262144x256xf32, #tpu.memory_space<hbm>> -> memref<262144x256xf32, #tpu.memory_space<hbm>>
    tpu.wait_indirect_dma semaphore(%arg10 : memref<!tpu.dma_semaphore, #tpu.memory_space<semaphore_mem>>) src(%dma_wait3A_23 : memref<262144x256xf32, #tpu.memory_space<hbm>>) dst(%arg6 : memref<128x256xf32, #tpu.memory_space<vmem>>)
    %dma_wait3A_24 = arith.constant 0 : i32
    %dma_wait3A_25 = tpu.memref_slice %arg4[%mul3A_2, %dma_wait3A_24] : memref<65536x192xf32, #tpu.memory_space<hbm>> -> memref<32x192xf32, #tpu.memory_space<hbm>>
    %dma_wait3A_26 = arith.constant 0 : i32
    %dma_wait3A_27 = tpu.memref_slice %arg4[%mul3A_2, %dma_wait3A_26] : memref<65536x192xf32, #tpu.memory_space<hbm>> -> memref<32x192xf32, #tpu.memory_space<hbm>>
    tpu.wait_dma2 semaphore(%arg12 : memref<!tpu.dma_semaphore, #tpu.memory_space<semaphore_mem>>) src(%arg8 : memref<32x192xf32, #tpu.memory_space<vmem>>) dst(%dma_wait3A_27 : memref<32x192xf32, #tpu.memory_space<hbm>>)
    %dma_wait3A_28 = arith.constant 8064 : i32
    %dma_wait3A_29 = tpu.memref_slice %arg5[%dma_wait3A_28] : memref<8192xi32, #tpu.memory_space<vmem>> -> memref<128xi32, #tpu.memory_space<vmem>>
    %dma_wait3A_30 = arith.constant 0 : i32
    %dma_wait3A_31 = arith.constant 0 : i32
    %dma_wait3A_32 = tpu.memref_slice %arg2[%dma_wait3A_30, %dma_wait3A_31] : memref<262144x256xf32, #tpu.memory_space<hbm>> -> memref<262144x256xf32, #tpu.memory_space<hbm>>
    tpu.wait_indirect_dma semaphore(%arg11 : memref<!tpu.dma_semaphore, #tpu.memory_space<semaphore_mem>>) src(%dma_wait3A_32 : memref<262144x256xf32, #tpu.memory_space<hbm>>) dst(%arg7 : memref<128x256xf32, #tpu.memory_space<vmem>>)
    %dma_wait3A_33 = arith.constant 0 : i32
    %dma_wait3A_34 = tpu.memref_slice %arg4[%mul3A_2, %dma_wait3A_33] : memref<65536x192xf32, #tpu.memory_space<hbm>> -> memref<32x192xf32, #tpu.memory_space<hbm>>
    %dma_wait3A_35 = arith.constant 0 : i32
    %dma_wait3A_36 = tpu.memref_slice %arg4[%mul3A_2, %dma_wait3A_35] : memref<65536x192xf32, #tpu.memory_space<hbm>> -> memref<32x192xf32, #tpu.memory_space<hbm>>
    tpu.wait_dma2 semaphore(%arg13 : memref<!tpu.dma_semaphore, #tpu.memory_space<semaphore_mem>>) src(%arg9 : memref<32x192xf32, #tpu.memory_space<vmem>>) dst(%dma_wait3A_36 : memref<32x192xf32, #tpu.memory_space<hbm>>)
    return
  }
}

module attributes {stable_mosaic.version = 14 : i64} {
  func.func @_transpose_pad_kernel(%arg0: i32, %arg1: memref<192x16x512xf32, #tpu.memory_space<vmem>>, %arg2: memref<16x512x256xf32, #tpu.memory_space<vmem>>) attributes {dimension_semantics = [#tpu.dimension_semantics<arbitrary>], iteration_bounds = array<i64: 32>, scalar_prefetch = 0 : i64, scratch_operands = 0 : i64, tpu.core_type = #tpu.core_type<tc>, window_params = [{transform_indices = @transform_0, window_bounds = array<i64: 192, 16, 512>}, {transform_indices = @transform_1, window_bounds = array<i64: 16, 512, 256>}]} {
    %get3A = arith.constant 0 : index
    %get3A_0 = arith.constant 0 : index
    %get3A_1 = arith.constant 0 : index
    %get3A_2 = vector.load %arg1[%get3A, %get3A_0, %get3A_1] : memref<192x16x512xf32, #tpu.memory_space<vmem>>, vector<192x1x512xf32>
    %get3A_3 = vector.shape_cast %get3A_2 : vector<192x1x512xf32> to vector<192x512xf32>
    %transpose3A = tpu.transpose %get3A_3, [1, 0] : vector<192x512xf32> -> vector<512x192xf32>
    %swap3A = arith.constant 0 : index
    %swap3A_4 = arith.constant 0 : index
    %swap3A_5 = arith.constant 0 : index
    %swap3A_6 = vector.load %arg2[%swap3A, %swap3A_4, %swap3A_5] : memref<16x512x256xf32, #tpu.memory_space<vmem>>, vector<1x512x192xf32>
    %swap3A_7 = vector.shape_cast %swap3A_6 : vector<1x512x192xf32> to vector<512x192xf32>
    %swap3A_8 = vector.shape_cast %transpose3A : vector<512x192xf32> to vector<1x512x192xf32>
    tpu.vector_store %arg2[%swap3A, %swap3A_4, %swap3A_5], %swap3A_8 {strides = array<i32>} : memref<16x512x256xf32, #tpu.memory_space<vmem>>, vector<1x512x192xf32>,
    %broadcast_in_dim3A = arith.constant 0.000000e+00 : f32
    %broadcast_in_dim3A_9 = vector.broadcast %broadcast_in_dim3A : f32 to vector<512x64xf32>
    %swap3A_10 = arith.constant 0 : index
    %swap3A_11 = arith.constant 0 : index
    %swap3A_12 = arith.constant 192 : index
    %swap3A_13 = vector.load %arg2[%swap3A_10, %swap3A_11, %swap3A_12] : memref<16x512x256xf32, #tpu.memory_space<vmem>>, vector<1x512x64xf32>
    %swap3A_14 = vector.shape_cast %swap3A_13 : vector<1x512x64xf32> to vector<512x64xf32>
    %swap3A_15 = vector.shape_cast %broadcast_in_dim3A_9 : vector<512x64xf32> to vector<1x512x64xf32>
    tpu.vector_store %arg2[%swap3A_10, %swap3A_11, %swap3A_12], %swap3A_15 {strides = array<i32>} : memref<16x512x256xf32, #tpu.memory_space<vmem>>, vector<1x512x64xf32>,
    %get3A_16 = arith.constant 0 : index
    %get3A_17 = arith.constant 1 : index
    %get3A_18 = arith.constant 0 : index
    %get3A_19 = vector.load %arg1[%get3A_16, %get3A_17, %get3A_18] : memref<192x16x512xf32, #tpu.memory_space<vmem>>, vector<192x1x512xf32>
    %get3A_20 = vector.shape_cast %get3A_19 : vector<192x1x512xf32> to vector<192x512xf32>
    %transpose3A_21 = tpu.transpose %get3A_20, [1, 0] : vector<192x512xf32> -> vector<512x192xf32>
    %swap3A_22 = arith.constant 1 : index
    %swap3A_23 = arith.constant 0 : index
    %swap3A_24 = arith.constant 0 : index
    %swap3A_25 = vector.load %arg2[%swap3A_22, %swap3A_23, %swap3A_24] : memref<16x512x256xf32, #tpu.memory_space<vmem>>, vector<1x512x192xf32>
    %swap3A_26 = vector.shape_cast %swap3A_25 : vector<1x512x192xf32> to vector<512x192xf32>
    %swap3A_27 = vector.shape_cast %transpose3A_21 : vector<512x192xf32> to vector<1x512x192xf32>
    tpu.vector_store %arg2[%swap3A_22, %swap3A_23, %swap3A_24], %swap3A_27 {strides = array<i32>} : memref<16x512x256xf32, #tpu.memory_space<vmem>>, vector<1x512x192xf32>,
    %broadcast_in_dim3A_28 = arith.constant 0.000000e+00 : f32
    %broadcast_in_dim3A_29 = vector.broadcast %broadcast_in_dim3A_28 : f32 to vector<512x64xf32>
    %swap3A_30 = arith.constant 1 : index
    %swap3A_31 = arith.constant 0 : index
    %swap3A_32 = arith.constant 192 : index
    %swap3A_33 = vector.load %arg2[%swap3A_30, %swap3A_31, %swap3A_32] : memref<16x512x256xf32, #tpu.memory_space<vmem>>, vector<1x512x64xf32>
    %swap3A_34 = vector.shape_cast %swap3A_33 : vector<1x512x64xf32> to vector<512x64xf32>
    %swap3A_35 = vector.shape_cast %broadcast_in_dim3A_29 : vector<512x64xf32> to vector<1x512x64xf32>
    tpu.vector_store %arg2[%swap3A_30, %swap3A_31, %swap3A_32], %swap3A_35 {strides = array<i32>} : memref<16x512x256xf32, #tpu.memory_space<vmem>>, vector<1x512x64xf32>,
    %get3A_36 = arith.constant 0 : index
    %get3A_37 = arith.constant 2 : index
    %get3A_38 = arith.constant 0 : index
    %get3A_39 = vector.load %arg1[%get3A_36, %get3A_37, %get3A_38] : memref<192x16x512xf32, #tpu.memory_space<vmem>>, vector<192x1x512xf32>
    %get3A_40 = vector.shape_cast %get3A_39 : vector<192x1x512xf32> to vector<192x512xf32>
    %transpose3A_41 = tpu.transpose %get3A_40, [1, 0] : vector<192x512xf32> -> vector<512x192xf32>
    %swap3A_42 = arith.constant 2 : index
    %swap3A_43 = arith.constant 0 : index
    %swap3A_44 = arith.constant 0 : index
    %swap3A_45 = vector.load %arg2[%swap3A_42, %swap3A_43, %swap3A_44] : memref<16x512x256xf32, #tpu.memory_space<vmem>>, vector<1x512x192xf32>
    %swap3A_46 = vector.shape_cast %swap3A_45 : vector<1x512x192xf32> to vector<512x192xf32>
    %swap3A_47 = vector.shape_cast %transpose3A_41 : vector<512x192xf32> to vector<1x512x192xf32>
    tpu.vector_store %arg2[%swap3A_42, %swap3A_43, %swap3A_44], %swap3A_47 {strides = array<i32>} : memref<16x512x256xf32, #tpu.memory_space<vmem>>, vector<1x512x192xf32>,
    %broadcast_in_dim3A_48 = arith.constant 0.000000e+00 : f32
    %broadcast_in_dim3A_49 = vector.broadcast %broadcast_in_dim3A_48 : f32 to vector<512x64xf32>
    %swap3A_50 = arith.constant 2 : index
    %swap3A_51 = arith.constant 0 : index
    %swap3A_52 = arith.constant 192 : index
    %swap3A_53 = vector.load %arg2[%swap3A_50, %swap3A_51, %swap3A_52] : memref<16x512x256xf32, #tpu.memory_space<vmem>>, vector<1x512x64xf32>
    %swap3A_54 = vector.shape_cast %swap3A_53 : vector<1x512x64xf32> to vector<512x64xf32>
    %swap3A_55 = vector.shape_cast %broadcast_in_dim3A_49 : vector<512x64xf32> to vector<1x512x64xf32>
    tpu.vector_store %arg2[%swap3A_50, %swap3A_51, %swap3A_52], %swap3A_55 {strides = array<i32>} : memref<16x512x256xf32, #tpu.memory_space<vmem>>, vector<1x512x64xf32>,
    %get3A_56 = arith.constant 0 : index
    %get3A_57 = arith.constant 3 : index
    %get3A_58 = arith.constant 0 : index
    %get3A_59 = vector.load %arg1[%get3A_56, %get3A_57, %get3A_58] : memref<192x16x512xf32, #tpu.memory_space<vmem>>, vector<192x1x512xf32>
    %get3A_60 = vector.shape_cast %get3A_59 : vector<192x1x512xf32> to vector<192x512xf32>
    %transpose3A_61 = tpu.transpose %get3A_60, [1, 0] : vector<192x512xf32> -> vector<512x192xf32>
    %swap3A_62 = arith.constant 3 : index
    %swap3A_63 = arith.constant 0 : index
    %swap3A_64 = arith.constant 0 : index
    %swap3A_65 = vector.load %arg2[%swap3A_62, %swap3A_63, %swap3A_64] : memref<16x512x256xf32, #tpu.memory_space<vmem>>, vector<1x512x192xf32>
    %swap3A_66 = vector.shape_cast %swap3A_65 : vector<1x512x192xf32> to vector<512x192xf32>
    %swap3A_67 = vector.shape_cast %transpose3A_61 : vector<512x192xf32> to vector<1x512x192xf32>
    tpu.vector_store %arg2[%swap3A_62, %swap3A_63, %swap3A_64], %swap3A_67 {strides = array<i32>} : memref<16x512x256xf32, #tpu.memory_space<vmem>>, vector<1x512x192xf32>,
    %broadcast_in_dim3A_68 = arith.constant 0.000000e+00 : f32
    %broadcast_in_dim3A_69 = vector.broadcast %broadcast_in_dim3A_68 : f32 to vector<512x64xf32>
    %swap3A_70 = arith.constant 3 : index
    %swap3A_71 = arith.constant 0 : index
    %swap3A_72 = arith.constant 192 : index
    %swap3A_73 = vector.load %arg2[%swap3A_70, %swap3A_71, %swap3A_72] : memref<16x512x256xf32, #tpu.memory_space<vmem>>, vector<1x512x64xf32>
    %swap3A_74 = vector.shape_cast %swap3A_73 : vector<1x512x64xf32> to vector<512x64xf32>
    %swap3A_75 = vector.shape_cast %broadcast_in_dim3A_69 : vector<512x64xf32> to vector<1x512x64xf32>
    tpu.vector_store %arg2[%swap3A_70, %swap3A_71, %swap3A_72], %swap3A_75 {strides = array<i32>} : memref<16x512x256xf32, #tpu.memory_space<vmem>>, vector<1x512x64xf32>,
    %get3A_76 = arith.constant 0 : index
    %get3A_77 = arith.constant 4 : index
    %get3A_78 = arith.constant 0 : index
    %get3A_79 = vector.load %arg1[%get3A_76, %get3A_77, %get3A_78] : memref<192x16x512xf32, #tpu.memory_space<vmem>>, vector<192x1x512xf32>
    %get3A_80 = vector.shape_cast %get3A_79 : vector<192x1x512xf32> to vector<192x512xf32>
    %transpose3A_81 = tpu.transpose %get3A_80, [1, 0] : vector<192x512xf32> -> vector<512x192xf32>
    %swap3A_82 = arith.constant 4 : index
    %swap3A_83 = arith.constant 0 : index
    %swap3A_84 = arith.constant 0 : index
    %swap3A_85 = vector.load %arg2[%swap3A_82, %swap3A_83, %swap3A_84] : memref<16x512x256xf32, #tpu.memory_space<vmem>>, vector<1x512x192xf32>
    %swap3A_86 = vector.shape_cast %swap3A_85 : vector<1x512x192xf32> to vector<512x192xf32>
    %swap3A_87 = vector.shape_cast %transpose3A_81 : vector<512x192xf32> to vector<1x512x192xf32>
    tpu.vector_store %arg2[%swap3A_82, %swap3A_83, %swap3A_84], %swap3A_87 {strides = array<i32>} : memref<16x512x256xf32, #tpu.memory_space<vmem>>, vector<1x512x192xf32>,
    %broadcast_in_dim3A_88 = arith.constant 0.000000e+00 : f32
    %broadcast_in_dim3A_89 = vector.broadcast %broadcast_in_dim3A_88 : f32 to vector<512x64xf32>
    %swap3A_90 = arith.constant 4 : index
    %swap3A_91 = arith.constant 0 : index
    %swap3A_92 = arith.constant 192 : index
    %swap3A_93 = vector.load %arg2[%swap3A_90, %swap3A_91, %swap3A_92] : memref<16x512x256xf32, #tpu.memory_space<vmem>>, vector<1x512x64xf32>
    %swap3A_94 = vector.shape_cast %swap3A_93 : vector<1x512x64xf32> to vector<512x64xf32>
    %swap3A_95 = vector.shape_cast %broadcast_in_dim3A_89 : vector<512x64xf32> to vector<1x512x64xf32>
    tpu.vector_store %arg2[%swap3A_90, %swap3A_91, %swap3A_92], %swap3A_95 {strides = array<i32>} : memref<16x512x256xf32, #tpu.memory_space<vmem>>, vector<1x512x64xf32>,
    %get3A_96 = arith.constant 0 : index
    %get3A_97 = arith.constant 5 : index
    %get3A_98 = arith.constant 0 : index
    %get3A_99 = vector.load %arg1[%get3A_96, %get3A_97, %get3A_98] : memref<192x16x512xf32, #tpu.memory_space<vmem>>, vector<192x1x512xf32>
    %get3A_100 = vector.shape_cast %get3A_99 : vector<192x1x512xf32> to vector<192x512xf32>
    %transpose3A_101 = tpu.transpose %get3A_100, [1, 0] : vector<192x512xf32> -> vector<512x192xf32>
    %swap3A_102 = arith.constant 5 : index
    %swap3A_103 = arith.constant 0 : index
    %swap3A_104 = arith.constant 0 : index
    %swap3A_105 = vector.load %arg2[%swap3A_102, %swap3A_103, %swap3A_104] : memref<16x512x256xf32, #tpu.memory_space<vmem>>, vector<1x512x192xf32>
    %swap3A_106 = vector.shape_cast %swap3A_105 : vector<1x512x192xf32> to vector<512x192xf32>
    %swap3A_107 = vector.shape_cast %transpose3A_101 : vector<512x192xf32> to vector<1x512x192xf32>
    tpu.vector_store %arg2[%swap3A_102, %swap3A_103, %swap3A_104], %swap3A_107 {strides = array<i32>} : memref<16x512x256xf32, #tpu.memory_space<vmem>>, vector<1x512x192xf32>,
    %broadcast_in_dim3A_108 = arith.constant 0.000000e+00 : f32
    %broadcast_in_dim3A_109 = vector.broadcast %broadcast_in_dim3A_108 : f32 to vector<512x64xf32>
    %swap3A_110 = arith.constant 5 : index
    %swap3A_111 = arith.constant 0 : index
    %swap3A_112 = arith.constant 192 : index
    %swap3A_113 = vector.load %arg2[%swap3A_110, %swap3A_111, %swap3A_112] : memref<16x512x256xf32, #tpu.memory_space<vmem>>, vector<1x512x64xf32>
    %swap3A_114 = vector.shape_cast %swap3A_113 : vector<1x512x64xf32> to vector<512x64xf32>
    %swap3A_115 = vector.shape_cast %broadcast_in_dim3A_109 : vector<512x64xf32> to vector<1x512x64xf32>
    tpu.vector_store %arg2[%swap3A_110, %swap3A_111, %swap3A_112], %swap3A_115 {strides = array<i32>} : memref<16x512x256xf32, #tpu.memory_space<vmem>>, vector<1x512x64xf32>,
    %get3A_116 = arith.constant 0 : index
    %get3A_117 = arith.constant 6 : index
    %get3A_118 = arith.constant 0 : index
    %get3A_119 = vector.load %arg1[%get3A_116, %get3A_117, %get3A_118] : memref<192x16x512xf32, #tpu.memory_space<vmem>>, vector<192x1x512xf32>
    %get3A_120 = vector.shape_cast %get3A_119 : vector<192x1x512xf32> to vector<192x512xf32>
    %transpose3A_121 = tpu.transpose %get3A_120, [1, 0] : vector<192x512xf32> -> vector<512x192xf32>
    %swap3A_122 = arith.constant 6 : index
    %swap3A_123 = arith.constant 0 : index
    %swap3A_124 = arith.constant 0 : index
    %swap3A_125 = vector.load %arg2[%swap3A_122, %swap3A_123, %swap3A_124] : memref<16x512x256xf32, #tpu.memory_space<vmem>>, vector<1x512x192xf32>
    %swap3A_126 = vector.shape_cast %swap3A_125 : vector<1x512x192xf32> to vector<512x192xf32>
    %swap3A_127 = vector.shape_cast %transpose3A_121 : vector<512x192xf32> to vector<1x512x192xf32>
    tpu.vector_store %arg2[%swap3A_122, %swap3A_123, %swap3A_124], %swap3A_127 {strides = array<i32>} : memref<16x512x256xf32, #tpu.memory_space<vmem>>, vector<1x512x192xf32>,
    %broadcast_in_dim3A_128 = arith.constant 0.000000e+00 : f32
    %broadcast_in_dim3A_129 = vector.broadcast %broadcast_in_dim3A_128 : f32 to vector<512x64xf32>
    %swap3A_130 = arith.constant 6 : index
    %swap3A_131 = arith.constant 0 : index
    %swap3A_132 = arith.constant 192 : index
    %swap3A_133 = vector.load %arg2[%swap3A_130, %swap3A_131, %swap3A_132] : memref<16x512x256xf32, #tpu.memory_space<vmem>>, vector<1x512x64xf32>
    %swap3A_134 = vector.shape_cast %swap3A_133 : vector<1x512x64xf32> to vector<512x64xf32>
    %swap3A_135 = vector.shape_cast %broadcast_in_dim3A_129 : vector<512x64xf32> to vector<1x512x64xf32>
    tpu.vector_store %arg2[%swap3A_130, %swap3A_131, %swap3A_132], %swap3A_135 {strides = array<i32>} : memref<16x512x256xf32, #tpu.memory_space<vmem>>, vector<1x512x64xf32>,
    %get3A_136 = arith.constant 0 : index
    %get3A_137 = arith.constant 7 : index
    %get3A_138 = arith.constant 0 : index
    %get3A_139 = vector.load %arg1[%get3A_136, %get3A_137, %get3A_138] : memref<192x16x512xf32, #tpu.memory_space<vmem>>, vector<192x1x512xf32>
    %get3A_140 = vector.shape_cast %get3A_139 : vector<192x1x512xf32> to vector<192x512xf32>
    %transpose3A_141 = tpu.transpose %get3A_140, [1, 0] : vector<192x512xf32> -> vector<512x192xf32>
    %swap3A_142 = arith.constant 7 : index
    %swap3A_143 = arith.constant 0 : index
    %swap3A_144 = arith.constant 0 : index
    %swap3A_145 = vector.load %arg2[%swap3A_142, %swap3A_143, %swap3A_144] : memref<16x512x256xf32, #tpu.memory_space<vmem>>, vector<1x512x192xf32>
    %swap3A_146 = vector.shape_cast %swap3A_145 : vector<1x512x192xf32> to vector<512x192xf32>
    %swap3A_147 = vector.shape_cast %transpose3A_141 : vector<512x192xf32> to vector<1x512x192xf32>
    tpu.vector_store %arg2[%swap3A_142, %swap3A_143, %swap3A_144], %swap3A_147 {strides = array<i32>} : memref<16x512x256xf32, #tpu.memory_space<vmem>>, vector<1x512x192xf32>,
    %broadcast_in_dim3A_148 = arith.constant 0.000000e+00 : f32
    %broadcast_in_dim3A_149 = vector.broadcast %broadcast_in_dim3A_148 : f32 to vector<512x64xf32>
    %swap3A_150 = arith.constant 7 : index
    %swap3A_151 = arith.constant 0 : index
    %swap3A_152 = arith.constant 192 : index
    %swap3A_153 = vector.load %arg2[%swap3A_150, %swap3A_151, %swap3A_152] : memref<16x512x256xf32, #tpu.memory_space<vmem>>, vector<1x512x64xf32>
    %swap3A_154 = vector.shape_cast %swap3A_153 : vector<1x512x64xf32> to vector<512x64xf32>
    %swap3A_155 = vector.shape_cast %broadcast_in_dim3A_149 : vector<512x64xf32> to vector<1x512x64xf32>
    tpu.vector_store %arg2[%swap3A_150, %swap3A_151, %swap3A_152], %swap3A_155 {strides = array<i32>} : memref<16x512x256xf32, #tpu.memory_space<vmem>>, vector<1x512x64xf32>,
    %get3A_156 = arith.constant 0 : index
    %get3A_157 = arith.constant 8 : index
    %get3A_158 = arith.constant 0 : index
    %get3A_159 = vector.load %arg1[%get3A_156, %get3A_157, %get3A_158] : memref<192x16x512xf32, #tpu.memory_space<vmem>>, vector<192x1x512xf32>
    %get3A_160 = vector.shape_cast %get3A_159 : vector<192x1x512xf32> to vector<192x512xf32>
    %transpose3A_161 = tpu.transpose %get3A_160, [1, 0] : vector<192x512xf32> -> vector<512x192xf32>
    %swap3A_162 = arith.constant 8 : index
    %swap3A_163 = arith.constant 0 : index
    %swap3A_164 = arith.constant 0 : index
    %swap3A_165 = vector.load %arg2[%swap3A_162, %swap3A_163, %swap3A_164] : memref<16x512x256xf32, #tpu.memory_space<vmem>>, vector<1x512x192xf32>
    %swap3A_166 = vector.shape_cast %swap3A_165 : vector<1x512x192xf32> to vector<512x192xf32>
    %swap3A_167 = vector.shape_cast %transpose3A_161 : vector<512x192xf32> to vector<1x512x192xf32>
    tpu.vector_store %arg2[%swap3A_162, %swap3A_163, %swap3A_164], %swap3A_167 {strides = array<i32>} : memref<16x512x256xf32, #tpu.memory_space<vmem>>, vector<1x512x192xf32>,
    %broadcast_in_dim3A_168 = arith.constant 0.000000e+00 : f32
    %broadcast_in_dim3A_169 = vector.broadcast %broadcast_in_dim3A_168 : f32 to vector<512x64xf32>
    %swap3A_170 = arith.constant 8 : index
    %swap3A_171 = arith.constant 0 : index
    %swap3A_172 = arith.constant 192 : index
    %swap3A_173 = vector.load %arg2[%swap3A_170, %swap3A_171, %swap3A_172] : memref<16x512x256xf32, #tpu.memory_space<vmem>>, vector<1x512x64xf32>
    %swap3A_174 = vector.shape_cast %swap3A_173 : vector<1x512x64xf32> to vector<512x64xf32>
    %swap3A_175 = vector.shape_cast %broadcast_in_dim3A_169 : vector<512x64xf32> to vector<1x512x64xf32>
    tpu.vector_store %arg2[%swap3A_170, %swap3A_171, %swap3A_172], %swap3A_175 {strides = array<i32>} : memref<16x512x256xf32, #tpu.memory_space<vmem>>, vector<1x512x64xf32>,
    %get3A_176 = arith.constant 0 : index
    %get3A_177 = arith.constant 9 : index
    %get3A_178 = arith.constant 0 : index
    %get3A_179 = vector.load %arg1[%get3A_176, %get3A_177, %get3A_178] : memref<192x16x512xf32, #tpu.memory_space<vmem>>, vector<192x1x512xf32>
    %get3A_180 = vector.shape_cast %get3A_179 : vector<192x1x512xf32> to vector<192x512xf32>
    %transpose3A_181 = tpu.transpose %get3A_180, [1, 0] : vector<192x512xf32> -> vector<512x192xf32>
    %swap3A_182 = arith.constant 9 : index
    %swap3A_183 = arith.constant 0 : index
    %swap3A_184 = arith.constant 0 : index
    %swap3A_185 = vector.load %arg2[%swap3A_182, %swap3A_183, %swap3A_184] : memref<16x512x256xf32, #tpu.memory_space<vmem>>, vector<1x512x192xf32>
    %swap3A_186 = vector.shape_cast %swap3A_185 : vector<1x512x192xf32> to vector<512x192xf32>
    %swap3A_187 = vector.shape_cast %transpose3A_181 : vector<512x192xf32> to vector<1x512x192xf32>
    tpu.vector_store %arg2[%swap3A_182, %swap3A_183, %swap3A_184], %swap3A_187 {strides = array<i32>} : memref<16x512x256xf32, #tpu.memory_space<vmem>>, vector<1x512x192xf32>,
    %broadcast_in_dim3A_188 = arith.constant 0.000000e+00 : f32
    %broadcast_in_dim3A_189 = vector.broadcast %broadcast_in_dim3A_188 : f32 to vector<512x64xf32>
    %swap3A_190 = arith.constant 9 : index
    %swap3A_191 = arith.constant 0 : index
    %swap3A_192 = arith.constant 192 : index
    %swap3A_193 = vector.load %arg2[%swap3A_190, %swap3A_191, %swap3A_192] : memref<16x512x256xf32, #tpu.memory_space<vmem>>, vector<1x512x64xf32>
    %swap3A_194 = vector.shape_cast %swap3A_193 : vector<1x512x64xf32> to vector<512x64xf32>
    %swap3A_195 = vector.shape_cast %broadcast_in_dim3A_189 : vector<512x64xf32> to vector<1x512x64xf32>
    tpu.vector_store %arg2[%swap3A_190, %swap3A_191, %swap3A_192], %swap3A_195 {strides = array<i32>} : memref<16x512x256xf32, #tpu.memory_space<vmem>>, vector<1x512x64xf32>,
    %get3A_196 = arith.constant 0 : index
    %get3A_197 = arith.constant 10 : index
    %get3A_198 = arith.constant 0 : index
    %get3A_199 = vector.load %arg1[%get3A_196, %get3A_197, %get3A_198] : memref<192x16x512xf32, #tpu.memory_space<vmem>>, vector<192x1x512xf32>
    %get3A_200 = vector.shape_cast %get3A_199 : vector<192x1x512xf32> to vector<192x512xf32>
    %transpose3A_201 = tpu.transpose %get3A_200, [1, 0] : vector<192x512xf32> -> vector<512x192xf32>
    %swap3A_202 = arith.constant 10 : index
    %swap3A_203 = arith.constant 0 : index
    %swap3A_204 = arith.constant 0 : index
    %swap3A_205 = vector.load %arg2[%swap3A_202, %swap3A_203, %swap3A_204] : memref<16x512x256xf32, #tpu.memory_space<vmem>>, vector<1x512x192xf32>
    %swap3A_206 = vector.shape_cast %swap3A_205 : vector<1x512x192xf32> to vector<512x192xf32>
    %swap3A_207 = vector.shape_cast %transpose3A_201 : vector<512x192xf32> to vector<1x512x192xf32>
    tpu.vector_store %arg2[%swap3A_202, %swap3A_203, %swap3A_204], %swap3A_207 {strides = array<i32>} : memref<16x512x256xf32, #tpu.memory_space<vmem>>, vector<1x512x192xf32>,
    %broadcast_in_dim3A_208 = arith.constant 0.000000e+00 : f32
    %broadcast_in_dim3A_209 = vector.broadcast %broadcast_in_dim3A_208 : f32 to vector<512x64xf32>
    %swap3A_210 = arith.constant 10 : index
    %swap3A_211 = arith.constant 0 : index
    %swap3A_212 = arith.constant 192 : index
    %swap3A_213 = vector.load %arg2[%swap3A_210, %swap3A_211, %swap3A_212] : memref<16x512x256xf32, #tpu.memory_space<vmem>>, vector<1x512x64xf32>
    %swap3A_214 = vector.shape_cast %swap3A_213 : vector<1x512x64xf32> to vector<512x64xf32>
    %swap3A_215 = vector.shape_cast %broadcast_in_dim3A_209 : vector<512x64xf32> to vector<1x512x64xf32>
    tpu.vector_store %arg2[%swap3A_210, %swap3A_211, %swap3A_212], %swap3A_215 {strides = array<i32>} : memref<16x512x256xf32, #tpu.memory_space<vmem>>, vector<1x512x64xf32>,
    %get3A_216 = arith.constant 0 : index
    %get3A_217 = arith.constant 11 : index
    %get3A_218 = arith.constant 0 : index
    %get3A_219 = vector.load %arg1[%get3A_216, %get3A_217, %get3A_218] : memref<192x16x512xf32, #tpu.memory_space<vmem>>, vector<192x1x512xf32>
    %get3A_220 = vector.shape_cast %get3A_219 : vector<192x1x512xf32> to vector<192x512xf32>
    %transpose3A_221 = tpu.transpose %get3A_220, [1, 0] : vector<192x512xf32> -> vector<512x192xf32>
    %swap3A_222 = arith.constant 11 : index
    %swap3A_223 = arith.constant 0 : index
    %swap3A_224 = arith.constant 0 : index
    %swap3A_225 = vector.load %arg2[%swap3A_222, %swap3A_223, %swap3A_224] : memref<16x512x256xf32, #tpu.memory_space<vmem>>, vector<1x512x192xf32>
    %swap3A_226 = vector.shape_cast %swap3A_225 : vector<1x512x192xf32> to vector<512x192xf32>
    %swap3A_227 = vector.shape_cast %transpose3A_221 : vector<512x192xf32> to vector<1x512x192xf32>
    tpu.vector_store %arg2[%swap3A_222, %swap3A_223, %swap3A_224], %swap3A_227 {strides = array<i32>} : memref<16x512x256xf32, #tpu.memory_space<vmem>>, vector<1x512x192xf32>,
    %broadcast_in_dim3A_228 = arith.constant 0.000000e+00 : f32
    %broadcast_in_dim3A_229 = vector.broadcast %broadcast_in_dim3A_228 : f32 to vector<512x64xf32>
    %swap3A_230 = arith.constant 11 : index
    %swap3A_231 = arith.constant 0 : index
    %swap3A_232 = arith.constant 192 : index
    %swap3A_233 = vector.load %arg2[%swap3A_230, %swap3A_231, %swap3A_232] : memref<16x512x256xf32, #tpu.memory_space<vmem>>, vector<1x512x64xf32>
    %swap3A_234 = vector.shape_cast %swap3A_233 : vector<1x512x64xf32> to vector<512x64xf32>
    %swap3A_235 = vector.shape_cast %broadcast_in_dim3A_229 : vector<512x64xf32> to vector<1x512x64xf32>
    tpu.vector_store %arg2[%swap3A_230, %swap3A_231, %swap3A_232], %swap3A_235 {strides = array<i32>} : memref<16x512x256xf32, #tpu.memory_space<vmem>>, vector<1x512x64xf32>,
    %get3A_236 = arith.constant 0 : index
    %get3A_237 = arith.constant 12 : index
    %get3A_238 = arith.constant 0 : index
    %get3A_239 = vector.load %arg1[%get3A_236, %get3A_237, %get3A_238] : memref<192x16x512xf32, #tpu.memory_space<vmem>>, vector<192x1x512xf32>
    %get3A_240 = vector.shape_cast %get3A_239 : vector<192x1x512xf32> to vector<192x512xf32>
    %transpose3A_241 = tpu.transpose %get3A_240, [1, 0] : vector<192x512xf32> -> vector<512x192xf32>
    %swap3A_242 = arith.constant 12 : index
    %swap3A_243 = arith.constant 0 : index
    %swap3A_244 = arith.constant 0 : index
    %swap3A_245 = vector.load %arg2[%swap3A_242, %swap3A_243, %swap3A_244] : memref<16x512x256xf32, #tpu.memory_space<vmem>>, vector<1x512x192xf32>
    %swap3A_246 = vector.shape_cast %swap3A_245 : vector<1x512x192xf32> to vector<512x192xf32>
    %swap3A_247 = vector.shape_cast %transpose3A_241 : vector<512x192xf32> to vector<1x512x192xf32>
    tpu.vector_store %arg2[%swap3A_242, %swap3A_243, %swap3A_244], %swap3A_247 {strides = array<i32>} : memref<16x512x256xf32, #tpu.memory_space<vmem>>, vector<1x512x192xf32>,
    %broadcast_in_dim3A_248 = arith.constant 0.000000e+00 : f32
    %broadcast_in_dim3A_249 = vector.broadcast %broadcast_in_dim3A_248 : f32 to vector<512x64xf32>
    %swap3A_250 = arith.constant 12 : index
    %swap3A_251 = arith.constant 0 : index
    %swap3A_252 = arith.constant 192 : index
    %swap3A_253 = vector.load %arg2[%swap3A_250, %swap3A_251, %swap3A_252] : memref<16x512x256xf32, #tpu.memory_space<vmem>>, vector<1x512x64xf32>
    %swap3A_254 = vector.shape_cast %swap3A_253 : vector<1x512x64xf32> to vector<512x64xf32>
    %swap3A_255 = vector.shape_cast %broadcast_in_dim3A_249 : vector<512x64xf32> to vector<1x512x64xf32>
    tpu.vector_store %arg2[%swap3A_250, %swap3A_251, %swap3A_252], %swap3A_255 {strides = array<i32>} : memref<16x512x256xf32, #tpu.memory_space<vmem>>, vector<1x512x64xf32>,
    %get3A_256 = arith.constant 0 : index
    %get3A_257 = arith.constant 13 : index
    %get3A_258 = arith.constant 0 : index
    %get3A_259 = vector.load %arg1[%get3A_256, %get3A_257, %get3A_258] : memref<192x16x512xf32, #tpu.memory_space<vmem>>, vector<192x1x512xf32>
    %get3A_260 = vector.shape_cast %get3A_259 : vector<192x1x512xf32> to vector<192x512xf32>
    %transpose3A_261 = tpu.transpose %get3A_260, [1, 0] : vector<192x512xf32> -> vector<512x192xf32>
    %swap3A_262 = arith.constant 13 : index
    %swap3A_263 = arith.constant 0 : index
    %swap3A_264 = arith.constant 0 : index
    %swap3A_265 = vector.load %arg2[%swap3A_262, %swap3A_263, %swap3A_264] : memref<16x512x256xf32, #tpu.memory_space<vmem>>, vector<1x512x192xf32>
    %swap3A_266 = vector.shape_cast %swap3A_265 : vector<1x512x192xf32> to vector<512x192xf32>
    %swap3A_267 = vector.shape_cast %transpose3A_261 : vector<512x192xf32> to vector<1x512x192xf32>
    tpu.vector_store %arg2[%swap3A_262, %swap3A_263, %swap3A_264], %swap3A_267 {strides = array<i32>} : memref<16x512x256xf32, #tpu.memory_space<vmem>>, vector<1x512x192xf32>,
    %broadcast_in_dim3A_268 = arith.constant 0.000000e+00 : f32
    %broadcast_in_dim3A_269 = vector.broadcast %broadcast_in_dim3A_268 : f32 to vector<512x64xf32>
    %swap3A_270 = arith.constant 13 : index
    %swap3A_271 = arith.constant 0 : index
    %swap3A_272 = arith.constant 192 : index
    %swap3A_273 = vector.load %arg2[%swap3A_270, %swap3A_271, %swap3A_272] : memref<16x512x256xf32, #tpu.memory_space<vmem>>, vector<1x512x64xf32>
    %swap3A_274 = vector.shape_cast %swap3A_273 : vector<1x512x64xf32> to vector<512x64xf32>
    %swap3A_275 = vector.shape_cast %broadcast_in_dim3A_269 : vector<512x64xf32> to vector<1x512x64xf32>
    tpu.vector_store %arg2[%swap3A_270, %swap3A_271, %swap3A_272], %swap3A_275 {strides = array<i32>} : memref<16x512x256xf32, #tpu.memory_space<vmem>>, vector<1x512x64xf32>,
    %get3A_276 = arith.constant 0 : index
    %get3A_277 = arith.constant 14 : index
    %get3A_278 = arith.constant 0 : index
    %get3A_279 = vector.load %arg1[%get3A_276, %get3A_277, %get3A_278] : memref<192x16x512xf32, #tpu.memory_space<vmem>>, vector<192x1x512xf32>
    %get3A_280 = vector.shape_cast %get3A_279 : vector<192x1x512xf32> to vector<192x512xf32>
    %transpose3A_281 = tpu.transpose %get3A_280, [1, 0] : vector<192x512xf32> -> vector<512x192xf32>
    %swap3A_282 = arith.constant 14 : index
    %swap3A_283 = arith.constant 0 : index
    %swap3A_284 = arith.constant 0 : index
    %swap3A_285 = vector.load %arg2[%swap3A_282, %swap3A_283, %swap3A_284] : memref<16x512x256xf32, #tpu.memory_space<vmem>>, vector<1x512x192xf32>
    %swap3A_286 = vector.shape_cast %swap3A_285 : vector<1x512x192xf32> to vector<512x192xf32>
    %swap3A_287 = vector.shape_cast %transpose3A_281 : vector<512x192xf32> to vector<1x512x192xf32>
    tpu.vector_store %arg2[%swap3A_282, %swap3A_283, %swap3A_284], %swap3A_287 {strides = array<i32>} : memref<16x512x256xf32, #tpu.memory_space<vmem>>, vector<1x512x192xf32>,
    %broadcast_in_dim3A_288 = arith.constant 0.000000e+00 : f32
    %broadcast_in_dim3A_289 = vector.broadcast %broadcast_in_dim3A_288 : f32 to vector<512x64xf32>
    %swap3A_290 = arith.constant 14 : index
    %swap3A_291 = arith.constant 0 : index
    %swap3A_292 = arith.constant 192 : index
    %swap3A_293 = vector.load %arg2[%swap3A_290, %swap3A_291, %swap3A_292] : memref<16x512x256xf32, #tpu.memory_space<vmem>>, vector<1x512x64xf32>
    %swap3A_294 = vector.shape_cast %swap3A_293 : vector<1x512x64xf32> to vector<512x64xf32>
    %swap3A_295 = vector.shape_cast %broadcast_in_dim3A_289 : vector<512x64xf32> to vector<1x512x64xf32>
    tpu.vector_store %arg2[%swap3A_290, %swap3A_291, %swap3A_292], %swap3A_295 {strides = array<i32>} : memref<16x512x256xf32, #tpu.memory_space<vmem>>, vector<1x512x64xf32>,
    %get3A_296 = arith.constant 0 : index
    %get3A_297 = arith.constant 15 : index
    %get3A_298 = arith.constant 0 : index
    %get3A_299 = vector.load %arg1[%get3A_296, %get3A_297, %get3A_298] : memref<192x16x512xf32, #tpu.memory_space<vmem>>, vector<192x1x512xf32>
    %get3A_300 = vector.shape_cast %get3A_299 : vector<192x1x512xf32> to vector<192x512xf32>
    %transpose3A_301 = tpu.transpose %get3A_300, [1, 0] : vector<192x512xf32> -> vector<512x192xf32>
    %swap3A_302 = arith.constant 15 : index
    %swap3A_303 = arith.constant 0 : index
    %swap3A_304 = arith.constant 0 : index
    %swap3A_305 = vector.load %arg2[%swap3A_302, %swap3A_303, %swap3A_304] : memref<16x512x256xf32, #tpu.memory_space<vmem>>, vector<1x512x192xf32>
    %swap3A_306 = vector.shape_cast %swap3A_305 : vector<1x512x192xf32> to vector<512x192xf32>
    %swap3A_307 = vector.shape_cast %transpose3A_301 : vector<512x192xf32> to vector<1x512x192xf32>
    tpu.vector_store %arg2[%swap3A_302, %swap3A_303, %swap3A_304], %swap3A_307 {strides = array<i32>} : memref<16x512x256xf32, #tpu.memory_space<vmem>>, vector<1x512x192xf32>,
    %broadcast_in_dim3A_308 = arith.constant 0.000000e+00 : f32
    %broadcast_in_dim3A_309 = vector.broadcast %broadcast_in_dim3A_308 : f32 to vector<512x64xf32>
    %swap3A_310 = arith.constant 15 : index
    %swap3A_311 = arith.constant 0 : index
    %swap3A_312 = arith.constant 192 : index
    %swap3A_313 = vector.load %arg2[%swap3A_310, %swap3A_311, %swap3A_312] : memref<16x512x256xf32, #tpu.memory_space<vmem>>, vector<1x512x64xf32>
    %swap3A_314 = vector.shape_cast %swap3A_313 : vector<1x512x64xf32> to vector<512x64xf32>
    %swap3A_315 = vector.shape_cast %broadcast_in_dim3A_309 : vector<512x64xf32> to vector<1x512x64xf32>
    tpu.vector_store %arg2[%swap3A_310, %swap3A_311, %swap3A_312], %swap3A_315 {strides = array<i32>} : memref<16x512x256xf32, #tpu.memory_space<vmem>>, vector<1x512x64xf32>,
    return
  }
  func.func @transform_0(%arg0: i32) -> (i32, i32, i32) {
    %c0_i32 = arith.constant 0 : i32
    %c0_i32_0 = arith.constant 0 : i32
    %c0_i32_1 = arith.constant 0 : i32
    return %c0_i32, %arg0, %c0_i32_0 : i32, i32, i32
  }
  func.func @transform_1(%arg0: i32) -> (i32, i32, i32) {
    %c0_i32 = arith.constant 0 : i32
    %c0_i32_0 = arith.constant 0 : i32
    %c0_i32_1 = arith.constant 0 : i32
    return %arg0, %c0_i32, %c0_i32_0 : i32, i32, i32
  }
}

module attributes {stable_mosaic.version = 14 : i64} {
  func.func @_out_t_kernel(%arg0: i32, %arg1: memref<32x256x192xf32, #tpu.memory_space<vmem>>, %arg2: memref<192x32x256xf32, #tpu.memory_space<vmem>>) attributes {dimension_semantics = [#tpu.dimension_semantics<arbitrary>], iteration_bounds = array<i64: 8>, scalar_prefetch = 0 : i64, scratch_operands = 0 : i64, tpu.core_type = #tpu.core_type<tc>, window_params = [{transform_indices = @transform_0, window_bounds = array<i64: 32, 256, 192>}, {transform_indices = @transform_1, window_bounds = array<i64: 192, 32, 256>}]} {
    %get3A = arith.constant 0 : index
    %get3A_0 = arith.constant 0 : index
    %get3A_1 = arith.constant 0 : index
    %get3A_2 = vector.load %arg1[%get3A, %get3A_0, %get3A_1] : memref<32x256x192xf32, #tpu.memory_space<vmem>>, vector<1x256x192xf32>
    %get3A_3 = vector.shape_cast %get3A_2 : vector<1x256x192xf32> to vector<256x192xf32>
    %transpose3A = tpu.transpose %get3A_3, [1, 0] : vector<256x192xf32> -> vector<192x256xf32>
    %swap3A = arith.constant 0 : index
    %swap3A_4 = arith.constant 0 : index
    %swap3A_5 = arith.constant 0 : index
    %swap3A_6 = vector.load %arg2[%swap3A, %swap3A_4, %swap3A_5] : memref<192x32x256xf32, #tpu.memory_space<vmem>>, vector<192x1x256xf32>
    %swap3A_7 = vector.shape_cast %swap3A_6 : vector<192x1x256xf32> to vector<192x256xf32>
    %swap3A_8 = vector.shape_cast %transpose3A : vector<192x256xf32> to vector<192x1x256xf32>
    tpu.vector_store %arg2[%swap3A, %swap3A_4, %swap3A_5], %swap3A_8 {strides = array<i32>} : memref<192x32x256xf32, #tpu.memory_space<vmem>>, vector<192x1x256xf32>,
    %get3A_9 = arith.constant 1 : index
    %get3A_10 = arith.constant 0 : index
    %get3A_11 = arith.constant 0 : index
    %get3A_12 = vector.load %arg1[%get3A_9, %get3A_10, %get3A_11] : memref<32x256x192xf32, #tpu.memory_space<vmem>>, vector<1x256x192xf32>
    %get3A_13 = vector.shape_cast %get3A_12 : vector<1x256x192xf32> to vector<256x192xf32>
    %transpose3A_14 = tpu.transpose %get3A_13, [1, 0] : vector<256x192xf32> -> vector<192x256xf32>
    %swap3A_15 = arith.constant 0 : index
    %swap3A_16 = arith.constant 1 : index
    %swap3A_17 = arith.constant 0 : index
    %swap3A_18 = vector.load %arg2[%swap3A_15, %swap3A_16, %swap3A_17] : memref<192x32x256xf32, #tpu.memory_space<vmem>>, vector<192x1x256xf32>
    %swap3A_19 = vector.shape_cast %swap3A_18 : vector<192x1x256xf32> to vector<192x256xf32>
    %swap3A_20 = vector.shape_cast %transpose3A_14 : vector<192x256xf32> to vector<192x1x256xf32>
    tpu.vector_store %arg2[%swap3A_15, %swap3A_16, %swap3A_17], %swap3A_20 {strides = array<i32>} : memref<192x32x256xf32, #tpu.memory_space<vmem>>, vector<192x1x256xf32>,
    %get3A_21 = arith.constant 2 : index
    %get3A_22 = arith.constant 0 : index
    %get3A_23 = arith.constant 0 : index
    %get3A_24 = vector.load %arg1[%get3A_21, %get3A_22, %get3A_23] : memref<32x256x192xf32, #tpu.memory_space<vmem>>, vector<1x256x192xf32>
    %get3A_25 = vector.shape_cast %get3A_24 : vector<1x256x192xf32> to vector<256x192xf32>
    %transpose3A_26 = tpu.transpose %get3A_25, [1, 0] : vector<256x192xf32> -> vector<192x256xf32>
    %swap3A_27 = arith.constant 0 : index
    %swap3A_28 = arith.constant 2 : index
    %swap3A_29 = arith.constant 0 : index
    %swap3A_30 = vector.load %arg2[%swap3A_27, %swap3A_28, %swap3A_29] : memref<192x32x256xf32, #tpu.memory_space<vmem>>, vector<192x1x256xf32>
    %swap3A_31 = vector.shape_cast %swap3A_30 : vector<192x1x256xf32> to vector<192x256xf32>
    %swap3A_32 = vector.shape_cast %transpose3A_26 : vector<192x256xf32> to vector<192x1x256xf32>
    tpu.vector_store %arg2[%swap3A_27, %swap3A_28, %swap3A_29], %swap3A_32 {strides = array<i32>} : memref<192x32x256xf32, #tpu.memory_space<vmem>>, vector<192x1x256xf32>,
    %get3A_33 = arith.constant 3 : index
    %get3A_34 = arith.constant 0 : index
    %get3A_35 = arith.constant 0 : index
    %get3A_36 = vector.load %arg1[%get3A_33, %get3A_34, %get3A_35] : memref<32x256x192xf32, #tpu.memory_space<vmem>>, vector<1x256x192xf32>
    %get3A_37 = vector.shape_cast %get3A_36 : vector<1x256x192xf32> to vector<256x192xf32>
    %transpose3A_38 = tpu.transpose %get3A_37, [1, 0] : vector<256x192xf32> -> vector<192x256xf32>
    %swap3A_39 = arith.constant 0 : index
    %swap3A_40 = arith.constant 3 : index
    %swap3A_41 = arith.constant 0 : index
    %swap3A_42 = vector.load %arg2[%swap3A_39, %swap3A_40, %swap3A_41] : memref<192x32x256xf32, #tpu.memory_space<vmem>>, vector<192x1x256xf32>
    %swap3A_43 = vector.shape_cast %swap3A_42 : vector<192x1x256xf32> to vector<192x256xf32>
    %swap3A_44 = vector.shape_cast %transpose3A_38 : vector<192x256xf32> to vector<192x1x256xf32>
    tpu.vector_store %arg2[%swap3A_39, %swap3A_40, %swap3A_41], %swap3A_44 {strides = array<i32>} : memref<192x32x256xf32, #tpu.memory_space<vmem>>, vector<192x1x256xf32>,
    %get3A_45 = arith.constant 4 : index
    %get3A_46 = arith.constant 0 : index
    %get3A_47 = arith.constant 0 : index
    %get3A_48 = vector.load %arg1[%get3A_45, %get3A_46, %get3A_47] : memref<32x256x192xf32, #tpu.memory_space<vmem>>, vector<1x256x192xf32>
    %get3A_49 = vector.shape_cast %get3A_48 : vector<1x256x192xf32> to vector<256x192xf32>
    %transpose3A_50 = tpu.transpose %get3A_49, [1, 0] : vector<256x192xf32> -> vector<192x256xf32>
    %swap3A_51 = arith.constant 0 : index
    %swap3A_52 = arith.constant 4 : index
    %swap3A_53 = arith.constant 0 : index
    %swap3A_54 = vector.load %arg2[%swap3A_51, %swap3A_52, %swap3A_53] : memref<192x32x256xf32, #tpu.memory_space<vmem>>, vector<192x1x256xf32>
    %swap3A_55 = vector.shape_cast %swap3A_54 : vector<192x1x256xf32> to vector<192x256xf32>
    %swap3A_56 = vector.shape_cast %transpose3A_50 : vector<192x256xf32> to vector<192x1x256xf32>
    tpu.vector_store %arg2[%swap3A_51, %swap3A_52, %swap3A_53], %swap3A_56 {strides = array<i32>} : memref<192x32x256xf32, #tpu.memory_space<vmem>>, vector<192x1x256xf32>,
    %get3A_57 = arith.constant 5 : index
    %get3A_58 = arith.constant 0 : index
    %get3A_59 = arith.constant 0 : index
    %get3A_60 = vector.load %arg1[%get3A_57, %get3A_58, %get3A_59] : memref<32x256x192xf32, #tpu.memory_space<vmem>>, vector<1x256x192xf32>
    %get3A_61 = vector.shape_cast %get3A_60 : vector<1x256x192xf32> to vector<256x192xf32>
    %transpose3A_62 = tpu.transpose %get3A_61, [1, 0] : vector<256x192xf32> -> vector<192x256xf32>
    %swap3A_63 = arith.constant 0 : index
    %swap3A_64 = arith.constant 5 : index
    %swap3A_65 = arith.constant 0 : index
    %swap3A_66 = vector.load %arg2[%swap3A_63, %swap3A_64, %swap3A_65] : memref<192x32x256xf32, #tpu.memory_space<vmem>>, vector<192x1x256xf32>
    %swap3A_67 = vector.shape_cast %swap3A_66 : vector<192x1x256xf32> to vector<192x256xf32>
    %swap3A_68 = vector.shape_cast %transpose3A_62 : vector<192x256xf32> to vector<192x1x256xf32>
    tpu.vector_store %arg2[%swap3A_63, %swap3A_64, %swap3A_65], %swap3A_68 {strides = array<i32>} : memref<192x32x256xf32, #tpu.memory_space<vmem>>, vector<192x1x256xf32>,
    %get3A_69 = arith.constant 6 : index
    %get3A_70 = arith.constant 0 : index
    %get3A_71 = arith.constant 0 : index
    %get3A_72 = vector.load %arg1[%get3A_69, %get3A_70, %get3A_71] : memref<32x256x192xf32, #tpu.memory_space<vmem>>, vector<1x256x192xf32>
    %get3A_73 = vector.shape_cast %get3A_72 : vector<1x256x192xf32> to vector<256x192xf32>
    %transpose3A_74 = tpu.transpose %get3A_73, [1, 0] : vector<256x192xf32> -> vector<192x256xf32>
    %swap3A_75 = arith.constant 0 : index
    %swap3A_76 = arith.constant 6 : index
    %swap3A_77 = arith.constant 0 : index
    %swap3A_78 = vector.load %arg2[%swap3A_75, %swap3A_76, %swap3A_77] : memref<192x32x256xf32, #tpu.memory_space<vmem>>, vector<192x1x256xf32>
    %swap3A_79 = vector.shape_cast %swap3A_78 : vector<192x1x256xf32> to vector<192x256xf32>
    %swap3A_80 = vector.shape_cast %transpose3A_74 : vector<192x256xf32> to vector<192x1x256xf32>
    tpu.vector_store %arg2[%swap3A_75, %swap3A_76, %swap3A_77], %swap3A_80 {strides = array<i32>} : memref<192x32x256xf32, #tpu.memory_space<vmem>>, vector<192x1x256xf32>,
    %get3A_81 = arith.constant 7 : index
    %get3A_82 = arith.constant 0 : index
    %get3A_83 = arith.constant 0 : index
    %get3A_84 = vector.load %arg1[%get3A_81, %get3A_82, %get3A_83] : memref<32x256x192xf32, #tpu.memory_space<vmem>>, vector<1x256x192xf32>
    %get3A_85 = vector.shape_cast %get3A_84 : vector<1x256x192xf32> to vector<256x192xf32>
    %transpose3A_86 = tpu.transpose %get3A_85, [1, 0] : vector<256x192xf32> -> vector<192x256xf32>
    %swap3A_87 = arith.constant 0 : index
    %swap3A_88 = arith.constant 7 : index
    %swap3A_89 = arith.constant 0 : index
    %swap3A_90 = vector.load %arg2[%swap3A_87, %swap3A_88, %swap3A_89] : memref<192x32x256xf32, #tpu.memory_space<vmem>>, vector<192x1x256xf32>
    %swap3A_91 = vector.shape_cast %swap3A_90 : vector<192x1x256xf32> to vector<192x256xf32>
    %swap3A_92 = vector.shape_cast %transpose3A_86 : vector<192x256xf32> to vector<192x1x256xf32>
    tpu.vector_store %arg2[%swap3A_87, %swap3A_88, %swap3A_89], %swap3A_92 {strides = array<i32>} : memref<192x32x256xf32, #tpu.memory_space<vmem>>, vector<192x1x256xf32>,
    %get3A_93 = arith.constant 8 : index
    %get3A_94 = arith.constant 0 : index
    %get3A_95 = arith.constant 0 : index
    %get3A_96 = vector.load %arg1[%get3A_93, %get3A_94, %get3A_95] : memref<32x256x192xf32, #tpu.memory_space<vmem>>, vector<1x256x192xf32>
    %get3A_97 = vector.shape_cast %get3A_96 : vector<1x256x192xf32> to vector<256x192xf32>
    %transpose3A_98 = tpu.transpose %get3A_97, [1, 0] : vector<256x192xf32> -> vector<192x256xf32>
    %swap3A_99 = arith.constant 0 : index
    %swap3A_100 = arith.constant 8 : index
    %swap3A_101 = arith.constant 0 : index
    %swap3A_102 = vector.load %arg2[%swap3A_99, %swap3A_100, %swap3A_101] : memref<192x32x256xf32, #tpu.memory_space<vmem>>, vector<192x1x256xf32>
    %swap3A_103 = vector.shape_cast %swap3A_102 : vector<192x1x256xf32> to vector<192x256xf32>
    %swap3A_104 = vector.shape_cast %transpose3A_98 : vector<192x256xf32> to vector<192x1x256xf32>
    tpu.vector_store %arg2[%swap3A_99, %swap3A_100, %swap3A_101], %swap3A_104 {strides = array<i32>} : memref<192x32x256xf32, #tpu.memory_space<vmem>>, vector<192x1x256xf32>,
    %get3A_105 = arith.constant 9 : index
    %get3A_106 = arith.constant 0 : index
    %get3A_107 = arith.constant 0 : index
    %get3A_108 = vector.load %arg1[%get3A_105, %get3A_106, %get3A_107] : memref<32x256x192xf32, #tpu.memory_space<vmem>>, vector<1x256x192xf32>
    %get3A_109 = vector.shape_cast %get3A_108 : vector<1x256x192xf32> to vector<256x192xf32>
    %transpose3A_110 = tpu.transpose %get3A_109, [1, 0] : vector<256x192xf32> -> vector<192x256xf32>
    %swap3A_111 = arith.constant 0 : index
    %swap3A_112 = arith.constant 9 : index
    %swap3A_113 = arith.constant 0 : index
    %swap3A_114 = vector.load %arg2[%swap3A_111, %swap3A_112, %swap3A_113] : memref<192x32x256xf32, #tpu.memory_space<vmem>>, vector<192x1x256xf32>
    %swap3A_115 = vector.shape_cast %swap3A_114 : vector<192x1x256xf32> to vector<192x256xf32>
    %swap3A_116 = vector.shape_cast %transpose3A_110 : vector<192x256xf32> to vector<192x1x256xf32>
    tpu.vector_store %arg2[%swap3A_111, %swap3A_112, %swap3A_113], %swap3A_116 {strides = array<i32>} : memref<192x32x256xf32, #tpu.memory_space<vmem>>, vector<192x1x256xf32>,
    %get3A_117 = arith.constant 10 : index
    %get3A_118 = arith.constant 0 : index
    %get3A_119 = arith.constant 0 : index
    %get3A_120 = vector.load %arg1[%get3A_117, %get3A_118, %get3A_119] : memref<32x256x192xf32, #tpu.memory_space<vmem>>, vector<1x256x192xf32>
    %get3A_121 = vector.shape_cast %get3A_120 : vector<1x256x192xf32> to vector<256x192xf32>
    %transpose3A_122 = tpu.transpose %get3A_121, [1, 0] : vector<256x192xf32> -> vector<192x256xf32>
    %swap3A_123 = arith.constant 0 : index
    %swap3A_124 = arith.constant 10 : index
    %swap3A_125 = arith.constant 0 : index
    %swap3A_126 = vector.load %arg2[%swap3A_123, %swap3A_124, %swap3A_125] : memref<192x32x256xf32, #tpu.memory_space<vmem>>, vector<192x1x256xf32>
    %swap3A_127 = vector.shape_cast %swap3A_126 : vector<192x1x256xf32> to vector<192x256xf32>
    %swap3A_128 = vector.shape_cast %transpose3A_122 : vector<192x256xf32> to vector<192x1x256xf32>
    tpu.vector_store %arg2[%swap3A_123, %swap3A_124, %swap3A_125], %swap3A_128 {strides = array<i32>} : memref<192x32x256xf32, #tpu.memory_space<vmem>>, vector<192x1x256xf32>,
    %get3A_129 = arith.constant 11 : index
    %get3A_130 = arith.constant 0 : index
    %get3A_131 = arith.constant 0 : index
    %get3A_132 = vector.load %arg1[%get3A_129, %get3A_130, %get3A_131] : memref<32x256x192xf32, #tpu.memory_space<vmem>>, vector<1x256x192xf32>
    %get3A_133 = vector.shape_cast %get3A_132 : vector<1x256x192xf32> to vector<256x192xf32>
    %transpose3A_134 = tpu.transpose %get3A_133, [1, 0] : vector<256x192xf32> -> vector<192x256xf32>
    %swap3A_135 = arith.constant 0 : index
    %swap3A_136 = arith.constant 11 : index
    %swap3A_137 = arith.constant 0 : index
    %swap3A_138 = vector.load %arg2[%swap3A_135, %swap3A_136, %swap3A_137] : memref<192x32x256xf32, #tpu.memory_space<vmem>>, vector<192x1x256xf32>
    %swap3A_139 = vector.shape_cast %swap3A_138 : vector<192x1x256xf32> to vector<192x256xf32>
    %swap3A_140 = vector.shape_cast %transpose3A_134 : vector<192x256xf32> to vector<192x1x256xf32>
    tpu.vector_store %arg2[%swap3A_135, %swap3A_136, %swap3A_137], %swap3A_140 {strides = array<i32>} : memref<192x32x256xf32, #tpu.memory_space<vmem>>, vector<192x1x256xf32>,
    %get3A_141 = arith.constant 12 : index
    %get3A_142 = arith.constant 0 : index
    %get3A_143 = arith.constant 0 : index
    %get3A_144 = vector.load %arg1[%get3A_141, %get3A_142, %get3A_143] : memref<32x256x192xf32, #tpu.memory_space<vmem>>, vector<1x256x192xf32>
    %get3A_145 = vector.shape_cast %get3A_144 : vector<1x256x192xf32> to vector<256x192xf32>
    %transpose3A_146 = tpu.transpose %get3A_145, [1, 0] : vector<256x192xf32> -> vector<192x256xf32>
    %swap3A_147 = arith.constant 0 : index
    %swap3A_148 = arith.constant 12 : index
    %swap3A_149 = arith.constant 0 : index
    %swap3A_150 = vector.load %arg2[%swap3A_147, %swap3A_148, %swap3A_149] : memref<192x32x256xf32, #tpu.memory_space<vmem>>, vector<192x1x256xf32>
    %swap3A_151 = vector.shape_cast %swap3A_150 : vector<192x1x256xf32> to vector<192x256xf32>
    %swap3A_152 = vector.shape_cast %transpose3A_146 : vector<192x256xf32> to vector<192x1x256xf32>
    tpu.vector_store %arg2[%swap3A_147, %swap3A_148, %swap3A_149], %swap3A_152 {strides = array<i32>} : memref<192x32x256xf32, #tpu.memory_space<vmem>>, vector<192x1x256xf32>,
    %get3A_153 = arith.constant 13 : index
    %get3A_154 = arith.constant 0 : index
    %get3A_155 = arith.constant 0 : index
    %get3A_156 = vector.load %arg1[%get3A_153, %get3A_154, %get3A_155] : memref<32x256x192xf32, #tpu.memory_space<vmem>>, vector<1x256x192xf32>
    %get3A_157 = vector.shape_cast %get3A_156 : vector<1x256x192xf32> to vector<256x192xf32>
    %transpose3A_158 = tpu.transpose %get3A_157, [1, 0] : vector<256x192xf32> -> vector<192x256xf32>
    %swap3A_159 = arith.constant 0 : index
    %swap3A_160 = arith.constant 13 : index
    %swap3A_161 = arith.constant 0 : index
    %swap3A_162 = vector.load %arg2[%swap3A_159, %swap3A_160, %swap3A_161] : memref<192x32x256xf32, #tpu.memory_space<vmem>>, vector<192x1x256xf32>
    %swap3A_163 = vector.shape_cast %swap3A_162 : vector<192x1x256xf32> to vector<192x256xf32>
    %swap3A_164 = vector.shape_cast %transpose3A_158 : vector<192x256xf32> to vector<192x1x256xf32>
    tpu.vector_store %arg2[%swap3A_159, %swap3A_160, %swap3A_161], %swap3A_164 {strides = array<i32>} : memref<192x32x256xf32, #tpu.memory_space<vmem>>, vector<192x1x256xf32>,
    %get3A_165 = arith.constant 14 : index
    %get3A_166 = arith.constant 0 : index
    %get3A_167 = arith.constant 0 : index
    %get3A_168 = vector.load %arg1[%get3A_165, %get3A_166, %get3A_167] : memref<32x256x192xf32, #tpu.memory_space<vmem>>, vector<1x256x192xf32>
    %get3A_169 = vector.shape_cast %get3A_168 : vector<1x256x192xf32> to vector<256x192xf32>
    %transpose3A_170 = tpu.transpose %get3A_169, [1, 0] : vector<256x192xf32> -> vector<192x256xf32>
    %swap3A_171 = arith.constant 0 : index
    %swap3A_172 = arith.constant 14 : index
    %swap3A_173 = arith.constant 0 : index
    %swap3A_174 = vector.load %arg2[%swap3A_171, %swap3A_172, %swap3A_173] : memref<192x32x256xf32, #tpu.memory_space<vmem>>, vector<192x1x256xf32>
    %swap3A_175 = vector.shape_cast %swap3A_174 : vector<192x1x256xf32> to vector<192x256xf32>
    %swap3A_176 = vector.shape_cast %transpose3A_170 : vector<192x256xf32> to vector<192x1x256xf32>
    tpu.vector_store %arg2[%swap3A_171, %swap3A_172, %swap3A_173], %swap3A_176 {strides = array<i32>} : memref<192x32x256xf32, #tpu.memory_space<vmem>>, vector<192x1x256xf32>,
    %get3A_177 = arith.constant 15 : index
    %get3A_178 = arith.constant 0 : index
    %get3A_179 = arith.constant 0 : index
    %get3A_180 = vector.load %arg1[%get3A_177, %get3A_178, %get3A_179] : memref<32x256x192xf32, #tpu.memory_space<vmem>>, vector<1x256x192xf32>
    %get3A_181 = vector.shape_cast %get3A_180 : vector<1x256x192xf32> to vector<256x192xf32>
    %transpose3A_182 = tpu.transpose %get3A_181, [1, 0] : vector<256x192xf32> -> vector<192x256xf32>
    %swap3A_183 = arith.constant 0 : index
    %swap3A_184 = arith.constant 15 : index
    %swap3A_185 = arith.constant 0 : index
    %swap3A_186 = vector.load %arg2[%swap3A_183, %swap3A_184, %swap3A_185] : memref<192x32x256xf32, #tpu.memory_space<vmem>>, vector<192x1x256xf32>
    %swap3A_187 = vector.shape_cast %swap3A_186 : vector<192x1x256xf32> to vector<192x256xf32>
    %swap3A_188 = vector.shape_cast %transpose3A_182 : vector<192x256xf32> to vector<192x1x256xf32>
    tpu.vector_store %arg2[%swap3A_183, %swap3A_184, %swap3A_185], %swap3A_188 {strides = array<i32>} : memref<192x32x256xf32, #tpu.memory_space<vmem>>, vector<192x1x256xf32>,
    %get3A_189 = arith.constant 16 : index
    %get3A_190 = arith.constant 0 : index
    %get3A_191 = arith.constant 0 : index
    %get3A_192 = vector.load %arg1[%get3A_189, %get3A_190, %get3A_191] : memref<32x256x192xf32, #tpu.memory_space<vmem>>, vector<1x256x192xf32>
    %get3A_193 = vector.shape_cast %get3A_192 : vector<1x256x192xf32> to vector<256x192xf32>
    %transpose3A_194 = tpu.transpose %get3A_193, [1, 0] : vector<256x192xf32> -> vector<192x256xf32>
    %swap3A_195 = arith.constant 0 : index
    %swap3A_196 = arith.constant 16 : index
    %swap3A_197 = arith.constant 0 : index
    %swap3A_198 = vector.load %arg2[%swap3A_195, %swap3A_196, %swap3A_197] : memref<192x32x256xf32, #tpu.memory_space<vmem>>, vector<192x1x256xf32>
    %swap3A_199 = vector.shape_cast %swap3A_198 : vector<192x1x256xf32> to vector<192x256xf32>
    %swap3A_200 = vector.shape_cast %transpose3A_194 : vector<192x256xf32> to vector<192x1x256xf32>
    tpu.vector_store %arg2[%swap3A_195, %swap3A_196, %swap3A_197], %swap3A_200 {strides = array<i32>} : memref<192x32x256xf32, #tpu.memory_space<vmem>>, vector<192x1x256xf32>,
    %get3A_201 = arith.constant 17 : index
    %get3A_202 = arith.constant 0 : index
    %get3A_203 = arith.constant 0 : index
    %get3A_204 = vector.load %arg1[%get3A_201, %get3A_202, %get3A_203] : memref<32x256x192xf32, #tpu.memory_space<vmem>>, vector<1x256x192xf32>
    %get3A_205 = vector.shape_cast %get3A_204 : vector<1x256x192xf32> to vector<256x192xf32>
    %transpose3A_206 = tpu.transpose %get3A_205, [1, 0] : vector<256x192xf32> -> vector<192x256xf32>
    %swap3A_207 = arith.constant 0 : index
    %swap3A_208 = arith.constant 17 : index
    %swap3A_209 = arith.constant 0 : index
    %swap3A_210 = vector.load %arg2[%swap3A_207, %swap3A_208, %swap3A_209] : memref<192x32x256xf32, #tpu.memory_space<vmem>>, vector<192x1x256xf32>
    %swap3A_211 = vector.shape_cast %swap3A_210 : vector<192x1x256xf32> to vector<192x256xf32>
    %swap3A_212 = vector.shape_cast %transpose3A_206 : vector<192x256xf32> to vector<192x1x256xf32>
    tpu.vector_store %arg2[%swap3A_207, %swap3A_208, %swap3A_209], %swap3A_212 {strides = array<i32>} : memref<192x32x256xf32, #tpu.memory_space<vmem>>, vector<192x1x256xf32>,
    %get3A_213 = arith.constant 18 : index
    %get3A_214 = arith.constant 0 : index
    %get3A_215 = arith.constant 0 : index
    %get3A_216 = vector.load %arg1[%get3A_213, %get3A_214, %get3A_215] : memref<32x256x192xf32, #tpu.memory_space<vmem>>, vector<1x256x192xf32>
    %get3A_217 = vector.shape_cast %get3A_216 : vector<1x256x192xf32> to vector<256x192xf32>
    %transpose3A_218 = tpu.transpose %get3A_217, [1, 0] : vector<256x192xf32> -> vector<192x256xf32>
    %swap3A_219 = arith.constant 0 : index
    %swap3A_220 = arith.constant 18 : index
    %swap3A_221 = arith.constant 0 : index
    %swap3A_222 = vector.load %arg2[%swap3A_219, %swap3A_220, %swap3A_221] : memref<192x32x256xf32, #tpu.memory_space<vmem>>, vector<192x1x256xf32>
    %swap3A_223 = vector.shape_cast %swap3A_222 : vector<192x1x256xf32> to vector<192x256xf32>
    %swap3A_224 = vector.shape_cast %transpose3A_218 : vector<192x256xf32> to vector<192x1x256xf32>
    tpu.vector_store %arg2[%swap3A_219, %swap3A_220, %swap3A_221], %swap3A_224 {strides = array<i32>} : memref<192x32x256xf32, #tpu.memory_space<vmem>>, vector<192x1x256xf32>,
    %get3A_225 = arith.constant 19 : index
    %get3A_226 = arith.constant 0 : index
    %get3A_227 = arith.constant 0 : index
    %get3A_228 = vector.load %arg1[%get3A_225, %get3A_226, %get3A_227] : memref<32x256x192xf32, #tpu.memory_space<vmem>>, vector<1x256x192xf32>
    %get3A_229 = vector.shape_cast %get3A_228 : vector<1x256x192xf32> to vector<256x192xf32>
    %transpose3A_230 = tpu.transpose %get3A_229, [1, 0] : vector<256x192xf32> -> vector<192x256xf32>
    %swap3A_231 = arith.constant 0 : index
    %swap3A_232 = arith.constant 19 : index
    %swap3A_233 = arith.constant 0 : index
    %swap3A_234 = vector.load %arg2[%swap3A_231, %swap3A_232, %swap3A_233] : memref<192x32x256xf32, #tpu.memory_space<vmem>>, vector<192x1x256xf32>
    %swap3A_235 = vector.shape_cast %swap3A_234 : vector<192x1x256xf32> to vector<192x256xf32>
    %swap3A_236 = vector.shape_cast %transpose3A_230 : vector<192x256xf32> to vector<192x1x256xf32>
    tpu.vector_store %arg2[%swap3A_231, %swap3A_232, %swap3A_233], %swap3A_236 {strides = array<i32>} : memref<192x32x256xf32, #tpu.memory_space<vmem>>, vector<192x1x256xf32>,
    %get3A_237 = arith.constant 20 : index
    %get3A_238 = arith.constant 0 : index
    %get3A_239 = arith.constant 0 : index
    %get3A_240 = vector.load %arg1[%get3A_237, %get3A_238, %get3A_239] : memref<32x256x192xf32, #tpu.memory_space<vmem>>, vector<1x256x192xf32>
    %get3A_241 = vector.shape_cast %get3A_240 : vector<1x256x192xf32> to vector<256x192xf32>
    %transpose3A_242 = tpu.transpose %get3A_241, [1, 0] : vector<256x192xf32> -> vector<192x256xf32>
    %swap3A_243 = arith.constant 0 : index
    %swap3A_244 = arith.constant 20 : index
    %swap3A_245 = arith.constant 0 : index
    %swap3A_246 = vector.load %arg2[%swap3A_243, %swap3A_244, %swap3A_245] : memref<192x32x256xf32, #tpu.memory_space<vmem>>, vector<192x1x256xf32>
    %swap3A_247 = vector.shape_cast %swap3A_246 : vector<192x1x256xf32> to vector<192x256xf32>
    %swap3A_248 = vector.shape_cast %transpose3A_242 : vector<192x256xf32> to vector<192x1x256xf32>
    tpu.vector_store %arg2[%swap3A_243, %swap3A_244, %swap3A_245], %swap3A_248 {strides = array<i32>} : memref<192x32x256xf32, #tpu.memory_space<vmem>>, vector<192x1x256xf32>,
    %get3A_249 = arith.constant 21 : index
    %get3A_250 = arith.constant 0 : index
    %get3A_251 = arith.constant 0 : index
    %get3A_252 = vector.load %arg1[%get3A_249, %get3A_250, %get3A_251] : memref<32x256x192xf32, #tpu.memory_space<vmem>>, vector<1x256x192xf32>
    %get3A_253 = vector.shape_cast %get3A_252 : vector<1x256x192xf32> to vector<256x192xf32>
    %transpose3A_254 = tpu.transpose %get3A_253, [1, 0] : vector<256x192xf32> -> vector<192x256xf32>
    %swap3A_255 = arith.constant 0 : index
    %swap3A_256 = arith.constant 21 : index
    %swap3A_257 = arith.constant 0 : index
    %swap3A_258 = vector.load %arg2[%swap3A_255, %swap3A_256, %swap3A_257] : memref<192x32x256xf32, #tpu.memory_space<vmem>>, vector<192x1x256xf32>
    %swap3A_259 = vector.shape_cast %swap3A_258 : vector<192x1x256xf32> to vector<192x256xf32>
    %swap3A_260 = vector.shape_cast %transpose3A_254 : vector<192x256xf32> to vector<192x1x256xf32>
    tpu.vector_store %arg2[%swap3A_255, %swap3A_256, %swap3A_257], %swap3A_260 {strides = array<i32>} : memref<192x32x256xf32, #tpu.memory_space<vmem>>, vector<192x1x256xf32>,
    %get3A_261 = arith.constant 22 : index
    %get3A_262 = arith.constant 0 : index
    %get3A_263 = arith.constant 0 : index
    %get3A_264 = vector.load %arg1[%get3A_261, %get3A_262, %get3A_263] : memref<32x256x192xf32, #tpu.memory_space<vmem>>, vector<1x256x192xf32>
    %get3A_265 = vector.shape_cast %get3A_264 : vector<1x256x192xf32> to vector<256x192xf32>
    %transpose3A_266 = tpu.transpose %get3A_265, [1, 0] : vector<256x192xf32> -> vector<192x256xf32>
    %swap3A_267 = arith.constant 0 : index
    %swap3A_268 = arith.constant 22 : index
    %swap3A_269 = arith.constant 0 : index
    %swap3A_270 = vector.load %arg2[%swap3A_267, %swap3A_268, %swap3A_269] : memref<192x32x256xf32, #tpu.memory_space<vmem>>, vector<192x1x256xf32>
    %swap3A_271 = vector.shape_cast %swap3A_270 : vector<192x1x256xf32> to vector<192x256xf32>
    %swap3A_272 = vector.shape_cast %transpose3A_266 : vector<192x256xf32> to vector<192x1x256xf32>
    tpu.vector_store %arg2[%swap3A_267, %swap3A_268, %swap3A_269], %swap3A_272 {strides = array<i32>} : memref<192x32x256xf32, #tpu.memory_space<vmem>>, vector<192x1x256xf32>,
    %get3A_273 = arith.constant 23 : index
    %get3A_274 = arith.constant 0 : index
    %get3A_275 = arith.constant 0 : index
    %get3A_276 = vector.load %arg1[%get3A_273, %get3A_274, %get3A_275] : memref<32x256x192xf32, #tpu.memory_space<vmem>>, vector<1x256x192xf32>
    %get3A_277 = vector.shape_cast %get3A_276 : vector<1x256x192xf32> to vector<256x192xf32>
    %transpose3A_278 = tpu.transpose %get3A_277, [1, 0] : vector<256x192xf32> -> vector<192x256xf32>
    %swap3A_279 = arith.constant 0 : index
    %swap3A_280 = arith.constant 23 : index
    %swap3A_281 = arith.constant 0 : index
    %swap3A_282 = vector.load %arg2[%swap3A_279, %swap3A_280, %swap3A_281] : memref<192x32x256xf32, #tpu.memory_space<vmem>>, vector<192x1x256xf32>
    %swap3A_283 = vector.shape_cast %swap3A_282 : vector<192x1x256xf32> to vector<192x256xf32>
    %swap3A_284 = vector.shape_cast %transpose3A_278 : vector<192x256xf32> to vector<192x1x256xf32>
    tpu.vector_store %arg2[%swap3A_279, %swap3A_280, %swap3A_281], %swap3A_284 {strides = array<i32>} : memref<192x32x256xf32, #tpu.memory_space<vmem>>, vector<192x1x256xf32>,
    %get3A_285 = arith.constant 24 : index
    %get3A_286 = arith.constant 0 : index
    %get3A_287 = arith.constant 0 : index
    %get3A_288 = vector.load %arg1[%get3A_285, %get3A_286, %get3A_287] : memref<32x256x192xf32, #tpu.memory_space<vmem>>, vector<1x256x192xf32>
    %get3A_289 = vector.shape_cast %get3A_288 : vector<1x256x192xf32> to vector<256x192xf32>
    %transpose3A_290 = tpu.transpose %get3A_289, [1, 0] : vector<256x192xf32> -> vector<192x256xf32>
    %swap3A_291 = arith.constant 0 : index
    %swap3A_292 = arith.constant 24 : index
    %swap3A_293 = arith.constant 0 : index
    %swap3A_294 = vector.load %arg2[%swap3A_291, %swap3A_292, %swap3A_293] : memref<192x32x256xf32, #tpu.memory_space<vmem>>, vector<192x1x256xf32>
    %swap3A_295 = vector.shape_cast %swap3A_294 : vector<192x1x256xf32> to vector<192x256xf32>
    %swap3A_296 = vector.shape_cast %transpose3A_290 : vector<192x256xf32> to vector<192x1x256xf32>
    tpu.vector_store %arg2[%swap3A_291, %swap3A_292, %swap3A_293], %swap3A_296 {strides = array<i32>} : memref<192x32x256xf32, #tpu.memory_space<vmem>>, vector<192x1x256xf32>,
    %get3A_297 = arith.constant 25 : index
    %get3A_298 = arith.constant 0 : index
    %get3A_299 = arith.constant 0 : index
    %get3A_300 = vector.load %arg1[%get3A_297, %get3A_298, %get3A_299] : memref<32x256x192xf32, #tpu.memory_space<vmem>>, vector<1x256x192xf32>
    %get3A_301 = vector.shape_cast %get3A_300 : vector<1x256x192xf32> to vector<256x192xf32>
    %transpose3A_302 = tpu.transpose %get3A_301, [1, 0] : vector<256x192xf32> -> vector<192x256xf32>
    %swap3A_303 = arith.constant 0 : index
    %swap3A_304 = arith.constant 25 : index
    %swap3A_305 = arith.constant 0 : index
    %swap3A_306 = vector.load %arg2[%swap3A_303, %swap3A_304, %swap3A_305] : memref<192x32x256xf32, #tpu.memory_space<vmem>>, vector<192x1x256xf32>
    %swap3A_307 = vector.shape_cast %swap3A_306 : vector<192x1x256xf32> to vector<192x256xf32>
    %swap3A_308 = vector.shape_cast %transpose3A_302 : vector<192x256xf32> to vector<192x1x256xf32>
    tpu.vector_store %arg2[%swap3A_303, %swap3A_304, %swap3A_305], %swap3A_308 {strides = array<i32>} : memref<192x32x256xf32, #tpu.memory_space<vmem>>, vector<192x1x256xf32>,
    %get3A_309 = arith.constant 26 : index
    %get3A_310 = arith.constant 0 : index
    %get3A_311 = arith.constant 0 : index
    %get3A_312 = vector.load %arg1[%get3A_309, %get3A_310, %get3A_311] : memref<32x256x192xf32, #tpu.memory_space<vmem>>, vector<1x256x192xf32>
    %get3A_313 = vector.shape_cast %get3A_312 : vector<1x256x192xf32> to vector<256x192xf32>
    %transpose3A_314 = tpu.transpose %get3A_313, [1, 0] : vector<256x192xf32> -> vector<192x256xf32>
    %swap3A_315 = arith.constant 0 : index
    %swap3A_316 = arith.constant 26 : index
    %swap3A_317 = arith.constant 0 : index
    %swap3A_318 = vector.load %arg2[%swap3A_315, %swap3A_316, %swap3A_317] : memref<192x32x256xf32, #tpu.memory_space<vmem>>, vector<192x1x256xf32>
    %swap3A_319 = vector.shape_cast %swap3A_318 : vector<192x1x256xf32> to vector<192x256xf32>
    %swap3A_320 = vector.shape_cast %transpose3A_314 : vector<192x256xf32> to vector<192x1x256xf32>
    tpu.vector_store %arg2[%swap3A_315, %swap3A_316, %swap3A_317], %swap3A_320 {strides = array<i32>} : memref<192x32x256xf32, #tpu.memory_space<vmem>>, vector<192x1x256xf32>,
    %get3A_321 = arith.constant 27 : index
    %get3A_322 = arith.constant 0 : index
    %get3A_323 = arith.constant 0 : index
    %get3A_324 = vector.load %arg1[%get3A_321, %get3A_322, %get3A_323] : memref<32x256x192xf32, #tpu.memory_space<vmem>>, vector<1x256x192xf32>
    %get3A_325 = vector.shape_cast %get3A_324 : vector<1x256x192xf32> to vector<256x192xf32>
    %transpose3A_326 = tpu.transpose %get3A_325, [1, 0] : vector<256x192xf32> -> vector<192x256xf32>
    %swap3A_327 = arith.constant 0 : index
    %swap3A_328 = arith.constant 27 : index
    %swap3A_329 = arith.constant 0 : index
    %swap3A_330 = vector.load %arg2[%swap3A_327, %swap3A_328, %swap3A_329] : memref<192x32x256xf32, #tpu.memory_space<vmem>>, vector<192x1x256xf32>
    %swap3A_331 = vector.shape_cast %swap3A_330 : vector<192x1x256xf32> to vector<192x256xf32>
    %swap3A_332 = vector.shape_cast %transpose3A_326 : vector<192x256xf32> to vector<192x1x256xf32>
    tpu.vector_store %arg2[%swap3A_327, %swap3A_328, %swap3A_329], %swap3A_332 {strides = array<i32>} : memref<192x32x256xf32, #tpu.memory_space<vmem>>, vector<192x1x256xf32>,
    %get3A_333 = arith.constant 28 : index
    %get3A_334 = arith.constant 0 : index
    %get3A_335 = arith.constant 0 : index
    %get3A_336 = vector.load %arg1[%get3A_333, %get3A_334, %get3A_335] : memref<32x256x192xf32, #tpu.memory_space<vmem>>, vector<1x256x192xf32>
    %get3A_337 = vector.shape_cast %get3A_336 : vector<1x256x192xf32> to vector<256x192xf32>
    %transpose3A_338 = tpu.transpose %get3A_337, [1, 0] : vector<256x192xf32> -> vector<192x256xf32>
    %swap3A_339 = arith.constant 0 : index
    %swap3A_340 = arith.constant 28 : index
    %swap3A_341 = arith.constant 0 : index
    %swap3A_342 = vector.load %arg2[%swap3A_339, %swap3A_340, %swap3A_341] : memref<192x32x256xf32, #tpu.memory_space<vmem>>, vector<192x1x256xf32>
    %swap3A_343 = vector.shape_cast %swap3A_342 : vector<192x1x256xf32> to vector<192x256xf32>
    %swap3A_344 = vector.shape_cast %transpose3A_338 : vector<192x256xf32> to vector<192x1x256xf32>
    tpu.vector_store %arg2[%swap3A_339, %swap3A_340, %swap3A_341], %swap3A_344 {strides = array<i32>} : memref<192x32x256xf32, #tpu.memory_space<vmem>>, vector<192x1x256xf32>,
    %get3A_345 = arith.constant 29 : index
    %get3A_346 = arith.constant 0 : index
    %get3A_347 = arith.constant 0 : index
    %get3A_348 = vector.load %arg1[%get3A_345, %get3A_346, %get3A_347] : memref<32x256x192xf32, #tpu.memory_space<vmem>>, vector<1x256x192xf32>
    %get3A_349 = vector.shape_cast %get3A_348 : vector<1x256x192xf32> to vector<256x192xf32>
    %transpose3A_350 = tpu.transpose %get3A_349, [1, 0] : vector<256x192xf32> -> vector<192x256xf32>
    %swap3A_351 = arith.constant 0 : index
    %swap3A_352 = arith.constant 29 : index
    %swap3A_353 = arith.constant 0 : index
    %swap3A_354 = vector.load %arg2[%swap3A_351, %swap3A_352, %swap3A_353] : memref<192x32x256xf32, #tpu.memory_space<vmem>>, vector<192x1x256xf32>
    %swap3A_355 = vector.shape_cast %swap3A_354 : vector<192x1x256xf32> to vector<192x256xf32>
    %swap3A_356 = vector.shape_cast %transpose3A_350 : vector<192x256xf32> to vector<192x1x256xf32>
    tpu.vector_store %arg2[%swap3A_351, %swap3A_352, %swap3A_353], %swap3A_356 {strides = array<i32>} : memref<192x32x256xf32, #tpu.memory_space<vmem>>, vector<192x1x256xf32>,
    %get3A_357 = arith.constant 30 : index
    %get3A_358 = arith.constant 0 : index
    %get3A_359 = arith.constant 0 : index
    %get3A_360 = vector.load %arg1[%get3A_357, %get3A_358, %get3A_359] : memref<32x256x192xf32, #tpu.memory_space<vmem>>, vector<1x256x192xf32>
    %get3A_361 = vector.shape_cast %get3A_360 : vector<1x256x192xf32> to vector<256x192xf32>
    %transpose3A_362 = tpu.transpose %get3A_361, [1, 0] : vector<256x192xf32> -> vector<192x256xf32>
    %swap3A_363 = arith.constant 0 : index
    %swap3A_364 = arith.constant 30 : index
    %swap3A_365 = arith.constant 0 : index
    %swap3A_366 = vector.load %arg2[%swap3A_363, %swap3A_364, %swap3A_365] : memref<192x32x256xf32, #tpu.memory_space<vmem>>, vector<192x1x256xf32>
    %swap3A_367 = vector.shape_cast %swap3A_366 : vector<192x1x256xf32> to vector<192x256xf32>
    %swap3A_368 = vector.shape_cast %transpose3A_362 : vector<192x256xf32> to vector<192x1x256xf32>
    tpu.vector_store %arg2[%swap3A_363, %swap3A_364, %swap3A_365], %swap3A_368 {strides = array<i32>} : memref<192x32x256xf32, #tpu.memory_space<vmem>>, vector<192x1x256xf32>,
    %get3A_369 = arith.constant 31 : index
    %get3A_370 = arith.constant 0 : index
    %get3A_371 = arith.constant 0 : index
    %get3A_372 = vector.load %arg1[%get3A_369, %get3A_370, %get3A_371] : memref<32x256x192xf32, #tpu.memory_space<vmem>>, vector<1x256x192xf32>
    %get3A_373 = vector.shape_cast %get3A_372 : vector<1x256x192xf32> to vector<256x192xf32>
    %transpose3A_374 = tpu.transpose %get3A_373, [1, 0] : vector<256x192xf32> -> vector<192x256xf32>
    %swap3A_375 = arith.constant 0 : index
    %swap3A_376 = arith.constant 31 : index
    %swap3A_377 = arith.constant 0 : index
    %swap3A_378 = vector.load %arg2[%swap3A_375, %swap3A_376, %swap3A_377] : memref<192x32x256xf32, #tpu.memory_space<vmem>>, vector<192x1x256xf32>
    %swap3A_379 = vector.shape_cast %swap3A_378 : vector<192x1x256xf32> to vector<192x256xf32>
    %swap3A_380 = vector.shape_cast %transpose3A_374 : vector<192x256xf32> to vector<192x1x256xf32>
    tpu.vector_store %arg2[%swap3A_375, %swap3A_376, %swap3A_377], %swap3A_380 {strides = array<i32>} : memref<192x32x256xf32, #tpu.memory_space<vmem>>, vector<192x1x256xf32>,
    return
  }
  func.func @transform_0(%arg0: i32) -> (i32, i32, i32) {
    %c0_i32 = arith.constant 0 : i32
    %c0_i32_0 = arith.constant 0 : i32
    %c0_i32_1 = arith.constant 0 : i32
    return %arg0, %c0_i32, %c0_i32_0 : i32, i32, i32
  }
  func.func @transform_1(%arg0: i32) -> (i32, i32, i32) {
    %c0_i32 = arith.constant 0 : i32
    %c0_i32_0 = arith.constant 0 : i32
    %c0_i32_1 = arith.constant 0 : i32
    return %c0_i32, %arg0, %c0_i32_0 : i32, i32, i32
  }
}

</mosaic_0001>

<sc_bundles>
// kernel: kernel.5.cloned.1.call-start
scs
__scs_entry_jumppad:
0x0: {  	(pc) =	sbr.rel $0x88, $3  }
0x1: {  	(tag) =	ssettag $0x0;
	lr =	simm.s32 $0x1  }
0x2: {  	[smem:$0x3F9F] =	sst lr;
	_ =	strace $0xD0000000  }
0x3: {  	_ = 	snop  }
0x4: {  	_ = 	snop  }
0x5: {  	_ = 	snop  }
0x6: {  	_ = 	snop  }
0x7: {  	_ = 	snop  }
__scs_overlays_trampoline_lowered:
0x8: {  	[smem:$0x3FAE] =	sst s0  }
0x9: {  	[smem:$0x3FAF] =	sst s1  }
0xa: {  	[smem:$0x3FB0] =	sst s2  }
0xb: {  	[smem:$0x3FB1] =	sst s3  }
0xc: {  	[smem:$0x3FB2] =	sst s4  }
0xd: {  	[smem:$0x3FB3] =	sst s5  }
0xe: {  	[smem:$0x3FB4] =	sst s6  }
0xf: {  	[smem:$0x3FB5] =	sst s7  }
0x10: {  	[smem:$0x3FB6] =	sst s8  }
0x11: {  	[smem:$0x3FB7] =	sst s9;
	s0 =	simm.s32 @!p0 $0x0  }
0x12: {  	s1 =	sld [smem:$0x3F9D];
	s0 =	simm.s32 @p0 $0x1  }
0x13: {  	[smem:$0x3FB8] =	sst s0;
	s0 =	simm.s32 @!p1 $0x0  }
0x14: {  	s2 =	sld [smem:$0x3F9C];
	s0 =	simm.s32 @p1 $0x1  }
0x15: {  	[smem:$0x3FB9] =	sst s0;
	s0 =	simm.s32 @!p2 $0x0  }
0x16: {  	s3 =	sld [smem:$0x3FDB];
	s0 =	simm.s32 @p2 $0x1  }
0x17: {  	s4 =	simm.s32 $0x1BF5;
	[smem:$0x3FBB] =	sst s0  }
0x18: {  	s0 =	sld [smem:$0x3F9E];
	_ =	swait.ge [sflag:s4], $0x0  }
0x19: {  	s7 =	sld [smem:$0x3F9F]  }
0x1a: {  	s8 =	sadd.s32 $0xFFFFE003, lr  }
0x1b: {  	s9 =	sadd.s32 $0xFFFFFEF7, lr;
	s5 =	simm.s32 $0xFFFFFFFF;
	p2 =	slt.u32 s8, $0xFFFFF086  }
0x1c: {  	p1 =	slt.u32 s9, $0xF7A;
	s5 =	simm.s32 @!p2 $0x0  }
0x1d: {  	s5 =	simm.s32 @p1 $0x1;
	p0 =	seq.s32 s7, s2  }
0x1e: {  	s7 =	smul.u32 @!p0 $0xF7A, s2;
	p2 =	seq.s32 @!p0 s5, $0x0  }
0x1f: {  	s9 =	smul.u32 $0xF7A, s1;
	s8 =	simm.s32 @!p0 $0x1BF5;
	p2 =	por !p2, p0  }
0x20: {  	[sflag:s8] =	ssyncset.s32 @!p0 $0xFFFFF086;
	s6 =	sadd.s32 @!p0 s3, s7;
	s7 =	simm.s32 @!p0 $0x108  }
0x21: {  	s3 =	sadd.s32 s3, s9;
	s6 =	sadd.s32 @!p0 $0x88, s6;
	s7 =	simm.s32 @p2 $0x1082  }
0x22: {  	[simem:s7], [sflag:s8] =	dma.local @!p0 [hbm:s6], $0xF7A  }
0x23: {  	s9 =	sor.u32 $0xD0000000, s2;
	s6 =	simm.s32 $0x108;
	_ =	swait.ge @!p0 [sflag:s8], $0x0  }
0x24: {  	s3 =	sadd.s32 $0x88, s3;
	s6 =	simm.s32 @!p1 $0x1082;
	[sflag:s4] =	ssyncset.s32 $0xFFFFF086  }
0x25: {  	[simem:s6], [sflag:s4] =	dma.local [hbm:s3], $0xF7A  }
0x26: {  	[smem:$0x3F9F] =	sst s1;
	(tag) =	ssettag s2;
	_ =	strace s9  }
0x27: {  	s1 =	sld [smem:$0x3FAF]  }
0x28: {  	s2 =	sld [smem:$0x3FB0]  }
0x29: {  	s4 =	sld [smem:$0x3FB2]  }
0x2a: {  	p0 =	seq.s32 s5, $0x0;
	s5 =	sld [smem:$0x3FB3]  }
0x2b: {  	s6 =	sld [smem:$0x3FB4]  }
0x2c: {  	s7 =	sld [smem:$0x3FB5]  }
0x2d: {  	s3 =	simm.s32 $0x108;
	s8 =	sld [smem:$0x3FB6]  }
0x2e: {  	s3 =	simm.s32 @!p0 $0x1082;
	s9 =	sld [smem:$0x3FB7]  }
0x2f: {  	lr =	sadd.s32 s0, s3;
	s0 =	sld [smem:$0x3FAE]  }
0x30: {  	s3 =	sld [smem:$0x3FB1]  }
0x31: {  	[smem:$0x3FBA] =	sst s10  }
0x32: {  	s10 =	sld [smem:$0x3FB8];
	_ =	sdelay $0x3  }
0x33: {  	p0 =	seq.s32 s10, $0x1;
	s10 =	sld [smem:$0x3FBA];
	_ =	sdelay $0x3  }
0x34: {  	[smem:$0x3FBA] =	sst s10  }
0x35: {  	s10 =	sld [smem:$0x3FB9];
	_ =	sdelay $0x3  }
0x36: {  	p1 =	seq.s32 s10, $0x1;
	s10 =	sld [smem:$0x3FBA];
	_ =	sdelay $0x3  }
0x37: {  	[smem:$0x3FBA] =	sst s10  }
0x38: {  	s10 =	sld [smem:$0x3FBB]  }
0x39: {  	_ = 	snop;
	(pc) =	sbr.ind lr, $3  }
0x3a: {  	_ = 	snop  }
0x3b: {  	_ = 	snop  }
0x3c: {  	p2 =	seq.s32 s10, $0x1;
	s10 =	sld [smem:$0x3FBA]  }
0x3d: {  	_ =	shalt  }
0x3e: {  	_ =	shalt  }
0x3f: {  	_ =	shalt  }
0x40: {  	_ =	shalt  }
0x41: {  	_ =	shalt  }
0x42: {  	_ =	shalt  }
0x43: {  	_ =	shalt  }
0x44: {  	_ =	shalt  }
0x45: {  	_ =	shalt  }
0x46: {  	_ =	shalt  }
0x47: {  	_ =	shalt  }
0x48: {  	_ =	shalt  }
0x49: {  	_ =	shalt  }
0x4a: {  	_ =	shalt  }
0x4b: {  	_ =	shalt  }
0x4c: {  	_ =	shalt  }
0x4d: {  	_ =	shalt  }
0x4e: {  	_ =	shalt  }
0x4f: {  	_ =	shalt  }
0x50: {  	_ =	shalt  }
0x51: {  	_ =	shalt  }
0x52: {  	_ =	shalt  }
0x53: {  	_ =	shalt  }
0x54: {  	_ =	shalt  }
0x55: {  	_ =	shalt  }
0x56: {  	_ =	shalt  }
0x57: {  	_ =	shalt  }
0x58: {  	_ =	shalt  }
0x59: {  	_ =	shalt  }
0x5a: {  	_ =	shalt  }
0x5b: {  	_ =	shalt  }
0x5c: {  	_ =	shalt  }
0x5d: {  	_ =	shalt  }
0x5e: {  	_ =	shalt  }
0x5f: {  	_ =	shalt  }
0x60: {  	_ =	shalt  }
0x61: {  	_ =	shalt  }
0x62: {  	_ =	shalt  }
0x63: {  	_ =	shalt  }
0x64: {  	_ =	shalt  }
0x65: {  	_ =	shalt  }
0x66: {  	_ =	shalt  }
0x67: {  	_ =	shalt  }
0x68: {  	_ =	shalt  }
0x69: {  	_ =	shalt  }
0x6a: {  	_ =	shalt  }
0x6b: {  	_ =	shalt  }
0x6c: {  	_ =	shalt  }
0x6d: {  	_ =	shalt  }
0x6e: {  	_ =	shalt  }
0x6f: {  	_ =	shalt  }
0x70: {  	_ =	shalt  }
0x71: {  	_ =	shalt  }
0x72: {  	_ =	shalt  }
0x73: {  	_ =	shalt  }
0x74: {  	_ =	shalt  }
0x75: {  	_ =	shalt  }
0x76: {  	_ =	shalt  }
0x77: {  	_ =	shalt  }
0x78: {  	_ =	shalt  }
0x79: {  	_ =	shalt  }
0x7a: {  	_ =	shalt  }
0x7b: {  	_ =	shalt  }
0x7c: {  	_ =	shalt  }
0x7d: {  	_ =	shalt  }
0x7e: {  	_ =	shalt  }
0x7f: {  	_ =	shalt  }
0x80: {  	_ =	shalt  }
0x81: {  	_ =	shalt  }
0x82: {  	_ =	shalt  }
0x83: {  	_ =	shalt  }
0x84: {  	_ =	shalt  }
0x85: {  	_ =	shalt  }
0x86: {  	_ =	shalt  }
0x87: {  	_ =	shalt  }
.Lfunc_end0:
.L_simem_size_0:
called_computation_lowered:
.L_overlay_start_0:
0x88: {  	s2 =	sld [smem:$0x3FD9]  }
0x89: {  	s3 =	sld [smem:$0x3FFE];
	_ =	sdelay $0x1  }
0x8a: {  	s1 =	srdreg.scid  }
0x8b: {  	s0 =	sand.u32 $0x1, s1  }
0x8c: {  	s16 =	sshll.u32 s0, $0xA;
	s2 =	sadd.s32 s3, s2  }
0x8d: {  	s2 =	sadd.s32 s2, s16  }
0x8e: {  	[smem:$0x3FC6] =	sst s2  }
0x8f: {  	_ = 	snop  }
0x90: {  	(tm) =	ssettm $0x1  }
0x91: {  	s17 =	sld [smem:$0x3FFB];
	_ =	sdelay $0x3  }
0x92: {  	_ =	strace s17  }
0x93: {  	s2 =	sld [smem:$0x3FFC];
	_ =	sdelay $0x3  }
0x94: {  	_ =	strace s2  }
0x95: {  	s2 =	sld [smem:$0x3FFD];
	_ =	sdelay $0x3  }
0x96: {  	_ =	strace s2  }
0x97: {  	_ =	strace $0x8FFFFFFF  }
0x98: {  	s18 =	sld [smem:$0x3FDB];
	_ =	sdelay $0x1  }
0x99: {  	s19 =	simm.s32 $_scs_section_size  }
0x9a: {  	s4 =	simm.s32 $_size__tile_overlayer_lowered;
	s5 =	simm.s32 $_tile_overlayer_lowered  }
0x9b: {  	s22 =	simm.s32 $0x1BFF;
	s21 =	sshll.u32 s5, $0x1;
	s2 =	sadd.s32 s19, s18  }
0x9c: {  	s6 =	simm.s32 $0x0;
	s20 =	sshll.u32 s4, $0x1;
	s4 =	sadd.s32 s21, s2  }
0x9d: {  	[timem:s6], [sflag:s22] =	dma.local [hbm:s4], s20  }
0x9e: {  	_ =	swait.ge [sflag:s22], s20  }
0x9f: {  	s3 =	ssub.s32 $0x0, s20;
	[sflag:s22] =	ssyncset.done $0x0  }
0xa0: {  	[sflag:s22] =	ssyncadd.s32 s3;
	_ =	sdelay $0x1  }
0xa1: {  	s23 =	simm.s32 $0x1B8B  }
0xa2: {  	_ =	swait.ge [sflag:s23], $0x1  }
0xa3: {  	[sflag:s23] =	ssyncset.done $0x0  }
0xa4: {  	s25 =	simm.s32 $0x1B8E;
	s24 =	sld [smem:$0x3FFE];
	[sflag:s23] =	ssyncadd.s32 $0xFFFFFFFF  }
0xa5: {  	s26 =	simm.s32 $execute0_lowered;
	[smem:$0x3FD2] =	sst s25  }
0xa6: {  	s4 =	sshll.u32 s26, $0x1;
	_ =	strace $0x80000046;
	[dreg:$0x1] =	wrdreg $0xFFFFFFFF  }
0xa7: {  	s28 =	simm.s32 $_size_execute0_lowered;
	s2 =	sadd.s32 s2, s4;
	[dreg:$0x0] =	wrdreg $0x0  }
0xa8: {  	s4 =	sshll.u32 s28, $0x1;
	[dreg:$0x2] =	wrdreg s2  }
0xa9: {  	[dreg:$0x3] =	wrdreg s4  }
0xaa: {  	[dreg:$0x4] =	wrdreg $0xC0  }
0xab: {  	_ =	task [dreg:s6], $0x5FFFF  }
0xac: {  	[dreg:$0x1] =	wrdreg $0xFFFFFFFF  }
0xad: {  	[dreg:$0x0] =	wrdreg $0x60  }
0xae: {  	[dreg:$0x2] =	wrdreg s24  }
0xaf: {  	[dreg:$0x3] =	wrdreg $0x9  }
0xb0: {  	_ =	task.clear_ibuf [dreg:s6], $0x4FFFF;
	_ =	strace $0x90000046  }
0xb1: {  	s29 =	simm.s32 $0x9;
	_ =	strace $0x80000048  }
0xb2: {  	_ =	swait.ge [sflag:s29], $0x1  }
0xb3: {  	[sflag:s29] =	ssyncadd.s32 $0xFFFFFFFF  }
0xb4: {  	_ =	strace $0x90000048  }
0xb5: {  	_ =	sfence  }
0xb6: {  	s30 =	sld [smem:$0x0];
	_ =	sdelay $0x2  }
0xb7: {  	s31 =	sshll.u32 s1, $0xD;
	s1 =	sshrl.u32 s1, $0x2  }
0xb8: {  	s3 =	sand.u32 $0x4000, s31;
	s1 =	sadd.s32 s1, s30  }
0xb9: {  	s0 =	sor.u32 s3, s0;
	s1 =	sshll.u32 s1, $0x11  }
0xba: {  	s0 =	sor.u32 s1, s0  }
0xbb: {  	s0 =	sadd.s32 $0x8F2B, s0  }
0xbc: {  	[sflag:s0] =	ssyncadd.remote.s32 $0x1  }
0xbd: {  	_ =	sfence.sel $0xFFFF  }
0xbe: {  	[dreg:$0x0] =	wrdreg $0xFFFFFFFF;
	(pc) =	sbr.abs _section_cstart, $3  }
0xbf: {  	[dreg:$0x1] =	wrdreg $0xFFFFFFFF  }
0xc0: {  	_ =	task.clear_ibuf [dreg:s6], $0x2FFFF;
	_ =	strace $0x9FFFFFFF  }
0xc1: {  	(tm) =	ssettm $0x7FFFFFFF  }
tec
execute0_lowered:
.L_overlay_start_1:
0x0: {  	(tag) =	ssettag $0x1  }
0x1: {  	s0 =	rddreg [dreg:$0x0];
	s2 =	simm.s32 $0x0;
	s1 =	srdreg.scid  }
0x2: {  	s3 =	stileid.u32;
	s30 =	simm.s32 $0xC800;
	s31 =	simm.s32 $0xD000  }
0x3: {  	s7 =	simm.s32 $0xF800;
	s8 =	simm.s32 $0x10000;
	s9 =	simm.s32 $0x10800  }
0x4: {  	s10 =	simm.s32 $0x11000;
	s11 =	simm.s32 $0x11800;
	s12 =	simm.s32 $0x1  }
0x5: {  	s13 =	simm.s32 $0x2;
	s16 =	simm.s32 $0x0;
	[smem:$0x7FF] =	sst s2  }
0x6: {  	s1 =	sand.u32 $0x1, s1;
	s3 =	sshll.u32 s3, $0x1;
	_ =	strace $0x80000047  }
0x7: {  	s4 =	sor.u32 s1, s3;
	s3 =	sadd.s32 $0x8400, s0;
	s1 =	ssub.s32 $0x2, s1  }
0x8: {  	s5 =	sshll.u32 s4, $0xA;
	s4 =	sshll.u32 s4, $0x10;
	s6 =	sshrl.u32 s1, $0x1  }
0x9: {  	s5 =	sadd.s32 s5, s0;
	s0 =	sadd.s32 s4, s0;
	s1 =	ssub.s32 s1, s6  }
0xa: {  	v2 =	vlaneseq.u32;
	s4 =	simm.s32 $0xE800;
	s6 =	simm.s32 $0xF000;
	s28 =	sadd.s32 $0x400, s5  }
0xb: {  	vm0 =	vmmov $0xffff;
	v1 =	vshrl.u32 v2, $0x3;
	s5 =	sadd.s32 $0x808400, s0;
	s29 =	smax.u32 s1, $0x1;
	[dreg:$0x2] =	wrdreg s28  }
0xc: {  	v0 =	vand.u32 $0x7, v2;
	v2 =	vor.u32 $0x8, v2;
	v1 =	vmul.u32 $0x8, v1;
	s0 =	simm.s32 $0xD800;
	s1 =	simm.s32 $0xE000;
	[dreg:$0x3] =	wrdreg s29  }
.LBB2_1:
0xd: {  	[dreg:$0x4] =	wrdreg s16  }
0xe: {  	s14 =	rddreg [dreg:$0x2];
	s21 =	simm.s32 $0x5  }
0xf: {  	[tilespmem:s2], [sflag:$0x5] =	stream.linear.gather [hbm4b:s14+s2], $0x2000, $0x38;
	[tilespmem:$0x16000] =	vst v63  }
0x10: {  	_ =	swait.ge [sflag:s21], $0x2000  }
0x11: {  	[sflag:s21] =	ssyncset.done $0x0  }
0x12: {  	[sflag:s21] =	ssyncadd.s32 $0xFFFFE000  }
0x13: {  	v3 =	vld [tilespmem:$0x0];
	_ =	sdelay $0x4  }
0x14: {  	v4 =	vshll.u32 v3, $0x1  }
0x15: {  	v3 =	vand.u32 $0x7, v3;
	v4 =	vand.u32 $0xFFFFFFF0, v4  }
0x16: {  	v3 =	vor.u32 v3, v4  }
0x17: {  	v4 =	vperm.xlane v3, v0;
	_ =	sdelay $0x1  }
0x18: {  	v3 =	vperm.xlane v3, v2;
	v4 =	vadd.s32 v1, v4;
	_ =	sdelay $0x1  }
0x19: {  	v3 =	vadd.s32 v1, v3;
	_ =	sdelay $0x1  }
0x1a: {  	s22 =	simm.s32 $0x2000  }
0x1b: {  	[tilespmem:s22], [sflag:$0x1] =	stream.indirect_vreg.gather [hbm4b:s3+s2], $0x80, v4, vm0, $0xb8;
	[tilespmem:$0x16000] =	vst v63  }
0x1c: {  	s23 =	simm.s32 $0x2800  }
0x1d: {  	[tilespmem:s23], [sflag:$0x1] =	stream.indirect_vreg.gather [hbm4b:s3+s2], $0x80, v3, vm0, $0xb8;
	[tilespmem:$0x16000] =	vst v63  }
0x1e: {  	v3 =	vld [tilespmem:$0x10];
	_ =	sdelay $0x4  }
0x1f: {  	v49 =	vshll.u32 v3, $0x1  }
0x20: {  	v3 =	vand.u32 $0x7, v3;
	v4 =	vand.u32 $0xFFFFFFF0, v49  }
0x21: {  	v3 =	vor.u32 v3, v4  }
0x22: {  	v4 =	vperm.xlane v3, v0;
	_ =	sdelay $0x1  }
0x23: {  	v3 =	vperm.xlane v3, v2;
	v4 =	vadd.s32 v1, v4;
	_ =	sdelay $0x1  }
0x24: {  	v3 =	vadd.s32 v1, v3;
	_ =	sdelay $0x1  }
0x25: {  	s24 =	simm.s32 $0x3000  }
0x26: {  	[tilespmem:s24], [sflag:$0x1] =	stream.indirect_vreg.gather [hbm4b:s3+s2], $0x80, v4, vm0, $0xb8;
	[tilespmem:$0x16000] =	vst v63  }
0x27: {  	s25 =	simm.s32 $0x3800  }
0x28: {  	[tilespmem:s25], [sflag:$0x1] =	stream.indirect_vreg.gather [hbm4b:s3+s2], $0x80, v3, vm0, $0xb8;
	[tilespmem:$0x16000] =	vst v63  }
0x29: {  	v3 =	vld [tilespmem:$0x20];
	_ =	sdelay $0x4  }
0x2a: {  	v50 =	vshll.u32 v3, $0x1  }
0x2b: {  	v3 =	vand.u32 $0x7, v3;
	v4 =	vand.u32 $0xFFFFFFF0, v50  }
0x2c: {  	v3 =	vor.u32 v3, v4  }
0x2d: {  	v4 =	vperm.xlane v3, v0;
	_ =	sdelay $0x1  }
0x2e: {  	v3 =	vperm.xlane v3, v2;
	v4 =	vadd.s32 v1, v4;
	_ =	sdelay $0x1  }
0x2f: {  	v3 =	vadd.s32 v1, v3;
	_ =	sdelay $0x1  }
0x30: {  	s26 =	simm.s32 $0x4000  }
0x31: {  	[tilespmem:s26], [sflag:$0x1] =	stream.indirect_vreg.gather [hbm4b:s3+s2], $0x80, v4, vm0, $0xb8;
	[tilespmem:$0x16000] =	vst v63  }
0x32: {  	s28 =	simm.s32 $0x4800  }
0x33: {  	[tilespmem:s28], [sflag:$0x1] =	stream.indirect_vreg.gather [hbm4b:s3+s2], $0x80, v3, vm0, $0xb8;
	[tilespmem:$0x16000] =	vst v63  }
0x34: {  	v3 =	vld [tilespmem:$0x30];
	_ =	sdelay $0x4  }
0x35: {  	v51 =	vshll.u32 v3, $0x1  }
0x36: {  	v3 =	vand.u32 $0x7, v3;
	v4 =	vand.u32 $0xFFFFFFF0, v51  }
0x37: {  	v3 =	vor.u32 v3, v4  }
0x38: {  	v4 =	vperm.xlane v3, v0;
	_ =	sdelay $0x1  }
0x39: {  	v3 =	vperm.xlane v3, v2;
	v4 =	vadd.s32 v1, v4;
	_ =	sdelay $0x1  }
0x3a: {  	v3 =	vadd.s32 v1, v3;
	_ =	sdelay $0x1  }
0x3b: {  	s29 =	simm.s32 $0x5000  }
0x3c: {  	[tilespmem:s29], [sflag:$0x1] =	stream.indirect_vreg.gather [hbm4b:s3+s2], $0x80, v4, vm0, $0xb8;
	[tilespmem:$0x16000] =	vst v63  }
0x3d: {  	s15 =	simm.s32 $0x5800  }
0x3e: {  	[tilespmem:s15], [sflag:$0x1] =	stream.indirect_vreg.gather [hbm4b:s3+s2], $0x80, v3, vm0, $0xb8;
	[tilespmem:$0x16000] =	vst v63  }
0x3f: {  	v3 =	vld [tilespmem:$0x40];
	_ =	sdelay $0x4  }
0x40: {  	v52 =	vshll.u32 v3, $0x1  }
0x41: {  	v3 =	vand.u32 $0x7, v3;
	v4 =	vand.u32 $0xFFFFFFF0, v52  }
0x42: {  	v3 =	vor.u32 v3, v4  }
0x43: {  	v4 =	vperm.xlane v3, v0;
	_ =	sdelay $0x1  }
0x44: {  	v3 =	vperm.xlane v3, v2;
	v4 =	vadd.s32 v1, v4;
	_ =	sdelay $0x1  }
0x45: {  	v3 =	vadd.s32 v1, v3;
	_ =	sdelay $0x1  }
0x46: {  	s16 =	simm.s32 $0x6000  }
0x47: {  	[tilespmem:s16], [sflag:$0x1] =	stream.indirect_vreg.gather [hbm4b:s3+s2], $0x80, v4, vm0, $0xb8;
	[tilespmem:$0x16000] =	vst v63  }
0x48: {  	s17 =	simm.s32 $0x6800  }
0x49: {  	[tilespmem:s17], [sflag:$0x1] =	stream.indirect_vreg.gather [hbm4b:s3+s2], $0x80, v3, vm0, $0xb8;
	[tilespmem:$0x16000] =	vst v63  }
0x4a: {  	v3 =	vld [tilespmem:$0x50];
	_ =	sdelay $0x4  }
0x4b: {  	v53 =	vshll.u32 v3, $0x1  }
0x4c: {  	v3 =	vand.u32 $0x7, v3;
	v4 =	vand.u32 $0xFFFFFFF0, v53  }
0x4d: {  	v3 =	vor.u32 v3, v4  }
0x4e: {  	v4 =	vperm.xlane v3, v0;
	_ =	sdelay $0x1  }
0x4f: {  	v3 =	vperm.xlane v3, v2;
	v4 =	vadd.s32 v1, v4;
	_ =	sdelay $0x1  }
0x50: {  	v3 =	vadd.s32 v1, v3;
	_ =	sdelay $0x1  }
0x51: {  	s18 =	simm.s32 $0x7000  }
0x52: {  	[tilespmem:s18], [sflag:$0x1] =	stream.indirect_vreg.gather [hbm4b:s3+s2], $0x80, v4, vm0, $0xb8;
	[tilespmem:$0x16000] =	vst v63  }
0x53: {  	s19 =	simm.s32 $0x7800  }
0x54: {  	[tilespmem:s19], [sflag:$0x1] =	stream.indirect_vreg.gather [hbm4b:s3+s2], $0x80, v3, vm0, $0xb8;
	[tilespmem:$0x16000] =	vst v63  }
0x55: {  	v3 =	vld [tilespmem:$0x60];
	_ =	sdelay $0x4  }
0x56: {  	v54 =	vshll.u32 v3, $0x1  }
0x57: {  	v3 =	vand.u32 $0x7, v3;
	v4 =	vand.u32 $0xFFFFFFF0, v54  }
0x58: {  	v3 =	vor.u32 v3, v4  }
0x59: {  	v4 =	vperm.xlane v3, v0;
	_ =	sdelay $0x1  }
0x5a: {  	v3 =	vperm.xlane v3, v2;
	v4 =	vadd.s32 v1, v4;
	_ =	sdelay $0x1  }
0x5b: {  	v3 =	vadd.s32 v1, v3;
	_ =	sdelay $0x1  }
0x5c: {  	s20 =	simm.s32 $0x8000  }
0x5d: {  	[tilespmem:s20], [sflag:$0x1] =	stream.indirect_vreg.gather [hbm4b:s3+s2], $0x80, v4, vm0, $0xb8;
	[tilespmem:$0x16000] =	vst v63  }
0x5e: {  	s21 =	simm.s32 $0x8800  }
0x5f: {  	[tilespmem:s21], [sflag:$0x1] =	stream.indirect_vreg.gather [hbm4b:s3+s2], $0x80, v3, vm0, $0xb8;
	[tilespmem:$0x16000] =	vst v63  }
0x60: {  	v3 =	vld [tilespmem:$0x70];
	_ =	sdelay $0x4  }
0x61: {  	v55 =	vshll.u32 v3, $0x1  }
0x62: {  	v3 =	vand.u32 $0x7, v3;
	v4 =	vand.u32 $0xFFFFFFF0, v55  }
0x63: {  	v3 =	vor.u32 v3, v4  }
0x64: {  	v4 =	vperm.xlane v3, v0;
	_ =	sdelay $0x1  }
0x65: {  	v3 =	vperm.xlane v3, v2;
	v4 =	vadd.s32 v1, v4;
	_ =	sdelay $0x1  }
0x66: {  	v3 =	vadd.s32 v1, v3;
	_ =	sdelay $0x1  }
0x67: {  	s22 =	simm.s32 $0x9000  }
0x68: {  	[tilespmem:s22], [sflag:$0x1] =	stream.indirect_vreg.gather [hbm4b:s3+s2], $0x80, v4, vm0, $0xb8;
	[tilespmem:$0x16000] =	vst v63  }
0x69: {  	s23 =	simm.s32 $0x9800  }
0x6a: {  	[tilespmem:s23], [sflag:$0x1] =	stream.indirect_vreg.gather [hbm4b:s3+s2], $0x80, v3, vm0, $0xb8;
	[tilespmem:$0x16000] =	vst v63  }
0x6b: {  	v3 =	vld [tilespmem:$0x80];
	_ =	sdelay $0x4  }
0x6c: {  	v56 =	vshll.u32 v3, $0x1  }
0x6d: {  	v3 =	vand.u32 $0x7, v3;
	v4 =	vand.u32 $0xFFFFFFF0, v56  }
0x6e: {  	v3 =	vor.u32 v3, v4  }
0x6f: {  	v4 =	vperm.xlane v3, v0;
	_ =	sdelay $0x1  }
0x70: {  	v3 =	vperm.xlane v3, v2;
	v4 =	vadd.s32 v1, v4;
	_ =	sdelay $0x1  }
0x71: {  	v3 =	vadd.s32 v1, v3;
	_ =	sdelay $0x1  }
0x72: {  	s24 =	simm.s32 $0xA000  }
0x73: {  	[tilespmem:s24], [sflag:$0x2] =	stream.indirect_vreg.gather [hbm4b:s3+s2], $0x80, v4, vm0, $0xb8;
	[tilespmem:$0x16000] =	vst v63  }
0x74: {  	s25 =	simm.s32 $0xA800  }
0x75: {  	[tilespmem:s25], [sflag:$0x2] =	stream.indirect_vreg.gather [hbm4b:s3+s2], $0x80, v3, vm0, $0xb8;
	[tilespmem:$0x16000] =	vst v63  }
0x76: {  	v3 =	vld [tilespmem:$0x90];
	_ =	sdelay $0x4  }
0x77: {  	v57 =	vshll.u32 v3, $0x1  }
0x78: {  	v3 =	vand.u32 $0x7, v3;
	v4 =	vand.u32 $0xFFFFFFF0, v57  }
0x79: {  	v3 =	vor.u32 v3, v4  }
0x7a: {  	v4 =	vperm.xlane v3, v0;
	_ =	sdelay $0x1  }
0x7b: {  	v3 =	vperm.xlane v3, v2;
	v4 =	vadd.s32 v1, v4;
	_ =	sdelay $0x1  }
0x7c: {  	v3 =	vadd.s32 v1, v3;
	_ =	sdelay $0x1  }
0x7d: {  	s26 =	simm.s32 $0xB000  }
0x7e: {  	[tilespmem:s26], [sflag:$0x2] =	stream.indirect_vreg.gather [hbm4b:s3+s2], $0x80, v4, vm0, $0xb8;
	[tilespmem:$0x16000] =	vst v63  }
0x7f: {  	s28 =	simm.s32 $0xB800  }
0x80: {  	[tilespmem:s28], [sflag:$0x2] =	stream.indirect_vreg.gather [hbm4b:s3+s2], $0x80, v3, vm0, $0xb8;
	[tilespmem:$0x16000] =	vst v63  }
0x81: {  	v3 =	vld [tilespmem:$0xA0];
	_ =	sdelay $0x4  }
0x82: {  	v58 =	vshll.u32 v3, $0x1  }
0x83: {  	v3 =	vand.u32 $0x7, v3;
	v4 =	vand.u32 $0xFFFFFFF0, v58  }
0x84: {  	v3 =	vor.u32 v3, v4  }
0x85: {  	v4 =	vperm.xlane v3, v0;
	_ =	sdelay $0x1  }
0x86: {  	v3 =	vperm.xlane v3, v2;
	v4 =	vadd.s32 v1, v4;
	_ =	sdelay $0x1  }
0x87: {  	v3 =	vadd.s32 v1, v3;
	_ =	sdelay $0x1  }
0x88: {  	s29 =	simm.s32 $0xC000  }
0x89: {  	[tilespmem:s29], [sflag:$0x2] =	stream.indirect_vreg.gather [hbm4b:s3+s2], $0x80, v4, vm0, $0xb8;
	[tilespmem:$0x16000] =	vst v63  }
0x8a: {  	_ = 	snop  }
0x8b: {  	[tilespmem:s30], [sflag:$0x2] =	stream.indirect_vreg.gather [hbm4b:s3+s2], $0x80, v3, vm0, $0xb8;
	[tilespmem:$0x16000] =	vst v63  }
0x8c: {  	v3 =	vld [tilespmem:$0xB0];
	_ =	sdelay $0x4  }
0x8d: {  	v59 =	vshll.u32 v3, $0x1  }
0x8e: {  	v3 =	vand.u32 $0x7, v3;
	v4 =	vand.u32 $0xFFFFFFF0, v59  }
0x8f: {  	v3 =	vor.u32 v3, v4  }
0x90: {  	v4 =	vperm.xlane v3, v0;
	_ =	sdelay $0x1  }
0x91: {  	v3 =	vperm.xlane v3, v2;
	v4 =	vadd.s32 v1, v4;
	_ =	sdelay $0x1  }
0x92: {  	v3 =	vadd.s32 v1, v3;
	_ =	sdelay $0x2  }
0x93: {  	[tilespmem:s31], [sflag:$0x2] =	stream.indirect_vreg.gather [hbm4b:s3+s2], $0x80, v4, vm0, $0xb8;
	[tilespmem:$0x16000] =	vst v63  }
0x94: {  	_ = 	snop  }
0x95: {  	[tilespmem:s0], [sflag:$0x2] =	stream.indirect_vreg.gather [hbm4b:s3+s2], $0x80, v3, vm0, $0xb8;
	[tilespmem:$0x16000] =	vst v63  }
0x96: {  	v3 =	vld [tilespmem:$0xC0];
	_ =	sdelay $0x4  }
0x97: {  	v60 =	vshll.u32 v3, $0x1  }
0x98: {  	v3 =	vand.u32 $0x7, v3;
	v4 =	vand.u32 $0xFFFFFFF0, v60  }
0x99: {  	v3 =	vor.u32 v3, v4  }
0x9a: {  	v4 =	vperm.xlane v3, v0;
	_ =	sdelay $0x1  }
0x9b: {  	v3 =	vperm.xlane v3, v2;
	v4 =	vadd.s32 v1, v4;
	_ =	sdelay $0x1  }
0x9c: {  	v3 =	vadd.s32 v1, v3;
	_ =	sdelay $0x2  }
0x9d: {  	[tilespmem:s1], [sflag:$0x2] =	stream.indirect_vreg.gather [hbm4b:s3+s2], $0x80, v4, vm0, $0xb8;
	[tilespmem:$0x16000] =	vst v63  }
0x9e: {  	_ = 	snop  }
0x9f: {  	[tilespmem:s4], [sflag:$0x2] =	stream.indirect_vreg.gather [hbm4b:s3+s2], $0x80, v3, vm0, $0xb8;
	[tilespmem:$0x16000] =	vst v63  }
0xa0: {  	v3 =	vld [tilespmem:$0xD0];
	_ =	sdelay $0x4  }
0xa1: {  	v61 =	vshll.u32 v3, $0x1  }
0xa2: {  	v3 =	vand.u32 $0x7, v3;
	v4 =	vand.u32 $0xFFFFFFF0, v61  }
0xa3: {  	v3 =	vor.u32 v3, v4  }
0xa4: {  	v4 =	vperm.xlane v3, v0;
	_ =	sdelay $0x1  }
0xa5: {  	v3 =	vperm.xlane v3, v2;
	v4 =	vadd.s32 v1, v4;
	_ =	sdelay $0x1  }
0xa6: {  	v3 =	vadd.s32 v1, v3;
	_ =	sdelay $0x2  }
0xa7: {  	[tilespmem:s6], [sflag:$0x2] =	stream.indirect_vreg.gather [hbm4b:s3+s2], $0x80, v4, vm0, $0xb8;
	[tilespmem:$0x16000] =	vst v63  }
0xa8: {  	_ = 	snop  }
0xa9: {  	[tilespmem:s7], [sflag:$0x2] =	stream.indirect_vreg.gather [hbm4b:s3+s2], $0x80, v3, vm0, $0xb8;
	[tilespmem:$0x16000] =	vst v63  }
0xaa: {  	v3 =	vld [tilespmem:$0xE0];
	_ =	sdelay $0x4  }
0xab: {  	v62 =	vshll.u32 v3, $0x1  }
0xac: {  	v3 =	vand.u32 $0x7, v3;
	v4 =	vand.u32 $0xFFFFFFF0, v62  }
0xad: {  	v3 =	vor.u32 v3, v4  }
0xae: {  	v4 =	vperm.xlane v3, v0;
	_ =	sdelay $0x1  }
0xaf: {  	v3 =	vperm.xlane v3, v2;
	v4 =	vadd.s32 v1, v4;
	_ =	sdelay $0x1  }
0xb0: {  	v3 =	vadd.s32 v1, v3;
	_ =	sdelay $0x2  }
0xb1: {  	[tilespmem:s8], [sflag:$0x2] =	stream.indirect_vreg.gather [hbm4b:s3+s2], $0x80, v4, vm0, $0xb8;
	[tilespmem:$0x16000] =	vst v63  }
0xb2: {  	_ = 	snop  }
0xb3: {  	[tilespmem:s9], [sflag:$0x2] =	stream.indirect_vreg.gather [hbm4b:s3+s2], $0x80, v3, vm0, $0xb8;
	[tilespmem:$0x16000] =	vst v63  }
0xb4: {  	v3 =	vld [tilespmem:$0xF0];
	_ =	sdelay $0x4  }
0xb5: {  	v63 =	vshll.u32 v3, $0x1  }
0xb6: {  	v3 =	vand.u32 $0x7, v3;
	v4 =	vand.u32 $0xFFFFFFF0, v63  }
0xb7: {  	v3 =	vor.u32 v3, v4  }
0xb8: {  	v4 =	vperm.xlane v3, v0;
	_ =	sdelay $0x1  }
0xb9: {  	v3 =	vperm.xlane v3, v2;
	v4 =	vadd.s32 v1, v4;
	_ =	sdelay $0x1  }
0xba: {  	v3 =	vadd.s32 v1, v3;
	_ =	sdelay $0x2  }
0xbb: {  	[tilespmem:s10], [sflag:$0x2] =	stream.indirect_vreg.gather [hbm4b:s3+s2], $0x80, v4, vm0, $0xb8;
	[tilespmem:$0x16000] =	vst v63  }
0xbc: {  	s14 =	simm.s32 $0x0  }
0xbd: {  	[tilespmem:s11], [sflag:$0x2] =	stream.indirect_vreg.gather [hbm4b:s3+s2], $0x80, v3, vm0, $0xb8;
	[tilespmem:$0x16000] =	vst v63  }
.LBB2_2:
0xbe: {  	_ =	swait.ge [sflag:s12], $0x8000  }
0xbf: {  	p0 =	seq.s32 s14, $0x0;
	[sflag:s12] =	ssyncset.done $0x0  }
0xc0: {  	s15 =	simm.s32 @!p0 $0x3;
	[sflag:s12] =	ssyncadd.s32 $0xFFFF8000  }
0xc1: {  	s17 =	simm.s32 $0x0;
	_ =	swait.ge @!p0 [sflag:s15], $0x2000  }
0xc2: {  	s16 =	sand.u32 $0x7800, s17;
	s18 =	sand.u32 $0x200, s17;
	[sflag:s15] =	ssyncset.done @!p0 $0x0  }
0xc3: {  	s24 =	sor.u32 s18, s16;
	[sflag:s15] =	ssyncadd.s32 @!p0 $0xFFFFE000  }
0xc4: {  	v3 =	vld [tilespmem:s24+$0x2180]  }
0xc5: {  	v4 =	vld [tilespmem:s24+$0x2000]  }
0xc6: {  	v5 =	vld [tilespmem:s24+$0x2100]  }
0xc7: {  	v6 =	vld [tilespmem:s24+$0x2080];
	_ =	sdelay $0x4  }
0xc8: {  	s25 =	sand.u32 $0x1800, s17;
	s26 =	sand.u32 $0x380, s17;
	v3 =	vmax.f32 v5, v3;
	v4 =	vmax.f32 v4, v6  }
0xc9: {  	s16 =	sor.u32 s26, s25;
	v3 =	vmax.f32 v4, v3  }
0xca: {  	[tilespmem:s16+$0x12000] =	vst v3  }
0xcb: {  	v3 =	vld [tilespmem:s24+$0x2190]  }
0xcc: {  	v4 =	vld [tilespmem:s24+$0x2090]  }
0xcd: {  	v5 =	vld [tilespmem:s24+$0x2010]  }
0xce: {  	v6 =	vld [tilespmem:s24+$0x2110];
	_ =	sdelay $0x4  }
0xcf: {  	v4 =	vmax.f32 v5, v4;
	v3 =	vmax.f32 v6, v3  }
0xd0: {  	v3 =	vmax.f32 v4, v3  }
0xd1: {  	[tilespmem:s16+$0x12010] =	vst v3  }
0xd2: {  	v3 =	vld [tilespmem:s24+$0x2120]  }
0xd3: {  	v4 =	vld [tilespmem:s24+$0x20A0]  }
0xd4: {  	v5 =	vld [tilespmem:s24+$0x2020]  }
0xd5: {  	v6 =	vld [tilespmem:s24+$0x21A0];
	_ =	sdelay $0x4  }
0xd6: {  	v4 =	vmax.f32 v5, v4;
	v3 =	vmax.f32 v3, v6  }
0xd7: {  	v3 =	vmax.f32 v4, v3  }
0xd8: {  	[tilespmem:s16+$0x12020] =	vst v3  }
0xd9: {  	v3 =	vld [tilespmem:s24+$0x2130]  }
0xda: {  	v4 =	vld [tilespmem:s24+$0x20B0]  }
0xdb: {  	v5 =	vld [tilespmem:s24+$0x2030]  }
0xdc: {  	v6 =	vld [tilespmem:s24+$0x21B0];
	_ =	sdelay $0x4  }
0xdd: {  	v4 =	vmax.f32 v5, v4;
	v3 =	vmax.f32 v3, v6  }
0xde: {  	v3 =	vmax.f32 v4, v3  }
0xdf: {  	[tilespmem:s16+$0x12030] =	vst v3  }
0xe0: {  	v3 =	vld [tilespmem:s24+$0x20C0]  }
0xe1: {  	v4 =	vld [tilespmem:s24+$0x21C0]  }
0xe2: {  	v5 =	vld [tilespmem:s24+$0x2140]  }
0xe3: {  	v6 =	vld [tilespmem:s24+$0x2040];
	_ =	sdelay $0x4  }
0xe4: {  	v4 =	vmax.f32 v5, v4;
	v3 =	vmax.f32 v6, v3  }
0xe5: {  	v3 =	vmax.f32 v3, v4  }
0xe6: {  	[tilespmem:s16+$0x12040] =	vst v3  }
0xe7: {  	v3 =	vld [tilespmem:s24+$0x21D0]  }
0xe8: {  	v4 =	vld [tilespmem:s24+$0x20D0]  }
0xe9: {  	v5 =	vld [tilespmem:s24+$0x2050]  }
0xea: {  	v6 =	vld [tilespmem:s24+$0x2150];
	_ =	sdelay $0x4  }
0xeb: {  	v4 =	vmax.f32 v5, v4;
	v3 =	vmax.f32 v6, v3  }
0xec: {  	v3 =	vmax.f32 v4, v3  }
0xed: {  	[tilespmem:s16+$0x12050] =	vst v3  }
0xee: {  	v3 =	vld [tilespmem:s24+$0x2160]  }
0xef: {  	v4 =	vld [tilespmem:s24+$0x20E0]  }
0xf0: {  	v5 =	vld [tilespmem:s24+$0x2060]  }
0xf1: {  	v6 =	vld [tilespmem:s24+$0x21E0];
	_ =	sdelay $0x4  }
0xf2: {  	v4 =	vmax.f32 v5, v4;
	v3 =	vmax.f32 v3, v6  }
0xf3: {  	v3 =	vmax.f32 v4, v3  }
0xf4: {  	[tilespmem:s16+$0x12060] =	vst v3  }
0xf5: {  	v3 =	vld [tilespmem:s24+$0x2070]  }
0xf6: {  	v4 =	vld [tilespmem:s24+$0x2170]  }
0xf7: {  	v5 =	vld [tilespmem:s24+$0x20F0]  }
0xf8: {  	v6 =	vld [tilespmem:s24+$0x21F0];
	_ =	sdelay $0x2  }
0xf9: {  	p1 =	por $0x0, $0x0;
	s15 =	simm.s32 $0x1  }
0xfa: {  	s15 =	simm.s32 @!p1 $0x0  }
0xfb: {  	s15 =	sshll.u32 s15, $0x9;
	v3 =	vmax.f32 v3, v5;
	v4 =	vmax.f32 v4, v6  }
0xfc: {  	s23 =	sadd.s32 $0x0, s15;
	v3 =	vmax.f32 v3, v4  }
0xfd: {  	s15 =	sor.u32 $0x400, s23;
	s22 =	sadd.s32 $0x80, s23;
	[tilespmem:s16+$0x12070] =	vst v3  }
0xfe: {  	s28 =	sor.u32 $0x400, s22;
	s24 =	sadd.s32 $0x100, s23;
	v5 =	vld [tilespmem:s15+$0x2000]  }
0xff: {  	s25 =	sadd.s32 $0x180, s23;
	s29 =	sor.u32 $0x400, s24;
	v6 =	vld [tilespmem:s28+$0x2000]  }
0x100: {  	s19 =	sor.u32 $0x400, s25;
	v3 =	vld [tilespmem:s29+$0x2000]  }
0x101: {  	v4 =	vld [tilespmem:s19+$0x2000];
	_ =	sdelay $0x1  }
0x102: {  	s20 =	simm.s32 $0x0  }
0x103: {  	s18 =	simm.s32 $0x400;
	s15 =	sshll.u32 s14, $0x1;
	s19 =	simm.s32 $0x200;
	v5 =	vmax.f32 v5, v6  }
.LBB2_3:
0x104: {  	s17 =	sadd.s32 $0x80, s17;
	s20 =	sadd.s32 $0x100, s20;
	p1 =	por !p1, !p1  }
0x105: {  	p2 =	sne.s32 s18, $0x7C00;
	s21 =	smov.u32 s18;
	s18 =	sadd.s32 $0x400, s18;
	v3 =	vmax.f32 v3, v4  }
0x106: {  	v3 =	vmax.f32 v5, v3  }
0x107: {  	s26 =	sor.u32 $0x410, s25;
	[tilespmem:s16+$0x12400] =	vst v3  }
0x108: {  	s28 =	sor.u32 $0x410, s23;
	v3 =	vld [tilespmem:s26+$0x2000]  }
0x109: {  	s26 =	sor.u32 $0x410, s24;
	v4 =	vld [tilespmem:s28+$0x2000]  }
0x10a: {  	s28 =	sor.u32 $0x410, s22;
	v5 =	vld [tilespmem:s26+$0x2000]  }
0x10b: {  	v6 =	vld [tilespmem:s28+$0x2000];
	_ =	sdelay $0x3  }
0x10c: {  	v3 =	vmax.f32 v5, v3  }
0x10d: {  	v4 =	vmax.f32 v4, v6  }
0x10e: {  	v3 =	vmax.f32 v4, v3  }
0x10f: {  	s26 =	sor.u32 $0x420, s23;
	[tilespmem:s16+$0x12410] =	vst v3  }
0x110: {  	v3 =	vld [tilespmem:s26+$0x2000];
	s26 =	sor.u32 $0x420, s22  }
0x111: {  	v4 =	vld [tilespmem:s26+$0x2000];
	s26 =	sor.u32 $0x420, s24  }
0x112: {  	v5 =	vld [tilespmem:s26+$0x2000];
	s26 =	sor.u32 $0x420, s25  }
0x113: {  	v6 =	vld [tilespmem:s26+$0x2000];
	_ =	sdelay $0x2  }
0x114: {  	v3 =	vmax.f32 v3, v4;
	_ =	sdelay $0x1  }
0x115: {  	v4 =	vmax.f32 v5, v6  }
0x116: {  	v3 =	vmax.f32 v3, v4  }
0x117: {  	s23 =	sor.u32 $0x430, s23;
	[tilespmem:s16+$0x12420] =	vst v3  }
0x118: {  	v3 =	vld [tilespmem:s23+$0x2000];
	s23 =	sor.u32 $0x430, s25  }
0x119: {  	s22 =	sor.u32 $0x430, s22;
	s24 =	sor.u32 $0x430, s24;
	v4 =	vld [tilespmem:s23+$0x2000]  }
0x11a: {  	v5 =	vld [tilespmem:s22+$0x2000]  }
0x11b: {  	v6 =	vld [tilespmem:s24+$0x2000];
	_ =	sdelay $0x3  }
0x11c: {  	v3 =	vmax.f32 v3, v5  }
0x11d: {  	v4 =	vmax.f32 v6, v4  }
0x11e: {  	s23 =	sand.u32 $0x200, s19;
	s22 =	sand.u32 $0x7800, s21;
	v3 =	vmax.f32 v3, v4  }
0x11f: {  	s22 =	sor.u32 s23, s22;
	[tilespmem:s16+$0x12430] =	vst v3  }
0x120: {  	v3 =	vld [tilespmem:s22+$0x2180]  }
0x121: {  	v4 =	vld [tilespmem:s22+$0x2000]  }
0x122: {  	v5 =	vld [tilespmem:s22+$0x2100]  }
0x123: {  	v6 =	vld [tilespmem:s22+$0x2080];
	_ =	sdelay $0x3  }
0x124: {  	v3 =	vmax.f32 v5, v3  }
0x125: {  	s23 =	sand.u32 $0x380, s17;
	s16 =	sand.u32 $0x1800, s20;
	v4 =	vmax.f32 v4, v6  }
0x126: {  	s16 =	sor.u32 s23, s16;
	v3 =	vmax.f32 v4, v3  }
0x127: {  	[tilespmem:s16+$0x12000] =	vst v3  }
0x128: {  	v3 =	vld [tilespmem:s22+$0x2190]  }
0x129: {  	v4 =	vld [tilespmem:s22+$0x2090]  }
0x12a: {  	v5 =	vld [tilespmem:s22+$0x2010]  }
0x12b: {  	v6 =	vld [tilespmem:s22+$0x2110];
	_ =	sdelay $0x3  }
0x12c: {  	v4 =	vmax.f32 v5, v4  }
0x12d: {  	v3 =	vmax.f32 v6, v3  }
0x12e: {  	v3 =	vmax.f32 v4, v3  }
0x12f: {  	[tilespmem:s16+$0x12010] =	vst v3  }
0x130: {  	v3 =	vld [tilespmem:s22+$0x2120]  }
0x131: {  	v4 =	vld [tilespmem:s22+$0x20A0]  }
0x132: {  	v5 =	vld [tilespmem:s22+$0x2020]  }
0x133: {  	v6 =	vld [tilespmem:s22+$0x21A0];
	_ =	sdelay $0x3  }
0x134: {  	v4 =	vmax.f32 v5, v4  }
0x135: {  	v3 =	vmax.f32 v3, v6  }
0x136: {  	v3 =	vmax.f32 v4, v3  }
0x137: {  	[tilespmem:s16+$0x12020] =	vst v3  }
0x138: {  	v3 =	vld [tilespmem:s22+$0x2130]  }
0x139: {  	v4 =	vld [tilespmem:s22+$0x20B0]  }
0x13a: {  	v5 =	vld [tilespmem:s22+$0x2030]  }
0x13b: {  	v6 =	vld [tilespmem:s22+$0x21B0];
	_ =	sdelay $0x3  }
0x13c: {  	v4 =	vmax.f32 v5, v4  }
0x13d: {  	v3 =	vmax.f32 v3, v6  }
0x13e: {  	v3 =	vmax.f32 v4, v3  }
0x13f: {  	[tilespmem:s16+$0x12030] =	vst v3  }
0x140: {  	v3 =	vld [tilespmem:s22+$0x20C0]  }
0x141: {  	v4 =	vld [tilespmem:s22+$0x21C0]  }
0x142: {  	v5 =	vld [tilespmem:s22+$0x2140]  }
0x143: {  	v6 =	vld [tilespmem:s22+$0x2040];
	_ =	sdelay $0x3  }
0x144: {  	v4 =	vmax.f32 v5, v4  }
0x145: {  	v3 =	vmax.f32 v6, v3  }
0x146: {  	v3 =	vmax.f32 v3, v4  }
0x147: {  	[tilespmem:s16+$0x12040] =	vst v3  }
0x148: {  	v3 =	vld [tilespmem:s22+$0x21D0]  }
0x149: {  	v4 =	vld [tilespmem:s22+$0x20D0]  }
0x14a: {  	v5 =	vld [tilespmem:s22+$0x2050]  }
0x14b: {  	v6 =	vld [tilespmem:s22+$0x2150];
	_ =	sdelay $0x3  }
0x14c: {  	v4 =	vmax.f32 v5, v4  }
0x14d: {  	v3 =	vmax.f32 v6, v3  }
0x14e: {  	v3 =	vmax.f32 v4, v3  }
0x14f: {  	[tilespmem:s16+$0x12050] =	vst v3  }
0x150: {  	v3 =	vld [tilespmem:s22+$0x2160]  }
0x151: {  	v4 =	vld [tilespmem:s22+$0x20E0]  }
0x152: {  	v5 =	vld [tilespmem:s22+$0x2060]  }
0x153: {  	v6 =	vld [tilespmem:s22+$0x21E0];
	_ =	sdelay $0x3  }
0x154: {  	v4 =	vmax.f32 v5, v4  }
0x155: {  	v3 =	vmax.f32 v3, v6  }
0x156: {  	v3 =	vmax.f32 v4, v3  }
0x157: {  	[tilespmem:s16+$0x12060] =	vst v3  }
0x158: {  	v3 =	vld [tilespmem:s22+$0x2070]  }
0x159: {  	v4 =	vld [tilespmem:s22+$0x2170]  }
0x15a: {  	v5 =	vld [tilespmem:s22+$0x20F0]  }
0x15b: {  	v6 =	vld [tilespmem:s22+$0x21F0];
	_ =	sdelay $0x2  }
0x15c: {  	s22 =	simm.s32 $0x1  }
0x15d: {  	s22 =	simm.s32 @!p1 $0x0;
	v3 =	vmax.f32 v3, v5  }
0x15e: {  	s22 =	sshll.u32 s22, $0x9;
	v4 =	vmax.f32 v4, v6  }
0x15f: {  	s23 =	sadd.s32 s22, s21;
	v3 =	vmax.f32 v3, v4  }
0x160: {  	s21 =	sor.u32 $0x400, s23;
	s22 =	sadd.s32 $0x80, s23;
	s24 =	sadd.s32 $0x100, s23;
	[tilespmem:s16+$0x12070] =	vst v3  }
0x161: {  	s25 =	sadd.s32 $0x180, s23;
	v5 =	vld [tilespmem:s21+$0x2000];
	s21 =	sor.u32 $0x400, s22  }
0x162: {  	v6 =	vld [tilespmem:s21+$0x2000];
	s21 =	sor.u32 $0x400, s24  }
.Ltmp0:
0x163: {  	v3 =	vld [tilespmem:s21+$0x2000];
	s21 =	sor.u32 $0x400, s25;
	(pc) =	sbr.rel @p2 .LBB2_3-.Ltmp0, $2  }
0x164: {  	v4 =	vld [tilespmem:s21+$0x2000];
	_ =	sdelay $0x2  }
0x165: {  	s19 =	sadd.s32 $0x200, s19;
	v5 =	vmax.f32 v5, v6  }
0x166: {  	_ = 	snop  }
0x167: {  	v3 =	vmax.f32 v3, v4  }
0x168: {  	v3 =	vmax.f32 v5, v3  }
0x169: {  	s17 =	sor.u32 $0x410, s25;
	[tilespmem:s16+$0x12400] =	vst v3  }
0x16a: {  	s18 =	sor.u32 $0x410, s23;
	v3 =	vld [tilespmem:s17+$0x2000]  }
0x16b: {  	s21 =	sor.u32 $0x410, s24;
	v4 =	vld [tilespmem:s18+$0x2000]  }
0x16c: {  	s26 =	sor.u32 $0x410, s22;
	v5 =	vld [tilespmem:s21+$0x2000]  }
0x16d: {  	v6 =	vld [tilespmem:s26+$0x2000];
	_ =	sdelay $0x4  }
0x16e: {  	v3 =	vmax.f32 v5, v3;
	v4 =	vmax.f32 v4, v6  }
0x16f: {  	v3 =	vmax.f32 v4, v3  }
0x170: {  	s28 =	sor.u32 $0x420, s23;
	[tilespmem:s16+$0x12410] =	vst v3  }
0x171: {  	s29 =	sor.u32 $0x420, s22;
	v3 =	vld [tilespmem:s28+$0x2000]  }
0x172: {  	s18 =	sor.u32 $0x420, s24;
	v4 =	vld [tilespmem:s29+$0x2000]  }
0x173: {  	s19 =	sor.u32 $0x420, s25;
	v5 =	vld [tilespmem:s18+$0x2000]  }
0x174: {  	v6 =	vld [tilespmem:s19+$0x2000];
	_ =	sdelay $0x4  }
0x175: {  	v3 =	vmax.f32 v3, v4;
	v4 =	vmax.f32 v5, v6  }
0x176: {  	v3 =	vmax.f32 v3, v4  }
0x177: {  	s20 =	sor.u32 $0x430, s23;
	[tilespmem:s16+$0x12420] =	vst v3  }
0x178: {  	s21 =	sor.u32 $0x430, s25;
	v3 =	vld [tilespmem:s20+$0x2000]  }
0x179: {  	s23 =	sor.u32 $0x430, s22;
	v4 =	vld [tilespmem:s21+$0x2000]  }
0x17a: {  	s24 =	sor.u32 $0x430, s24;
	v5 =	vld [tilespmem:s23+$0x2000]  }
0x17b: {  	v6 =	vld [tilespmem:s24+$0x2000];
	_ =	sdelay $0x4  }
0x17c: {  	v3 =	vmax.f32 v3, v5;
	v4 =	vmax.f32 v6, v4  }
0x17d: {  	s25 =	sshll.u32 s14, $0xB;
	s28 =	smin.u32 s15, $0x3D;
	v3 =	vmax.f32 v3, v4  }
0x17e: {  	s26 =	simm.s32 $0x12000;
	s17 =	sshll.u32 s28, $0x7;
	[tilespmem:s16+$0x12430] =	vst v3;
	s16 =	sadd.s32 s25, s5  }
0x17f: {  	[hbm4b:s16+s2] =	stream.linear.scatter [tilespmem:s26], [sflag:$0x3], $0x2000, $0x38;
	[tilespmem:$0x16000] =	vst v63  }
0x180: {  	v3 =	vld [tilespmem:s17+$0x100];
	_ =	sdelay $0x4  }
0x181: {  	v4 =	vshll.u32 v3, $0x1  }
0x182: {  	v3 =	vand.u32 $0x7, v3;
	v4 =	vand.u32 $0xFFFFFFF0, v4  }
0x183: {  	v3 =	vor.u32 v3, v4  }
0x184: {  	v4 =	vperm.xlane v3, v0;
	_ =	sdelay $0x1  }
0x185: {  	v3 =	vperm.xlane v3, v2;
	v4 =	vadd.s32 v1, v4;
	_ =	sdelay $0x1  }
0x186: {  	v3 =	vadd.s32 v1, v3;
	_ =	sdelay $0x1  }
0x187: {  	s29 =	simm.s32 $0x2000  }
0x188: {  	[tilespmem:s29], [sflag:$0x1] =	stream.indirect_vreg.gather [hbm4b:s3+s2], $0x80, v4, vm0, $0xb8;
	[tilespmem:$0x16000] =	vst v63  }
0x189: {  	s19 =	simm.s32 $0x2800  }
0x18a: {  	[tilespmem:s19], [sflag:$0x1] =	stream.indirect_vreg.gather [hbm4b:s3+s2], $0x80, v3, vm0, $0xb8;
	[tilespmem:$0x16000] =	vst v63  }
0x18b: {  	v3 =	vld [tilespmem:s17+$0x110];
	_ =	sdelay $0x4  }
0x18c: {  	v4 =	vshll.u32 v3, $0x1  }
0x18d: {  	v3 =	vand.u32 $0x7, v3;
	v4 =	vand.u32 $0xFFFFFFF0, v4  }
0x18e: {  	v3 =	vor.u32 v3, v4  }
0x18f: {  	v4 =	vperm.xlane v3, v0;
	_ =	sdelay $0x1  }
0x190: {  	v3 =	vperm.xlane v3, v2;
	v4 =	vadd.s32 v1, v4;
	_ =	sdelay $0x1  }
0x191: {  	v3 =	vadd.s32 v1, v3;
	_ =	sdelay $0x1  }
0x192: {  	s20 =	simm.s32 $0x3000  }
0x193: {  	[tilespmem:s20], [sflag:$0x1] =	stream.indirect_vreg.gather [hbm4b:s3+s2], $0x80, v4, vm0, $0xb8;
	[tilespmem:$0x16000] =	vst v63  }
0x194: {  	s21 =	simm.s32 $0x3800  }
0x195: {  	[tilespmem:s21], [sflag:$0x1] =	stream.indirect_vreg.gather [hbm4b:s3+s2], $0x80, v3, vm0, $0xb8;
	[tilespmem:$0x16000] =	vst v63  }
0x196: {  	v3 =	vld [tilespmem:s17+$0x120];
	_ =	sdelay $0x4  }
0x197: {  	v4 =	vshll.u32 v3, $0x1  }
0x198: {  	v3 =	vand.u32 $0x7, v3;
	v4 =	vand.u32 $0xFFFFFFF0, v4  }
0x199: {  	v3 =	vor.u32 v3, v4  }
0x19a: {  	v4 =	vperm.xlane v3, v0;
	_ =	sdelay $0x1  }
0x19b: {  	v3 =	vperm.xlane v3, v2;
	v4 =	vadd.s32 v1, v4;
	_ =	sdelay $0x1  }
0x19c: {  	v3 =	vadd.s32 v1, v3;
	_ =	sdelay $0x1  }
0x19d: {  	s22 =	simm.s32 $0x4000  }
0x19e: {  	[tilespmem:s22], [sflag:$0x1] =	stream.indirect_vreg.gather [hbm4b:s3+s2], $0x80, v4, vm0, $0xb8;
	[tilespmem:$0x16000] =	vst v63  }
0x19f: {  	s23 =	simm.s32 $0x4800  }
0x1a0: {  	[tilespmem:s23], [sflag:$0x1] =	stream.indirect_vreg.gather [hbm4b:s3+s2], $0x80, v3, vm0, $0xb8;
	[tilespmem:$0x16000] =	vst v63  }
0x1a1: {  	v3 =	vld [tilespmem:s17+$0x130];
	_ =	sdelay $0x4  }
0x1a2: {  	v4 =	vshll.u32 v3, $0x1  }
0x1a3: {  	v3 =	vand.u32 $0x7, v3;
	v4 =	vand.u32 $0xFFFFFFF0, v4  }
0x1a4: {  	v3 =	vor.u32 v3, v4  }
0x1a5: {  	v4 =	vperm.xlane v3, v0;
	_ =	sdelay $0x1  }
0x1a6: {  	v3 =	vperm.xlane v3, v2;
	v4 =	vadd.s32 v1, v4;
	_ =	sdelay $0x1  }
0x1a7: {  	v3 =	vadd.s32 v1, v3;
	_ =	sdelay $0x1  }
0x1a8: {  	s24 =	simm.s32 $0x5000  }
0x1a9: {  	[tilespmem:s24], [sflag:$0x1] =	stream.indirect_vreg.gather [hbm4b:s3+s2], $0x80, v4, vm0, $0xb8;
	[tilespmem:$0x16000] =	vst v63  }
0x1aa: {  	s25 =	simm.s32 $0x5800  }
0x1ab: {  	[tilespmem:s25], [sflag:$0x1] =	stream.indirect_vreg.gather [hbm4b:s3+s2], $0x80, v3, vm0, $0xb8;
	[tilespmem:$0x16000] =	vst v63  }
0x1ac: {  	v3 =	vld [tilespmem:s17+$0x140];
	_ =	sdelay $0x4  }
0x1ad: {  	v4 =	vshll.u32 v3, $0x1  }
0x1ae: {  	v3 =	vand.u32 $0x7, v3;
	v4 =	vand.u32 $0xFFFFFFF0, v4  }
0x1af: {  	v3 =	vor.u32 v3, v4  }
0x1b0: {  	v4 =	vperm.xlane v3, v0;
	_ =	sdelay $0x1  }
0x1b1: {  	v3 =	vperm.xlane v3, v2;
	v4 =	vadd.s32 v1, v4;
	_ =	sdelay $0x1  }
0x1b2: {  	v3 =	vadd.s32 v1, v3;
	_ =	sdelay $0x1  }
0x1b3: {  	s26 =	simm.s32 $0x6000  }
0x1b4: {  	[tilespmem:s26], [sflag:$0x1] =	stream.indirect_vreg.gather [hbm4b:s3+s2], $0x80, v4, vm0, $0xb8;
	[tilespmem:$0x16000] =	vst v63  }
0x1b5: {  	s28 =	simm.s32 $0x6800  }
0x1b6: {  	[tilespmem:s28], [sflag:$0x1] =	stream.indirect_vreg.gather [hbm4b:s3+s2], $0x80, v3, vm0, $0xb8;
	[tilespmem:$0x16000] =	vst v63  }
0x1b7: {  	v3 =	vld [tilespmem:s17+$0x150];
	_ =	sdelay $0x4  }
0x1b8: {  	v4 =	vshll.u32 v3, $0x1  }
0x1b9: {  	v3 =	vand.u32 $0x7, v3;
	v4 =	vand.u32 $0xFFFFFFF0, v4  }
0x1ba: {  	v3 =	vor.u32 v3, v4  }
0x1bb: {  	v4 =	vperm.xlane v3, v0;
	_ =	sdelay $0x1  }
0x1bc: {  	v3 =	vperm.xlane v3, v2;
	v4 =	vadd.s32 v1, v4;
	_ =	sdelay $0x1  }
0x1bd: {  	v3 =	vadd.s32 v1, v3;
	_ =	sdelay $0x1  }
0x1be: {  	s29 =	simm.s32 $0x7000  }
0x1bf: {  	[tilespmem:s29], [sflag:$0x1] =	stream.indirect_vreg.gather [hbm4b:s3+s2], $0x80, v4, vm0, $0xb8;
	[tilespmem:$0x16000] =	vst v63  }
0x1c0: {  	s19 =	simm.s32 $0x7800  }
0x1c1: {  	[tilespmem:s19], [sflag:$0x1] =	stream.indirect_vreg.gather [hbm4b:s3+s2], $0x80, v3, vm0, $0xb8;
	[tilespmem:$0x16000] =	vst v63  }
0x1c2: {  	v3 =	vld [tilespmem:s17+$0x160];
	_ =	sdelay $0x4  }
0x1c3: {  	v4 =	vshll.u32 v3, $0x1  }
0x1c4: {  	v3 =	vand.u32 $0x7, v3;
	v4 =	vand.u32 $0xFFFFFFF0, v4  }
0x1c5: {  	v3 =	vor.u32 v3, v4  }
0x1c6: {  	v4 =	vperm.xlane v3, v0;
	_ =	sdelay $0x1  }
0x1c7: {  	v3 =	vperm.xlane v3, v2;
	v4 =	vadd.s32 v1, v4;
	_ =	sdelay $0x1  }
0x1c8: {  	v3 =	vadd.s32 v1, v3;
	_ =	sdelay $0x1  }
0x1c9: {  	s20 =	simm.s32 $0x8000  }
0x1ca: {  	[tilespmem:s20], [sflag:$0x1] =	stream.indirect_vreg.gather [hbm4b:s3+s2], $0x80, v4, vm0, $0xb8;
	[tilespmem:$0x16000] =	vst v63  }
0x1cb: {  	s21 =	simm.s32 $0x8800  }
0x1cc: {  	[tilespmem:s21], [sflag:$0x1] =	stream.indirect_vreg.gather [hbm4b:s3+s2], $0x80, v3, vm0, $0xb8;
	[tilespmem:$0x16000] =	vst v63  }
0x1cd: {  	v3 =	vld [tilespmem:s17+$0x170];
	_ =	sdelay $0x4  }
0x1ce: {  	v4 =	vshll.u32 v3, $0x1  }
0x1cf: {  	v3 =	vand.u32 $0x7, v3;
	v4 =	vand.u32 $0xFFFFFFF0, v4  }
0x1d0: {  	v3 =	vor.u32 v3, v4  }
0x1d1: {  	v4 =	vperm.xlane v3, v0;
	_ =	sdelay $0x1  }
0x1d2: {  	v3 =	vperm.xlane v3, v2;
	v4 =	vadd.s32 v1, v4;
	_ =	sdelay $0x1  }
0x1d3: {  	v3 =	vadd.s32 v1, v3;
	_ =	sdelay $0x1  }
0x1d4: {  	s22 =	simm.s32 $0x9000  }
0x1d5: {  	[tilespmem:s22], [sflag:$0x1] =	stream.indirect_vreg.gather [hbm4b:s3+s2], $0x80, v4, vm0, $0xb8;
	[tilespmem:$0x16000] =	vst v63  }
0x1d6: {  	s23 =	simm.s32 $0x9800  }
0x1d7: {  	[tilespmem:s23], [sflag:$0x1] =	stream.indirect_vreg.gather [hbm4b:s3+s2], $0x80, v3, vm0, $0xb8;
	[tilespmem:$0x16000] =	vst v63  }
0x1d8: {  	_ =	swait.ge [sflag:s13], $0x8000  }
0x1d9: {  	[sflag:s13] =	ssyncset.done $0x0  }
0x1da: {  	s17 =	simm.s32 @!p0 $0x4;
	[sflag:s13] =	ssyncadd.s32 $0xFFFF8000  }
0x1db: {  	s18 =	simm.s32 $0x0;
	_ =	swait.ge @!p0 [sflag:s17], $0x2000  }
0x1dc: {  	s19 =	sand.u32 $0x7800, s18;
	s20 =	sand.u32 $0x200, s18;
	[sflag:s17] =	ssyncset.done @!p0 $0x0  }
0x1dd: {  	s19 =	sor.u32 s20, s19;
	[sflag:s17] =	ssyncadd.s32 @!p0 $0xFFFFE000  }
0x1de: {  	v3 =	vld [tilespmem:s19+$0xA180]  }
0x1df: {  	v4 =	vld [tilespmem:s19+$0xA000]  }
0x1e0: {  	v5 =	vld [tilespmem:s19+$0xA100]  }
0x1e1: {  	v6 =	vld [tilespmem:s19+$0xA080];
	_ =	sdelay $0x4  }
0x1e2: {  	s24 =	sand.u32 $0x1800, s18;
	s25 =	sand.u32 $0x380, s18;
	v3 =	vmax.f32 v5, v3;
	v4 =	vmax.f32 v4, v6  }
0x1e3: {  	s17 =	sor.u32 s25, s24;
	v3 =	vmax.f32 v4, v3  }
0x1e4: {  	[tilespmem:s17+$0x14000] =	vst v3  }
0x1e5: {  	v3 =	vld [tilespmem:s19+$0xA190]  }
0x1e6: {  	v4 =	vld [tilespmem:s19+$0xA090]  }
0x1e7: {  	v5 =	vld [tilespmem:s19+$0xA010]  }
0x1e8: {  	v6 =	vld [tilespmem:s19+$0xA110];
	_ =	sdelay $0x4  }
0x1e9: {  	v4 =	vmax.f32 v5, v4;
	v3 =	vmax.f32 v6, v3  }
0x1ea: {  	v3 =	vmax.f32 v4, v3  }
0x1eb: {  	[tilespmem:s17+$0x14010] =	vst v3  }
0x1ec: {  	v3 =	vld [tilespmem:s19+$0xA120]  }
0x1ed: {  	v4 =	vld [tilespmem:s19+$0xA0A0]  }
0x1ee: {  	v5 =	vld [tilespmem:s19+$0xA020]  }
0x1ef: {  	v6 =	vld [tilespmem:s19+$0xA1A0];
	_ =	sdelay $0x4  }
0x1f0: {  	v4 =	vmax.f32 v5, v4;
	v3 =	vmax.f32 v3, v6  }
0x1f1: {  	v3 =	vmax.f32 v4, v3  }
0x1f2: {  	[tilespmem:s17+$0x14020] =	vst v3  }
0x1f3: {  	v3 =	vld [tilespmem:s19+$0xA130]  }
0x1f4: {  	v4 =	vld [tilespmem:s19+$0xA0B0]  }
0x1f5: {  	v5 =	vld [tilespmem:s19+$0xA030]  }
0x1f6: {  	v6 =	vld [tilespmem:s19+$0xA1B0];
	_ =	sdelay $0x4  }
0x1f7: {  	v4 =	vmax.f32 v5, v4;
	v3 =	vmax.f32 v3, v6  }
0x1f8: {  	v3 =	vmax.f32 v4, v3  }
0x1f9: {  	[tilespmem:s17+$0x14030] =	vst v3  }
0x1fa: {  	v3 =	vld [tilespmem:s19+$0xA0C0]  }
0x1fb: {  	v4 =	vld [tilespmem:s19+$0xA1C0]  }
0x1fc: {  	v5 =	vld [tilespmem:s19+$0xA140]  }
0x1fd: {  	v6 =	vld [tilespmem:s19+$0xA040];
	_ =	sdelay $0x4  }
0x1fe: {  	v4 =	vmax.f32 v5, v4;
	v3 =	vmax.f32 v6, v3  }
0x1ff: {  	v3 =	vmax.f32 v3, v4  }
0x200: {  	[tilespmem:s17+$0x14040] =	vst v3  }
0x201: {  	v3 =	vld [tilespmem:s19+$0xA1D0]  }
0x202: {  	v4 =	vld [tilespmem:s19+$0xA0D0]  }
0x203: {  	v5 =	vld [tilespmem:s19+$0xA050]  }
0x204: {  	v6 =	vld [tilespmem:s19+$0xA150];
	_ =	sdelay $0x4  }
0x205: {  	v4 =	vmax.f32 v5, v4;
	v3 =	vmax.f32 v6, v3  }
0x206: {  	v3 =	vmax.f32 v4, v3  }
0x207: {  	[tilespmem:s17+$0x14050] =	vst v3  }
0x208: {  	v3 =	vld [tilespmem:s19+$0xA160]  }
0x209: {  	v4 =	vld [tilespmem:s19+$0xA0E0]  }
0x20a: {  	v5 =	vld [tilespmem:s19+$0xA060]  }
0x20b: {  	v6 =	vld [tilespmem:s19+$0xA1E0];
	_ =	sdelay $0x4  }
0x20c: {  	v4 =	vmax.f32 v5, v4;
	v3 =	vmax.f32 v3, v6  }
0x20d: {  	v3 =	vmax.f32 v4, v3  }
0x20e: {  	[tilespmem:s17+$0x14060] =	vst v3  }
0x20f: {  	v3 =	vld [tilespmem:s19+$0xA070]  }
0x210: {  	v4 =	vld [tilespmem:s19+$0xA170]  }
0x211: {  	v5 =	vld [tilespmem:s19+$0xA0F0]  }
0x212: {  	v6 =	vld [tilespmem:s19+$0xA1F0];
	_ =	sdelay $0x2  }
0x213: {  	p0 =	por $0x0, $0x0;
	s19 =	simm.s32 $0x1  }
0x214: {  	s19 =	simm.s32 @!p0 $0x0  }
0x215: {  	s19 =	sshll.u32 s19, $0x9;
	v3 =	vmax.f32 v3, v5;
	v4 =	vmax.f32 v4, v6  }
0x216: {  	s24 =	sadd.s32 $0x0, s19;
	v3 =	vmax.f32 v3, v4  }
0x217: {  	s19 =	sor.u32 $0x400, s24;
	s23 =	sadd.s32 $0x80, s24;
	[tilespmem:s17+$0x14070] =	vst v3  }
0x218: {  	s25 =	sadd.s32 $0x100, s24;
	s26 =	sor.u32 $0x400, s23;
	v5 =	vld [tilespmem:s19+$0xA000]  }
0x219: {  	s28 =	sor.u32 $0x400, s25;
	v6 =	vld [tilespmem:s26+$0xA000];
	s26 =	sadd.s32 $0x180, s24  }
0x21a: {  	v3 =	vld [tilespmem:s28+$0xA000];
	s29 =	sor.u32 $0x400, s26  }
0x21b: {  	v4 =	vld [tilespmem:s29+$0xA000];
	_ =	sdelay $0x2  }
0x21c: {  	s20 =	simm.s32 $0x200;
	s21 =	simm.s32 $0x0;
	s19 =	simm.s32 $0x400;
	v5 =	vmax.f32 v5, v6  }
.LBB2_5:
0x21d: {  	s18 =	sadd.s32 $0x80, s18;
	s21 =	sadd.s32 $0x100, s21;
	p0 =	por !p0, !p0  }
0x21e: {  	p1 =	sne.s32 s19, $0x7C00;
	s22 =	smov.u32 s19;
	s19 =	sadd.s32 $0x400, s19;
	v3 =	vmax.f32 v3, v4  }
0x21f: {  	v3 =	vmax.f32 v5, v3  }
0x220: {  	s28 =	sor.u32 $0x410, s26;
	[tilespmem:s17+$0x14400] =	vst v3  }
0x221: {  	s29 =	sor.u32 $0x410, s24;
	v3 =	vld [tilespmem:s28+$0xA000]  }
0x222: {  	s28 =	sor.u32 $0x410, s25;
	v4 =	vld [tilespmem:s29+$0xA000]  }
0x223: {  	s29 =	sor.u32 $0x410, s23;
	v5 =	vld [tilespmem:s28+$0xA000]  }
0x224: {  	v6 =	vld [tilespmem:s29+$0xA000];
	_ =	sdelay $0x3  }
0x225: {  	v3 =	vmax.f32 v5, v3  }
0x226: {  	v4 =	vmax.f32 v4, v6  }
0x227: {  	v3 =	vmax.f32 v4, v3  }
0x228: {  	s28 =	sor.u32 $0x420, s24;
	[tilespmem:s17+$0x14410] =	vst v3  }
0x229: {  	v3 =	vld [tilespmem:s28+$0xA000];
	s28 =	sor.u32 $0x420, s23  }
0x22a: {  	v4 =	vld [tilespmem:s28+$0xA000];
	s28 =	sor.u32 $0x420, s25  }
0x22b: {  	v5 =	vld [tilespmem:s28+$0xA000];
	s28 =	sor.u32 $0x420, s26  }
0x22c: {  	v6 =	vld [tilespmem:s28+$0xA000];
	_ =	sdelay $0x2  }
0x22d: {  	v3 =	vmax.f32 v3, v4;
	_ =	sdelay $0x1  }
0x22e: {  	v4 =	vmax.f32 v5, v6  }
0x22f: {  	v3 =	vmax.f32 v3, v4  }
0x230: {  	s24 =	sor.u32 $0x430, s24;
	[tilespmem:s17+$0x14420] =	vst v3  }
0x231: {  	v3 =	vld [tilespmem:s24+$0xA000];
	s24 =	sor.u32 $0x430, s26  }
0x232: {  	s23 =	sor.u32 $0x430, s23;
	s25 =	sor.u32 $0x430, s25;
	v4 =	vld [tilespmem:s24+$0xA000]  }
0x233: {  	v5 =	vld [tilespmem:s23+$0xA000]  }
0x234: {  	v6 =	vld [tilespmem:s25+$0xA000];
	_ =	sdelay $0x3  }
0x235: {  	v3 =	vmax.f32 v3, v5  }
0x236: {  	v4 =	vmax.f32 v6, v4  }
0x237: {  	s24 =	sand.u32 $0x200, s20;
	s23 =	sand.u32 $0x7800, s22;
	v3 =	vmax.f32 v3, v4  }
0x238: {  	s23 =	sor.u32 s24, s23;
	[tilespmem:s17+$0x14430] =	vst v3  }
0x239: {  	v3 =	vld [tilespmem:s23+$0xA180]  }
0x23a: {  	v4 =	vld [tilespmem:s23+$0xA000]  }
0x23b: {  	v5 =	vld [tilespmem:s23+$0xA100]  }
0x23c: {  	v6 =	vld [tilespmem:s23+$0xA080];
	_ =	sdelay $0x3  }
0x23d: {  	v3 =	vmax.f32 v5, v3  }
0x23e: {  	s24 =	sand.u32 $0x380, s18;
	s17 =	sand.u32 $0x1800, s21;
	v4 =	vmax.f32 v4, v6  }
0x23f: {  	s17 =	sor.u32 s24, s17;
	v3 =	vmax.f32 v4, v3  }
0x240: {  	[tilespmem:s17+$0x14000] =	vst v3  }
0x241: {  	v3 =	vld [tilespmem:s23+$0xA190]  }
0x242: {  	v4 =	vld [tilespmem:s23+$0xA090]  }
0x243: {  	v5 =	vld [tilespmem:s23+$0xA010]  }
0x244: {  	v6 =	vld [tilespmem:s23+$0xA110];
	_ =	sdelay $0x3  }
0x245: {  	v4 =	vmax.f32 v5, v4  }
0x246: {  	v3 =	vmax.f32 v6, v3  }
0x247: {  	v3 =	vmax.f32 v4, v3  }
0x248: {  	[tilespmem:s17+$0x14010] =	vst v3  }
0x249: {  	v3 =	vld [tilespmem:s23+$0xA120]  }
0x24a: {  	v4 =	vld [tilespmem:s23+$0xA0A0]  }
0x24b: {  	v5 =	vld [tilespmem:s23+$0xA020]  }
0x24c: {  	v6 =	vld [tilespmem:s23+$0xA1A0];
	_ =	sdelay $0x3  }
0x24d: {  	v4 =	vmax.f32 v5, v4  }
0x24e: {  	v3 =	vmax.f32 v3, v6  }
0x24f: {  	v3 =	vmax.f32 v4, v3  }
0x250: {  	[tilespmem:s17+$0x14020] =	vst v3  }
0x251: {  	v3 =	vld [tilespmem:s23+$0xA130]  }
0x252: {  	v4 =	vld [tilespmem:s23+$0xA0B0]  }
0x253: {  	v5 =	vld [tilespmem:s23+$0xA030]  }
0x254: {  	v6 =	vld [tilespmem:s23+$0xA1B0];
	_ =	sdelay $0x3  }
0x255: {  	v4 =	vmax.f32 v5, v4  }
0x256: {  	v3 =	vmax.f32 v3, v6  }
0x257: {  	v3 =	vmax.f32 v4, v3  }
0x258: {  	[tilespmem:s17+$0x14030] =	vst v3  }
0x259: {  	v3 =	vld [tilespmem:s23+$0xA0C0]  }
0x25a: {  	v4 =	vld [tilespmem:s23+$0xA1C0]  }
0x25b: {  	v5 =	vld [tilespmem:s23+$0xA140]  }
0x25c: {  	v6 =	vld [tilespmem:s23+$0xA040];
	_ =	sdelay $0x3  }
0x25d: {  	v4 =	vmax.f32 v5, v4  }
0x25e: {  	v3 =	vmax.f32 v6, v3  }
0x25f: {  	v3 =	vmax.f32 v3, v4  }
0x260: {  	[tilespmem:s17+$0x14040] =	vst v3  }
0x261: {  	v3 =	vld [tilespmem:s23+$0xA1D0]  }
0x262: {  	v4 =	vld [tilespmem:s23+$0xA0D0]  }
0x263: {  	v5 =	vld [tilespmem:s23+$0xA050]  }
0x264: {  	v6 =	vld [tilespmem:s23+$0xA150];
	_ =	sdelay $0x3  }
0x265: {  	v4 =	vmax.f32 v5, v4  }
0x266: {  	v3 =	vmax.f32 v6, v3  }
0x267: {  	v3 =	vmax.f32 v4, v3  }
0x268: {  	[tilespmem:s17+$0x14050] =	vst v3  }
0x269: {  	v3 =	vld [tilespmem:s23+$0xA160]  }
0x26a: {  	v4 =	vld [tilespmem:s23+$0xA0E0]  }
0x26b: {  	v5 =	vld [tilespmem:s23+$0xA060]  }
0x26c: {  	v6 =	vld [tilespmem:s23+$0xA1E0];
	_ =	sdelay $0x3  }
0x26d: {  	v4 =	vmax.f32 v5, v4  }
0x26e: {  	v3 =	vmax.f32 v3, v6  }
0x26f: {  	v3 =	vmax.f32 v4, v3  }
0x270: {  	[tilespmem:s17+$0x14060] =	vst v3  }
0x271: {  	v3 =	vld [tilespmem:s23+$0xA070]  }
0x272: {  	v4 =	vld [tilespmem:s23+$0xA170]  }
0x273: {  	v5 =	vld [tilespmem:s23+$0xA0F0]  }
0x274: {  	v6 =	vld [tilespmem:s23+$0xA1F0];
	_ =	sdelay $0x2  }
0x275: {  	s23 =	simm.s32 $0x1  }
0x276: {  	s23 =	simm.s32 @!p0 $0x0;
	v3 =	vmax.f32 v3, v5  }
0x277: {  	s23 =	sshll.u32 s23, $0x9;
	v4 =	vmax.f32 v4, v6  }
0x278: {  	s24 =	sadd.s32 s23, s22;
	v3 =	vmax.f32 v3, v4  }
0x279: {  	s22 =	sor.u32 $0x400, s24;
	s23 =	sadd.s32 $0x80, s24;
	s25 =	sadd.s32 $0x100, s24;
	[tilespmem:s17+$0x14070] =	vst v3  }
0x27a: {  	s26 =	sadd.s32 $0x180, s24;
	v5 =	vld [tilespmem:s22+$0xA000];
	s22 =	sor.u32 $0x400, s23  }
0x27b: {  	v6 =	vld [tilespmem:s22+$0xA000];
	s22 =	sor.u32 $0x400, s25  }
.Ltmp1:
0x27c: {  	v3 =	vld [tilespmem:s22+$0xA000];
	s22 =	sor.u32 $0x400, s26;
	(pc) =	sbr.rel @p1 .LBB2_5-.Ltmp1, $2  }
0x27d: {  	v4 =	vld [tilespmem:s22+$0xA000];
	_ =	sdelay $0x2  }
0x27e: {  	s20 =	sadd.s32 $0x200, s20;
	v5 =	vmax.f32 v5, v6  }
0x27f: {  	_ = 	snop  }
0x280: {  	v3 =	vmax.f32 v3, v4  }
0x281: {  	v3 =	vmax.f32 v5, v3  }
0x282: {  	s18 =	sor.u32 $0x410, s26;
	[tilespmem:s17+$0x14400] =	vst v3  }
0x283: {  	s29 =	sor.u32 $0x410, s24;
	v3 =	vld [tilespmem:s18+$0xA000]  }
0x284: {  	s19 =	sor.u32 $0x410, s25;
	v47 =	vld [tilespmem:s29+$0xA000]  }
0x285: {  	s20 =	sor.u32 $0x410, s23;
	v48 =	vld [tilespmem:s19+$0xA000]  }
0x286: {  	v6 =	vld [tilespmem:s20+$0xA000];
	_ =	sdelay $0x4  }
0x287: {  	v3 =	vmax.f32 v48, v3;
	v4 =	vmax.f32 v47, v6  }
0x288: {  	v3 =	vmax.f32 v4, v3  }
0x289: {  	s21 =	sor.u32 $0x420, s24;
	[tilespmem:s17+$0x14410] =	vst v3  }
0x28a: {  	s22 =	sor.u32 $0x420, s23;
	v3 =	vld [tilespmem:s21+$0xA000]  }
0x28b: {  	s28 =	sor.u32 $0x420, s25;
	v49 =	vld [tilespmem:s22+$0xA000]  }
0x28c: {  	s29 =	sor.u32 $0x420, s26;
	v50 =	vld [tilespmem:s28+$0xA000]  }
0x28d: {  	v51 =	vld [tilespmem:s29+$0xA000];
	_ =	sdelay $0x4  }
0x28e: {  	v3 =	vmax.f32 v3, v49;
	v52 =	vmax.f32 v50, v51  }
0x28f: {  	v3 =	vmax.f32 v3, v52  }
0x290: {  	s19 =	sor.u32 $0x430, s24;
	[tilespmem:s17+$0x14420] =	vst v3  }
0x291: {  	s20 =	sor.u32 $0x430, s26;
	v3 =	vld [tilespmem:s19+$0xA000]  }
0x292: {  	s21 =	sor.u32 $0x430, s23;
	v53 =	vld [tilespmem:s20+$0xA000]  }
0x293: {  	s22 =	sor.u32 $0x430, s25;
	v54 =	vld [tilespmem:s21+$0xA000]  }
0x294: {  	v55 =	vld [tilespmem:s22+$0xA000];
	_ =	sdelay $0x4  }
0x295: {  	v3 =	vmax.f32 v3, v54;
	v4 =	vmax.f32 v55, v53  }
0x296: {  	s15 =	smin.u32 s15, $0x3C;
	v3 =	vmax.f32 v3, v4  }
0x297: {  	s16 =	sadd.s32 $0x400, s16;
	s15 =	sshll.u32 s15, $0x7;
	s23 =	simm.s32 $0x14000;
	[tilespmem:s17+$0x14430] =	vst v3  }
0x298: {  	[hbm4b:s16+s2] =	stream.linear.scatter [tilespmem:s23], [sflag:$0x4], $0x2000, $0x38;
	[tilespmem:$0x16000] =	vst v63  }
0x299: {  	v3 =	vld [tilespmem:s15+$0x180];
	_ =	sdelay $0x4  }
0x29a: {  	v56 =	vshll.u32 v3, $0x1  }
0x29b: {  	v3 =	vand.u32 $0x7, v3;
	v4 =	vand.u32 $0xFFFFFFF0, v56  }
0x29c: {  	v3 =	vor.u32 v3, v4  }
0x29d: {  	v4 =	vperm.xlane v3, v0;
	_ =	sdelay $0x1  }
0x29e: {  	v3 =	vperm.xlane v3, v2;
	v4 =	vadd.s32 v1, v4;
	_ =	sdelay $0x1  }
0x29f: {  	v3 =	vadd.s32 v1, v3;
	_ =	sdelay $0x1  }
0x2a0: {  	s24 =	simm.s32 $0xA000  }
0x2a1: {  	[tilespmem:s24], [sflag:$0x2] =	stream.indirect_vreg.gather [hbm4b:s3+s2], $0x80, v4, vm0, $0xb8;
	[tilespmem:$0x16000] =	vst v63  }
0x2a2: {  	s25 =	simm.s32 $0xA800  }
0x2a3: {  	[tilespmem:s25], [sflag:$0x2] =	stream.indirect_vreg.gather [hbm4b:s3+s2], $0x80, v3, vm0, $0xb8;
	[tilespmem:$0x16000] =	vst v63  }
0x2a4: {  	v3 =	vld [tilespmem:s15+$0x190];
	_ =	sdelay $0x4  }
0x2a5: {  	v57 =	vshll.u32 v3, $0x1  }
0x2a6: {  	v3 =	vand.u32 $0x7, v3;
	v4 =	vand.u32 $0xFFFFFFF0, v57  }
0x2a7: {  	v3 =	vor.u32 v3, v4  }
0x2a8: {  	v4 =	vperm.xlane v3, v0;
	_ =	sdelay $0x1  }
0x2a9: {  	v3 =	vperm.xlane v3, v2;
	v4 =	vadd.s32 v1, v4;
	_ =	sdelay $0x1  }
0x2aa: {  	v3 =	vadd.s32 v1, v3;
	_ =	sdelay $0x1  }
0x2ab: {  	s26 =	simm.s32 $0xB000  }
0x2ac: {  	[tilespmem:s26], [sflag:$0x2] =	stream.indirect_vreg.gather [hbm4b:s3+s2], $0x80, v4, vm0, $0xb8;
	[tilespmem:$0x16000] =	vst v63  }
0x2ad: {  	s28 =	simm.s32 $0xB800  }
0x2ae: {  	[tilespmem:s28], [sflag:$0x2] =	stream.indirect_vreg.gather [hbm4b:s3+s2], $0x80, v3, vm0, $0xb8;
	[tilespmem:$0x16000] =	vst v63  }
0x2af: {  	v3 =	vld [tilespmem:s15+$0x1A0];
	_ =	sdelay $0x4  }
0x2b0: {  	v58 =	vshll.u32 v3, $0x1  }
0x2b1: {  	v3 =	vand.u32 $0x7, v3;
	v4 =	vand.u32 $0xFFFFFFF0, v58  }
0x2b2: {  	v3 =	vor.u32 v3, v4  }
0x2b3: {  	v4 =	vperm.xlane v3, v0;
	_ =	sdelay $0x1  }
0x2b4: {  	v3 =	vperm.xlane v3, v2;
	v4 =	vadd.s32 v1, v4;
	_ =	sdelay $0x1  }
0x2b5: {  	v3 =	vadd.s32 v1, v3;
	_ =	sdelay $0x1  }
0x2b6: {  	s29 =	simm.s32 $0xC000  }
0x2b7: {  	[tilespmem:s29], [sflag:$0x2] =	stream.indirect_vreg.gather [hbm4b:s3+s2], $0x80, v4, vm0, $0xb8;
	[tilespmem:$0x16000] =	vst v63  }
0x2b8: {  	_ = 	snop  }
0x2b9: {  	[tilespmem:s30], [sflag:$0x2] =	stream.indirect_vreg.gather [hbm4b:s3+s2], $0x80, v3, vm0, $0xb8;
	[tilespmem:$0x16000] =	vst v63  }
0x2ba: {  	v3 =	vld [tilespmem:s15+$0x1B0];
	_ =	sdelay $0x4  }
0x2bb: {  	v59 =	vshll.u32 v3, $0x1  }
0x2bc: {  	v3 =	vand.u32 $0x7, v3;
	v4 =	vand.u32 $0xFFFFFFF0, v59  }
0x2bd: {  	v3 =	vor.u32 v3, v4  }
0x2be: {  	v4 =	vperm.xlane v3, v0;
	_ =	sdelay $0x1  }
0x2bf: {  	v3 =	vperm.xlane v3, v2;
	v4 =	vadd.s32 v1, v4;
	_ =	sdelay $0x1  }
0x2c0: {  	v3 =	vadd.s32 v1, v3;
	_ =	sdelay $0x2  }
0x2c1: {  	[tilespmem:s31], [sflag:$0x2] =	stream.indirect_vreg.gather [hbm4b:s3+s2], $0x80, v4, vm0, $0xb8;
	[tilespmem:$0x16000] =	vst v63  }
0x2c2: {  	_ = 	snop  }
0x2c3: {  	[tilespmem:s0], [sflag:$0x2] =	stream.indirect_vreg.gather [hbm4b:s3+s2], $0x80, v3, vm0, $0xb8;
	[tilespmem:$0x16000] =	vst v63  }
0x2c4: {  	v3 =	vld [tilespmem:s15+$0x1C0];
	_ =	sdelay $0x4  }
0x2c5: {  	v60 =	vshll.u32 v3, $0x1  }
0x2c6: {  	v3 =	vand.u32 $0x7, v3;
	v4 =	vand.u32 $0xFFFFFFF0, v60  }
0x2c7: {  	v3 =	vor.u32 v3, v4  }
0x2c8: {  	v4 =	vperm.xlane v3, v0;
	_ =	sdelay $0x1  }
0x2c9: {  	v3 =	vperm.xlane v3, v2;
	v4 =	vadd.s32 v1, v4;
	_ =	sdelay $0x1  }
0x2ca: {  	v3 =	vadd.s32 v1, v3;
	_ =	sdelay $0x2  }
0x2cb: {  	[tilespmem:s1], [sflag:$0x2] =	stream.indirect_vreg.gather [hbm4b:s3+s2], $0x80, v4, vm0, $0xb8;
	[tilespmem:$0x16000] =	vst v63  }
0x2cc: {  	_ = 	snop  }
0x2cd: {  	[tilespmem:s4], [sflag:$0x2] =	stream.indirect_vreg.gather [hbm4b:s3+s2], $0x80, v3, vm0, $0xb8;
	[tilespmem:$0x16000] =	vst v63  }
0x2ce: {  	v3 =	vld [tilespmem:s15+$0x1D0];
	_ =	sdelay $0x4  }
0x2cf: {  	v61 =	vshll.u32 v3, $0x1  }
0x2d0: {  	v3 =	vand.u32 $0x7, v3;
	v4 =	vand.u32 $0xFFFFFFF0, v61  }
0x2d1: {  	v3 =	vor.u32 v3, v4  }
0x2d2: {  	v4 =	vperm.xlane v3, v0;
	_ =	sdelay $0x1  }
0x2d3: {  	v3 =	vperm.xlane v3, v2;
	v4 =	vadd.s32 v1, v4;
	_ =	sdelay $0x1  }
0x2d4: {  	v3 =	vadd.s32 v1, v3;
	_ =	sdelay $0x2  }
0x2d5: {  	[tilespmem:s6], [sflag:$0x2] =	stream.indirect_vreg.gather [hbm4b:s3+s2], $0x80, v4, vm0, $0xb8;
	[tilespmem:$0x16000] =	vst v63  }
0x2d6: {  	_ = 	snop  }
0x2d7: {  	[tilespmem:s7], [sflag:$0x2] =	stream.indirect_vreg.gather [hbm4b:s3+s2], $0x80, v3, vm0, $0xb8;
	[tilespmem:$0x16000] =	vst v63  }
0x2d8: {  	v3 =	vld [tilespmem:s15+$0x1E0];
	_ =	sdelay $0x4  }
0x2d9: {  	v62 =	vshll.u32 v3, $0x1  }
0x2da: {  	v3 =	vand.u32 $0x7, v3;
	v4 =	vand.u32 $0xFFFFFFF0, v62  }
0x2db: {  	v3 =	vor.u32 v3, v4  }
0x2dc: {  	v4 =	vperm.xlane v3, v0;
	_ =	sdelay $0x1  }
0x2dd: {  	v3 =	vperm.xlane v3, v2;
	v4 =	vadd.s32 v1, v4;
	_ =	sdelay $0x1  }
0x2de: {  	v3 =	vadd.s32 v1, v3;
	_ =	sdelay $0x2  }
0x2df: {  	[tilespmem:s8], [sflag:$0x2] =	stream.indirect_vreg.gather [hbm4b:s3+s2], $0x80, v4, vm0, $0xb8;
	[tilespmem:$0x16000] =	vst v63  }
0x2e0: {  	_ = 	snop  }
0x2e1: {  	[tilespmem:s9], [sflag:$0x2] =	stream.indirect_vreg.gather [hbm4b:s3+s2], $0x80, v3, vm0, $0xb8;
	[tilespmem:$0x16000] =	vst v63  }
0x2e2: {  	v3 =	vld [tilespmem:s15+$0x1F0];
	_ =	sdelay $0x4  }
0x2e3: {  	v63 =	vshll.u32 v3, $0x1  }
0x2e4: {  	v3 =	vand.u32 $0x7, v3;
	v4 =	vand.u32 $0xFFFFFFF0, v63  }
0x2e5: {  	v3 =	vor.u32 v3, v4  }
0x2e6: {  	v4 =	vperm.xlane v3, v0;
	_ =	sdelay $0x1  }
0x2e7: {  	v3 =	vperm.xlane v3, v2;
	v4 =	vadd.s32 v1, v4  }
0x2e8: {  	s14 =	sadd.s32 $0x1, s14  }
0x2e9: {  	p0 =	sne.s32 s14, $0x20;
	v3 =	vadd.s32 v1, v3  }
.Ltmp2:
0x2ea: {  	_ = 	snop;
	(pc) =	sbr.rel @p0 .LBB2_2-.Ltmp2, $4  }
0x2eb: {  	_ = 	snop  }
0x2ec: {  	[tilespmem:s10], [sflag:$0x2] =	stream.indirect_vreg.gather [hbm4b:s3+s2], $0x80, v4, vm0, $0xb8;
	[tilespmem:$0x16000] =	vst v63  }
0x2ed: {  	_ = 	snop  }
0x2ee: {  	[tilespmem:s11], [sflag:$0x2] =	stream.indirect_vreg.gather [hbm4b:s3+s2], $0x80, v3, vm0, $0xb8;
	[tilespmem:$0x16000] =	vst v63  }
0x2ef: {  	_ =	swait.ge [sflag:s12], $0x8000  }
0x2f0: {  	[sflag:s12] =	ssyncset.done $0x0  }
0x2f1: {  	s14 =	simm.s32 $0x3;
	[sflag:s12] =	ssyncadd.s32 $0xFFFF8000  }
0x2f2: {  	_ =	swait.ge [sflag:s14], $0x2000  }
0x2f3: {  	[sflag:s14] =	ssyncset.done $0x0  }
0x2f4: {  	[sflag:s14] =	ssyncadd.s32 $0xFFFFE000  }
0x2f5: {  	_ =	swait.ge [sflag:s13], $0x8000  }
0x2f6: {  	[sflag:s13] =	ssyncset.done $0x0  }
0x2f7: {  	s15 =	simm.s32 $0x4;
	[sflag:s13] =	ssyncadd.s32 $0xFFFF8000  }
0x2f8: {  	_ =	swait.ge [sflag:s15], $0x2000  }
0x2f9: {  	s16 =	rddreg [dreg:$0x4]  }
0x2fa: {  	s29 =	rddreg [dreg:$0x3];
	s16 =	sadd.s32 $0x1, s16  }
0x2fb: {  	p0 =	sne.s32 s16, s29  }
.Ltmp3:
0x2fc: {  	_ = 	snop;
	(pc) =	sbr.rel @p0 .LBB2_1-.Ltmp3, $3  }
0x2fd: {  	_ =	sdelay $0x1  }
0x2fe: {  	[sflag:s15] =	ssyncset.done $0x0  }
0x2ff: {  	[sflag:s15] =	ssyncadd.s32 $0xFFFFE000  }
0x300: {  	_ =	sfence.sel $0x180000  }
0x301: {  	[bflag:$0x0] =	sbarrier.arrive $0xFFFF  }
0x302: {  	_ =	strace $0x90000047  }
0x303: {  	s0 =	stileid.u32;
	[bflag:$0x2] =	sbarrier.arrive $0xFFFF  }
0x304: {  	p0 =	sne.s32 s0, $0x0;
	s0 =	rddreg [dreg:$0x1]  }
0x305: {  	s0 =	sadd.s32 @!p0 $0x100000, s0  }
0x306: {  	[sflag:s0] =	ssyncadd.tile.s32 @!p0 $0x1;
	_ =	shalt  }
.Lfunc_end2:
_tile_overlayer_lowered:
.L_overlay_start_2:
0x307: {  	(tag) =	ssettag $0x2  }
0x308: {  	s0 =	rddreg [dreg:$0x0];
	s2 =	stileid.u32  }
0x309: {  	s1 =	rddreg [dreg:$0x1];
	p0 =	sne.s32 s2, $0x0  }
0x30a: {  	s3 =	rddreg [dreg:$0x2];
	[bflag:$0x3] =	sbarrier.arrive $0xFFFF;
	s2 =	simm.s32 @!p0 $0x1C05  }
0x30b: {  	[timem:s3], [sflag:s2] =	dma.local @!p0 [hbm:s0], s1  }
0x30c: {  	s0 =	simm.s32 @!p0 $0x5  }
0x30d: {  	_ =	swait.ge @!p0 [sflag:s0], s1  }
0x30e: {  	s1 =	ssub.s32 @!p0 $0x0, s1;
	[sflag:s0] =	ssyncset.done @!p0 $0x0  }
0x30f: {  	[sflag:s0] =	ssyncadd.s32 @!p0 s1  }
0x310: {  	[bflag:$0x3] =	sbarrier.arrive $0xFFFF  }
0x311: {  	_ =	shalt  }

</sc_bundles>
